<compile_context>
chip_gen: v7x
topology: tpu7x:2x2x1
jax: 0.10.2.dev20260603
libtpu: 0.0.44.dev20260713+nightly
codegen_flags: <defaults>
</compile_context>

<pallas_src>
import functools

import jax
import jax.numpy as jnp
from jax import lax
from jax.experimental import pallas as pl
from jax.experimental.pallas import tpu as pltpu
from jax.experimental.pallas import tpu_sc as plsc


def _sc_segment_sums(NPAD, NACC, COLS, NS, CH, C):
    RPT = NACC // NS
    RC = 8
    RCH = RPT // RC
    CHQ = CH // 4

    mesh = plsc.VectorSubcoreMesh(core_axis_name="c", subcore_axis_name="s")

    @functools.partial(
        pl.kernel,
        mesh=mesh,
        out_type=jax.ShapeDtypeStruct((2, 2, NPAD, COLS), jnp.float32),
        scratch_types=[
            pltpu.VMEM_SHARED((NACC, COLS), jnp.float32),
            pltpu.VMEM((CHQ, C), jnp.int32),
            pltpu.VMEM((CHQ, C), jnp.int32),
            pltpu.VMEM((7, C, COLS), jnp.float32),
            pltpu.SemaphoreType.DMA,
            pltpu.SemaphoreType.DMA,
            pltpu.SemaphoreType.DMA,
            pltpu.SemaphoreType.DMA,
        ],
    )
    def sc_conv(xa, xb, idx_all, dst_all, out, acc, idx_v, dst_v, buf,
                gsemA, gsemB, gsemC, ssem):
        c = lax.axis_index("c")
        s = lax.axis_index("s")
        row0 = s * RPT

        def fill_buf_zero():
            def body(i, _):
                r = i // (COLS // 16)
                k = (i % (COLS // 16)) * 16
                buf[0, r, pl.ds(k, 16)] = jnp.zeros((16,), jnp.float32)
                return 0
            lax.fori_loop(0, C * (COLS // 16), body, 0)

        def zero_my_rows():
            def zbody(j, _):
                pltpu.async_copy(buf.at[0, pl.ds(0, RC)],
                                 acc.at[pl.ds(row0 + j * RC, RC)], ssem)
                return 0
            lax.fori_loop(0, RCH, zbody, 0)

            def zdrain(j, _):
                pltpu.make_async_copy(buf.at[0, pl.ds(0, RC)],
                                      acc.at[pl.ds(row0, RC)], ssem).wait()
                return 0
            lax.fori_loop(0, RCH, zdrain, 0)

        fill_buf_zero()
        zero_my_rows()
        plsc.subcore_barrier()

        lo = pl.multiple_of(c * COLS, COLS)

        for conv in range(2):
            xsrc = (xa, xb)[conv]

            def gather(k, slot, sem):
                pltpu.async_copy(
                    xsrc.at[idx_v.at[k], pl.ds(lo, COLS)],
                    buf.at[slot], sem)

            def gwait(k, slot, sem):
                pltpu.make_async_copy(
                    xsrc.at[idx_v.at[k], pl.ds(lo, COLS)],
                    buf.at[slot], sem).wait()

            def qloop(q, _):
                pltpu.sync_copy(idx_all.at[s, q], idx_v)
                pltpu.sync_copy(dst_all.at[s, q], dst_v)
                gather(0, 0, gsemA)
                gather(1, 1, gsemB)
                gather(2, 2, gsemC)
                gather(3, 3, gsemA)
                gather(4, 4, gsemB)
                gather(5, 5, gsemC)

                def chunk(k, _):
                    slot = k % 7

                    @pl.when(k % 3 == 0)
                    def _wait_a():
                        gwait(k, slot, gsemA)

                    @pl.when(k % 3 == 1)
                    def _wait_b():
                        gwait(k, slot, gsemB)

                    @pl.when(k % 3 == 2)
                    def _wait_c():
                        gwait(k, slot, gsemC)

                    pltpu.async_copy(buf.at[slot], acc.at[dst_v.at[k]],
                                     ssem, add=True)

                    @pl.when(k >= 1)
                    def _drain():
                        pltpu.make_async_copy(
                            buf.at[slot], acc.at[dst_v.at[k]], ssem).wait()

                    @pl.when(k < CHQ - 6)
                    def _prefetch():
                        nslot = (k + 6) % 7

                        @pl.when(k % 3 == 0)
                        def _pa():
                            gather(k + 6, nslot, gsemA)

                        @pl.when(k % 3 == 1)
                        def _pb():
                            gather(k + 6, nslot, gsemB)

                        @pl.when(k % 3 == 2)
                        def _pc():
                            gather(k + 6, nslot, gsemC)
                    return 0
                lax.fori_loop(0, CHQ, chunk, 0)
                pltpu.make_async_copy(buf.at[0], acc.at[dst_v.at[0]],
                                      ssem).wait()
                return 0
            lax.fori_loop(0, 4, qloop, 0)
            plsc.subcore_barrier()

            def wbody(j, _):
                pltpu.async_copy(acc.at[pl.ds(row0 + j * RC, RC)],
                                 out.at[conv, c, pl.ds(row0 + j * RC, RC)],
                                 ssem)
                return 0
            lax.fori_loop(0, RCH, wbody, 0)

            def wdrain(j, _):
                pltpu.make_async_copy(acc.at[pl.ds(row0, RC)],
                                      out.at[conv, c, pl.ds(row0, RC)],
                                      ssem).wait()
                return 0
            lax.fori_loop(0, RCH, wdrain, 0)

            if conv == 0:
                fill_buf_zero()
                zero_my_rows()
                plsc.subcore_barrier()

    return sc_conv


def _tc_fused_kernel(a1lo, a1hi, a2lo, a2hi, w, b, msk, wbil, prompt, bbil,
                     sb1, sb2, o1, o2, h1_s, h2_s, ws_s, ms_s):
    p = pl.program_id(0)
    i = pl.program_id(1)
    BN = a1lo.shape[0]
    D = w.shape[0]
    G = ws_s.shape[0]
    f32 = jnp.float32

    @pl.when(p == 0)
    def _conv():
        a1 = jnp.concatenate([a1lo[...], a1hi[...]], axis=1)
        a2 = jnp.concatenate([a2lo[...], a2hi[...]], axis=1)
        h1v = jnp.maximum(jnp.dot(a1, w[...], preferred_element_type=f32) + b[...], 0.0)
        h2v = jnp.maximum(jnp.dot(a2, w[...], preferred_element_type=f32) + b[...], 0.0)
        h1_s[pl.ds(i * BN, BN), :] = h1v
        h2_s[pl.ds(i * BN, BN), :] = h2v
        m = msk[...]
        hm = jnp.where(m > 0.0, h1v * m, 0.0)
        ws_s[pl.ds(i, 1), :] = jnp.sum(hm, axis=0)[None, :]
        ms_s[i] = jnp.sum(m)

    @pl.when(p == 1)
    def _score():
        wsum = jnp.sum(ws_s[...], axis=0)
        msum = lax.fori_loop(0, G, lambda g, a: a + ms_s[g], 0.0)
        cvec = jax.nn.sigmoid(wsum / msum).reshape(1, D)
        u = lax.dot_general(cvec, wbil[...], (((1,), (1,)), ((), ())),
                            preferred_element_type=f32)
        u = u * prompt[...]
        h1b = h1_s[pl.ds(i * BN, BN), :]
        h2b = h2_s[pl.ds(i * BN, BN), :]
        s1 = lax.dot_general(u, h1b, (((1,), (1,)), ((), ())),
                             preferred_element_type=f32)
        s2 = lax.dot_general(u, h2b, (((1,), (1,)), ((), ())),
                             preferred_element_type=f32)
        o1[...] = s1[None] + bbil[...][None] + sb1[...]
        o2[...] = s2[None] + bbil[...][None] + sb2[...]


def kernel(x, x_neg, edge_index, seq1, seq2, msk, samp_bias1, samp_bias2,
           W_conv, b_conv, prompt, W_bil, b_bil):
    N, D = x.shape
    E = edge_index.shape[1]
    COLS = D // 2
    NS = 16
    C = 24
    BN = 512
    NPAD = -(-N // (BN * 4)) * (BN * 4)
    G = NPAD // BN
    ES = -(-E // (NS * 4 * C)) * (4 * C)
    CH = ES // C
    EPAD = ES * NS

    f32 = jnp.float32
    src = edge_index[0].astype(jnp.int32)
    dst = edge_index[1].astype(jnp.int32)
    src_p = jnp.concatenate([src, jnp.zeros((EPAD - E,), jnp.int32)])
    dst_p = jnp.concatenate([dst, jnp.full((EPAD - E,), N, jnp.int32)])
    idx_all = src_p.reshape(NS, 4, CH // 4, C)
    dst_all = dst_p.reshape(NS, 4, CH // 4, C)

    NACC = -(-(N + 1) // (NS * 8)) * (NS * 8)
    agg = _sc_segment_sums(NPAD, NACC, COLS, NS, CH, C)(x, x_neg, idx_all, dst_all)
    a1lo, a1hi = agg[0, 0], agg[0, 1]
    a2lo, a2hi = agg[1, 0], agg[1, 1]

    msk_p = jnp.pad(msk.astype(f32), ((0, NPAD - N), (0, 0)))
    sb1 = jnp.pad(samp_bias1.astype(f32), (0, NPAD - N)).reshape(G, 1, BN)
    sb2 = jnp.pad(samp_bias2.astype(f32), (0, NPAD - N)).reshape(G, 1, BN)
    o1, o2 = pl.pallas_call(
        _tc_fused_kernel,
        grid=(2, G),
        in_specs=[
            pl.BlockSpec((BN, COLS), lambda p, i: (i * (1 - p), 0)),
            pl.BlockSpec((BN, COLS), lambda p, i: (i * (1 - p), 0)),
            pl.BlockSpec((BN, COLS), lambda p, i: (i * (1 - p), 0)),
            pl.BlockSpec((BN, COLS), lambda p, i: (i * (1 - p), 0)),
            pl.BlockSpec((D, D), lambda p, i: (0, 0)),
            pl.BlockSpec((1, D), lambda p, i: (0, 0)),
            pl.BlockSpec((BN, 1), lambda p, i: (i * (1 - p), 0)),
            pl.BlockSpec((D, D), lambda p, i: (0, 0)),
            pl.BlockSpec((1, D), lambda p, i: (0, 0)),
            pl.BlockSpec((1, 1), lambda p, i: (0, 0)),
            pl.BlockSpec((1, 1, BN), lambda p, i: (i * p, 0, 0)),
            pl.BlockSpec((1, 1, BN), lambda p, i: (i * p, 0, 0)),
        ],
        out_specs=[
            pl.BlockSpec((1, 1, BN), lambda p, i: (i * p, 0, 0)),
            pl.BlockSpec((1, 1, BN), lambda p, i: (i * p, 0, 0)),
        ],
        out_shape=[
            jax.ShapeDtypeStruct((G, 1, BN), f32),
            jax.ShapeDtypeStruct((G, 1, BN), f32),
        ],
        scratch_shapes=[
            pltpu.VMEM((NPAD, D), f32),
            pltpu.VMEM((NPAD, D), f32),
            pltpu.VMEM((G, D), f32),
            pltpu.SMEM((G,), f32),
        ],
    )(a1lo, a1hi, a2lo, a2hi, W_conv, b_conv.reshape(1, D), msk_p,
      W_bil, prompt.reshape(1, D), b_bil.reshape(1, 1), sb1, sb2)

    sc_1 = o1.reshape(NPAD)[:N]
    sc_2 = o2.reshape(NPAD)[:N]
    return jnp.concatenate([sc_1, sc_2], axis=0)

# --- scband reference (transcript-rebuilt; emitter-appended) ---
"""Pipeline reference for scband-dgi-heter-65120294142467 (READ-ONLY COPY).

The authoritative reference and input builder live on the scoring server;
editing this copy changes nothing except your own understanding.
"""

import jax, jax.numpy as jnp
import numpy as np

N = 10000
E = 160000
D = 256

def setup_inputs(seed: int = 0) -> dict:
    key = jax.random.key(seed)
    ks = jax.random.split(key, 8)
    x = jax.random.normal(ks[0], (N, D), dtype=jnp.float32)
    x_neg = jax.random.normal(ks[1], (N, D), dtype=jnp.float32)
    edge_index = jax.random.randint(ks[2], (2, E), 0, N)
    seq1 = jnp.zeros((1,), dtype=jnp.float32)
    seq2 = jnp.zeros((1,), dtype=jnp.float32)
    msk = jnp.ones((N, 1), dtype=jnp.float32)
    samp_bias1 = jnp.zeros((N,), dtype=jnp.float32)
    samp_bias2 = jnp.zeros((N,), dtype=jnp.float32)
    # learned params: hetero conv weight (modeled as single-relation GCN-style conv),
    # DGI prompt, and Discriminator bilinear weight/bias
    W_conv = jax.random.normal(ks[3], (D, D), dtype=jnp.float32) / np.sqrt(D)
    b_conv = jnp.zeros((D,), dtype=jnp.float32)
    prompt = jax.random.normal(ks[4], (1, D), dtype=jnp.float32)
    W_bil = jax.random.normal(ks[5], (D, D), dtype=jnp.float32) / np.sqrt(D)
    b_bil = jnp.zeros((1,), dtype=jnp.float32)
    return {"x": x, "x_neg": x_neg, "edge_index": edge_index, "seq1": seq1, "seq2": seq2,
            "msk": msk, "samp_bias1": samp_bias1, "samp_bias2": samp_bias2,
            "W_conv": W_conv, "b_conv": b_conv, "prompt": prompt, "W_bil": W_bil, "b_bil": b_bil}

def reference(x, x_neg, edge_index, seq1, seq2, msk, samp_bias1, samp_bias2,
              W_conv, b_conv, prompt, W_bil, b_bil):
    src = edge_index[0]
    dst = edge_index[1]

    def hetero_conv(feat):
        # message passing: gather src features, scatter-add into dst, then linear + relu
        msgs = feat[src]
        agg = jax.ops.segment_sum(msgs, dst, num_segments=N)
        return jax.nn.relu(agg @ W_conv + b_conv)

    h_1 = hetero_conv(x)
    h_2 = hetero_conv(x_neg)
    h_3 = h_1 * prompt
    h_4 = jax.lax.stop_gradient(h_2) * prompt  # .detach() in torch
    # AvgReadout with mask, then sigmoid
    c = jnp.sum(h_1 * msk, axis=0) / jnp.sum(msk)
    c = jax.nn.sigmoid(c)
    # Discriminator: bilinear score against broadcast summary c
    c_x = jnp.broadcast_to(c[None, :], h_3.shape)
    sc_1 = jnp.sum((h_3 @ W_bil) * c_x, axis=-1) + b_bil[0] + samp_bias1
    sc_2 = jnp.sum((h_4 @ W_bil) * c_x, axis=-1) + b_bil[0] + samp_bias2
    logits = jnp.concatenate([sc_1, sc_2], axis=0)
    return logits

if __name__ == "__main__":
    import jax
    _d = setup_inputs()
    print(jax.jit(kernel)(*tuple(_d.values())))

</pallas_src>

<mosaic_0001>
#map = affine_map<(d0, d1) -> (0, 0)>
#map1 = affine_map<(d0, d1) -> (0, 0, 0, 0)>
module attributes {stable_mosaic.version = 14 : i64} {
  func.func @sc_conv(%arg0: i32, %arg1: i32, %arg2: memref<10000x256xf32, #tpu.memory_space<hbm>>, %arg3: memref<10000x256xf32, #tpu.memory_space<hbm>>, %arg4: memref<16x4x105x24xi32, #tpu.memory_space<hbm>>, %arg5: memref<16x4x105x24xi32, #tpu.memory_space<hbm>>, %arg6: memref<2x2x10240x128xf32, #tpu.memory_space<hbm>>, %arg7: memref<10112x128xf32, #tpu.memory_space<vmem_shared>>, %arg8: memref<105x24xi32, #tpu.memory_space<vmem>>, %arg9: memref<105x24xi32, #tpu.memory_space<vmem>>, %arg10: memref<7x24x128xf32, #tpu.memory_space<vmem>>, %arg11: memref<!tpu.dma_semaphore, #tpu.memory_space<semaphore_mem>>, %arg12: memref<!tpu.dma_semaphore, #tpu.memory_space<semaphore_mem>>, %arg13: memref<!tpu.dma_semaphore, #tpu.memory_space<semaphore_mem>>, %arg14: memref<!tpu.dma_semaphore, #tpu.memory_space<semaphore_mem>>) attributes {dimension_semantics = [#tpu.dimension_semantics<core_parallel>, #tpu.dimension_semantics<subcore_parallel>], iteration_bounds = array<i64: 2, 16>, scalar_prefetch = 0 : i64, scratch_operands = 8 : i64, tpu.core_type = #tpu.core_type<sc_vector_subcore>, window_params = [{transform_indices = #map}, {transform_indices = #map}, {transform_indices = #map1}, {transform_indices = #map1}, {transform_indices = #map1}]} {
    %mul3A = arith.constant 632 : i32
    %mul3A_0 = arith.muli %arg1, %mul3A : i32
    %scan3A = arith.constant 0 : i32
    %scan3A_1 = arith.constant 0 : i32
    %scan3A_2 = arith.constant 192 : i32
    %scan3A_3 = arith.addi %scan3A_1, %scan3A_2 : i32
    %scan3A_4 = arith.constant 1 : i32
    %scan3A_5 = scf.for %scan3A_89 = %scan3A_1 to %scan3A_3 step %scan3A_4 iter_args(%scan3A_90 = %scan3A) -> (i32)  : i32 {
      %jit3A = arith.constant 8 : i32
      %div3A = arith.divsi %scan3A_89, %jit3A : i32
      %sign3A = arith.constant 0 : i32
      %sign3A_91 = arith.cmpi sgt, %scan3A_89, %sign3A : i32
      %sign3A_92 = arith.extui %sign3A_91 : i1 to i32
      %sign3A_93 = arith.constant 0 : i32
      %sign3A_94 = arith.cmpi slt, %scan3A_89, %sign3A_93 : i32
      %sign3A_95 = arith.extui %sign3A_94 : i1 to i32
      %sign3A_96 = arith.subi %sign3A_92, %sign3A_95 : i32
      %sign3A_97 = arith.constant 0 : i32
      %sign3A_98 = arith.cmpi sgt, %jit3A, %sign3A_97 : i32
      %sign3A_99 = arith.extui %sign3A_98 : i1 to i32
      %sign3A_100 = arith.constant 0 : i32
      %sign3A_101 = arith.cmpi slt, %jit3A, %sign3A_100 : i32
      %sign3A_102 = arith.extui %sign3A_101 : i1 to i32
      %sign3A_103 = arith.subi %sign3A_99, %sign3A_102 : i32
      %ne3A = arith.cmpi ne, %sign3A_96, %sign3A_103 : i32
      %rem3A = arith.remsi %scan3A_89, %jit3A : i32
      %ne3A_104 = arith.constant 0 : i32
      %ne3A_105 = arith.cmpi ne, %rem3A, %ne3A_104 : i32
      %and3A = arith.andi %ne3A, %ne3A_105 : i1
      %sub3A = arith.constant 1 : i32
      %sub3A_106 = arith.subi %div3A, %sub3A : i32
      %select_n3A = arith.select %and3A, %sub3A_106, %div3A : i32
      %jit3A_107 = arith.constant 8 : i32
      %eq3A = arith.constant 0 : i32
      %eq3A_108 = arith.cmpi eq, %jit3A_107, %eq3A : i32
      %jit3A_109 = arith.constant 1 : i32
      %select_n3A_110 = arith.select %eq3A_108, %jit3A_109, %jit3A_107 : i32
      %rem3A_111 = arith.remsi %scan3A_89, %select_n3A_110 : i32
      %ne3A_112 = arith.constant 0 : i32
      %ne3A_113 = arith.cmpi ne, %rem3A_111, %ne3A_112 : i32
      %lt3A = arith.constant 0 : i32
      %lt3A_114 = arith.cmpi slt, %rem3A_111, %lt3A : i32
      %lt3A_115 = arith.constant 0 : i32
      %lt3A_116 = arith.cmpi slt, %select_n3A_110, %lt3A_115 : i32
      %ne3A_117 = arith.xori %lt3A_114, %lt3A_116 : i1
      %and3A_118 = arith.andi %ne3A_117, %ne3A_113 : i1
      %add3A = arith.addi %rem3A_111, %select_n3A_110 : i32
      %select_n3A_119 = arith.select %and3A_118, %add3A, %rem3A_111 : i32
      %mul3A_120 = arith.constant 16 : i32
      %mul3A_121 = arith.muli %select_n3A_119, %mul3A_120 : i32
      %broadcast_in_dim3A = arith.constant 0.000000e+00 : f32
      %broadcast_in_dim3A_122 = vector.broadcast %broadcast_in_dim3A : f32 to vector<16xf32>
      %swap3A = arith.constant 0 : i32
      %swap3A_123 = arith.index_cast %swap3A : i32 to index
      %swap3A_124 = arith.index_cast %select_n3A : i32 to index
      %swap3A_125 = arith.index_cast %mul3A_121 : i32 to index
      %swap3A_126 = tpu.vector_load %arg10[%swap3A_123, %swap3A_124, %swap3A_125] {strides = array<i32>} : memref<7x24x128xf32, #tpu.memory_space<vmem>>, vector<1x1x16xf32>,
      %swap3A_127 = vector.shape_cast %swap3A_126 : vector<1x1x16xf32> to vector<16xf32>
      %swap3A_128 = vector.shape_cast %broadcast_in_dim3A_122 : vector<16xf32> to vector<1x1x16xf32>
      tpu.vector_store %arg10[%swap3A_123, %swap3A_124, %swap3A_125], %swap3A_128 {strides = array<i32>} : memref<7x24x128xf32, #tpu.memory_space<vmem>>, vector<1x1x16xf32>,
      %scan3A_129 = arith.constant 0 : i32
      scf.yield %scan3A_129 : i32
    }
    %scan3A_6 = arith.constant 192 : i32
    %scan3A_7 = arith.constant 0 : i32
    %scan3A_8 = arith.constant 0 : i32
    %scan3A_9 = arith.constant 79 : i32
    %scan3A_10 = arith.addi %scan3A_8, %scan3A_9 : i32
    %scan3A_11 = arith.constant 1 : i32
    %scan3A_12 = scf.for %scan3A_89 = %scan3A_8 to %scan3A_10 step %scan3A_11 iter_args(%scan3A_90 = %scan3A_7) -> (i32)  : i32 {
      %mul3A_91 = arith.constant 8 : i32
      %mul3A_92 = arith.muli %scan3A_89, %mul3A_91 : i32
      %add3A = arith.addi %mul3A_0, %mul3A_92 : i32
      %dma_start3A = arith.constant 0 : i32
      %dma_start3A_93 = arith.constant 0 : i32
      %dma_start3A_94 = arith.constant 0 : i32
      %dma_start3A_95 = tpu.memref_slice %arg10[%dma_start3A, %dma_start3A_93, %dma_start3A_94] : memref<7x24x128xf32, #tpu.memory_space<vmem>> -> memref<1x8x128xf32, #tpu.memory_space<vmem>>
      %dma_start3A_96 = tpu.memref_squeeze %dma_start3A_95 : memref<1x8x128xf32, #tpu.memory_space<vmem>> -> memref<8x128xf32, #tpu.memory_space<vmem>>
      %dma_start3A_97 = arith.constant 0 : i32
      %dma_start3A_98 = tpu.memref_slice %arg7[%add3A, %dma_start3A_97] : memref<10112x128xf32, #tpu.memory_space<vmem_shared>> -> memref<8x128xf32, #tpu.memory_space<vmem_shared>>
      %dma_start3A_99 = arith.constant 0 : i32
      %dma_start3A_100 = tpu.memref_slice %arg7[%add3A, %dma_start3A_99] : memref<10112x128xf32, #tpu.memory_space<vmem_shared>> -> memref<8x128xf32, #tpu.memory_space<vmem_shared>>
      %dma_start3A_101 = arith.constant 0 : i32
      %dma_start3A_102 = arith.constant 0 : i32
      %dma_start3A_103 = tpu.memref_slice %arg10[%dma_start3A, %dma_start3A_101, %dma_start3A_102] : memref<7x24x128xf32, #tpu.memory_space<vmem>> -> memref<1x8x128xf32, #tpu.memory_space<vmem>>
      %dma_start3A_104 = tpu.memref_squeeze %dma_start3A_103 : memref<1x8x128xf32, #tpu.memory_space<vmem>> -> memref<8x128xf32, #tpu.memory_space<vmem>>
      tpu.enqueue_dma source(%dma_start3A_104 : memref<8x128xf32, #tpu.memory_space<vmem>>) target(%dma_start3A_100 : memref<8x128xf32, #tpu.memory_space<vmem_shared>>) target_semaphore(%arg14 : memref<!tpu.dma_semaphore, #tpu.memory_space<semaphore_mem>>)
      %scan3A_105 = arith.constant 0 : i32
      scf.yield %scan3A_105 : i32
    }
    %scan3A_13 = arith.constant 79 : i32
    %scan3A_14 = arith.constant 0 : i32
    %scan3A_15 = arith.constant 0 : i32
    %scan3A_16 = arith.constant 79 : i32
    %scan3A_17 = arith.addi %scan3A_15, %scan3A_16 : i32
    %scan3A_18 = arith.constant 1 : i32
    %scan3A_19 = scf.for %scan3A_89 = %scan3A_15 to %scan3A_17 step %scan3A_18 iter_args(%scan3A_90 = %scan3A_14) -> (i32)  : i32 {
      %dma_wait3A = arith.constant 0 : i32
      %dma_wait3A_91 = arith.constant 0 : i32
      %dma_wait3A_92 = arith.constant 0 : i32
      %dma_wait3A_93 = tpu.memref_slice %arg10[%dma_wait3A, %dma_wait3A_91, %dma_wait3A_92] : memref<7x24x128xf32, #tpu.memory_space<vmem>> -> memref<1x8x128xf32, #tpu.memory_space<vmem>>
      %dma_wait3A_94 = tpu.memref_squeeze %dma_wait3A_93 : memref<1x8x128xf32, #tpu.memory_space<vmem>> -> memref<8x128xf32, #tpu.memory_space<vmem>>
      %dma_wait3A_95 = arith.constant 0 : i32
      %dma_wait3A_96 = tpu.memref_slice %arg7[%mul3A_0, %dma_wait3A_95] : memref<10112x128xf32, #tpu.memory_space<vmem_shared>> -> memref<8x128xf32, #tpu.memory_space<vmem_shared>>
      %dma_wait3A_97 = arith.constant 0 : i32
      %dma_wait3A_98 = tpu.memref_slice %arg7[%mul3A_0, %dma_wait3A_97] : memref<10112x128xf32, #tpu.memory_space<vmem_shared>> -> memref<8x128xf32, #tpu.memory_space<vmem_shared>>
      %dma_wait3A_99 = arith.constant 0 : i32
      %dma_wait3A_100 = arith.constant 0 : i32
      %dma_wait3A_101 = tpu.memref_slice %arg10[%dma_wait3A, %dma_wait3A_99, %dma_wait3A_100] : memref<7x24x128xf32, #tpu.memory_space<vmem>> -> memref<1x8x128xf32, #tpu.memory_space<vmem>>
      %dma_wait3A_102 = tpu.memref_squeeze %dma_wait3A_101 : memref<1x8x128xf32, #tpu.memory_space<vmem>> -> memref<8x128xf32, #tpu.memory_space<vmem>>
      tpu.wait_dma2 semaphore(%arg14 : memref<!tpu.dma_semaphore, #tpu.memory_space<semaphore_mem>>) src(%dma_wait3A_102 : memref<8x128xf32, #tpu.memory_space<vmem>>) dst(%dma_wait3A_98 : memref<8x128xf32, #tpu.memory_space<vmem_shared>>)
      %scan3A_103 = arith.constant 0 : i32
      scf.yield %scan3A_103 : i32
    }
    %scan3A_20 = arith.constant 79 : i32
    %barrier3A = arith.constant 0 : index
    tpu.barrier barrier_id(%barrier3A)
    %mul3A_21 = arith.constant 128 : i32
    %mul3A_22 = arith.muli %arg0, %mul3A_21 : i32
    %multiple_of3A = tpu.assume_multiple %mul3A_22, 128 : i32
    %scan3A_23 = arith.constant 0 : i32
    %scan3A_24 = arith.constant 0 : i32
    %scan3A_25 = arith.constant 4 : i32
    %scan3A_26 = arith.addi %scan3A_24, %scan3A_25 : i32
    %scan3A_27 = arith.constant 1 : i32
    %scan3A_28 = scf.for %scan3A_89 = %scan3A_24 to %scan3A_26 step %scan3A_27 iter_args(%scan3A_90 = %scan3A_23) -> (i32)  : i32 {
      "tpu.region"() ({
        %run_scoped3A = tpu.sem_alloc : memref<!tpu.dma_semaphore, #tpu.memory_space<semaphore_mem>>
        %dma_start3A_175 = arith.constant 0 : i32
        %dma_start3A_176 = arith.constant 0 : i32
        %dma_start3A_177 = tpu.memref_slice %arg4[%arg1, %scan3A_89, %dma_start3A_175, %dma_start3A_176] : memref<16x4x105x24xi32, #tpu.memory_space<hbm>> -> memref<1x1x105x24xi32, #tpu.memory_space<hbm>>
        %dma_start3A_178 = tpu.memref_squeeze %dma_start3A_177 : memref<1x1x105x24xi32, #tpu.memory_space<hbm>> -> memref<105x24xi32, #tpu.memory_space<hbm>>
        %dma_start3A_179 = arith.constant 0 : i32
        %dma_start3A_180 = arith.constant 0 : i32
        %dma_start3A_181 = tpu.memref_slice %arg4[%arg1, %scan3A_89, %dma_start3A_179, %dma_start3A_180] : memref<16x4x105x24xi32, #tpu.memory_space<hbm>> -> memref<1x1x105x24xi32, #tpu.memory_space<hbm>>
        %dma_start3A_182 = tpu.memref_squeeze %dma_start3A_181 : memref<1x1x105x24xi32, #tpu.memory_space<hbm>> -> memref<105x24xi32, #tpu.memory_space<hbm>>
        tpu.enqueue_dma source(%dma_start3A_182 : memref<105x24xi32, #tpu.memory_space<hbm>>) target(%arg8 : memref<105x24xi32, #tpu.memory_space<vmem>>) target_semaphore(%run_scoped3A : memref<!tpu.dma_semaphore, #tpu.memory_space<semaphore_mem>>)
        %dma_wait3A_183 = arith.constant 0 : i32
        %dma_wait3A_184 = arith.constant 0 : i32
        %dma_wait3A_185 = tpu.memref_slice %arg4[%arg1, %scan3A_89, %dma_wait3A_183, %dma_wait3A_184] : memref<16x4x105x24xi32, #tpu.memory_space<hbm>> -> memref<1x1x105x24xi32, #tpu.memory_space<hbm>>
        %dma_wait3A_186 = tpu.memref_squeeze %dma_wait3A_185 : memref<1x1x105x24xi32, #tpu.memory_space<hbm>> -> memref<105x24xi32, #tpu.memory_space<hbm>>
        %dma_wait3A_187 = arith.constant 0 : i32
        %dma_wait3A_188 = arith.constant 0 : i32
        %dma_wait3A_189 = tpu.memref_slice %arg4[%arg1, %scan3A_89, %dma_wait3A_187, %dma_wait3A_188] : memref<16x4x105x24xi32, #tpu.memory_space<hbm>> -> memref<1x1x105x24xi32, #tpu.memory_space<hbm>>
        %dma_wait3A_190 = tpu.memref_squeeze %dma_wait3A_189 : memref<1x1x105x24xi32, #tpu.memory_space<hbm>> -> memref<105x24xi32, #tpu.memory_space<hbm>>
        tpu.wait_dma2 semaphore(%run_scoped3A : memref<!tpu.dma_semaphore, #tpu.memory_space<semaphore_mem>>) src(%dma_wait3A_190 : memref<105x24xi32, #tpu.memory_space<hbm>>) dst(%arg8 : memref<105x24xi32, #tpu.memory_space<vmem>>)
        tpu.yield
      }) : () -> ()
      "tpu.region"() ({
        %run_scoped3A = tpu.sem_alloc : memref<!tpu.dma_semaphore, #tpu.memory_space<semaphore_mem>>
        %dma_start3A_175 = arith.constant 0 : i32
        %dma_start3A_176 = arith.constant 0 : i32
        %dma_start3A_177 = tpu.memref_slice %arg5[%arg1, %scan3A_89, %dma_start3A_175, %dma_start3A_176] : memref<16x4x105x24xi32, #tpu.memory_space<hbm>> -> memref<1x1x105x24xi32, #tpu.memory_space<hbm>>
        %dma_start3A_178 = tpu.memref_squeeze %dma_start3A_177 : memref<1x1x105x24xi32, #tpu.memory_space<hbm>> -> memref<105x24xi32, #tpu.memory_space<hbm>>
        %dma_start3A_179 = arith.constant 0 : i32
        %dma_start3A_180 = arith.constant 0 : i32
        %dma_start3A_181 = tpu.memref_slice %arg5[%arg1, %scan3A_89, %dma_start3A_179, %dma_start3A_180] : memref<16x4x105x24xi32, #tpu.memory_space<hbm>> -> memref<1x1x105x24xi32, #tpu.memory_space<hbm>>
        %dma_start3A_182 = tpu.memref_squeeze %dma_start3A_181 : memref<1x1x105x24xi32, #tpu.memory_space<hbm>> -> memref<105x24xi32, #tpu.memory_space<hbm>>
        tpu.enqueue_dma source(%dma_start3A_182 : memref<105x24xi32, #tpu.memory_space<hbm>>) target(%arg9 : memref<105x24xi32, #tpu.memory_space<vmem>>) target_semaphore(%run_scoped3A : memref<!tpu.dma_semaphore, #tpu.memory_space<semaphore_mem>>)
        %dma_wait3A_183 = arith.constant 0 : i32
        %dma_wait3A_184 = arith.constant 0 : i32
        %dma_wait3A_185 = tpu.memref_slice %arg5[%arg1, %scan3A_89, %dma_wait3A_183, %dma_wait3A_184] : memref<16x4x105x24xi32, #tpu.memory_space<hbm>> -> memref<1x1x105x24xi32, #tpu.memory_space<hbm>>
        %dma_wait3A_186 = tpu.memref_squeeze %dma_wait3A_185 : memref<1x1x105x24xi32, #tpu.memory_space<hbm>> -> memref<105x24xi32, #tpu.memory_space<hbm>>
        %dma_wait3A_187 = arith.constant 0 : i32
        %dma_wait3A_188 = arith.constant 0 : i32
        %dma_wait3A_189 = tpu.memref_slice %arg5[%arg1, %scan3A_89, %dma_wait3A_187, %dma_wait3A_188] : memref<16x4x105x24xi32, #tpu.memory_space<hbm>> -> memref<1x1x105x24xi32, #tpu.memory_space<hbm>>
        %dma_wait3A_190 = tpu.memref_squeeze %dma_wait3A_189 : memref<1x1x105x24xi32, #tpu.memory_space<hbm>> -> memref<105x24xi32, #tpu.memory_space<hbm>>
        tpu.wait_dma2 semaphore(%run_scoped3A : memref<!tpu.dma_semaphore, #tpu.memory_space<semaphore_mem>>) src(%dma_wait3A_190 : memref<105x24xi32, #tpu.memory_space<hbm>>) dst(%arg9 : memref<105x24xi32, #tpu.memory_space<vmem>>)
        tpu.yield
      }) : () -> ()
      %dma_start3A = arith.constant 0 : i32
      %dma_start3A_91 = arith.constant 0 : i32
      %dma_start3A_92 = arith.constant 0 : i32
      %dma_start3A_93 = arith.constant 0 : i32
      %dma_start3A_94 = tpu.memref_slice %arg10[%dma_start3A_91, %dma_start3A_92, %dma_start3A_93] : memref<7x24x128xf32, #tpu.memory_space<vmem>> -> memref<1x24x128xf32, #tpu.memory_space<vmem>>
      %dma_start3A_95 = tpu.memref_squeeze %dma_start3A_94 : memref<1x24x128xf32, #tpu.memory_space<vmem>> -> memref<24x128xf32, #tpu.memory_space<vmem>>
      %dma_start3A_96 = arith.constant 0 : i32
      %dma_start3A_97 = tpu.memref_slice %arg8[%dma_start3A, %dma_start3A_96] : memref<105x24xi32, #tpu.memory_space<vmem>> -> memref<1x24xi32, #tpu.memory_space<vmem>>
      %dma_start3A_98 = tpu.memref_squeeze %dma_start3A_97 : memref<1x24xi32, #tpu.memory_space<vmem>> -> memref<24xi32, #tpu.memory_space<vmem>>
      %dma_start3A_99 = arith.constant 0 : i32
      %dma_start3A_100 = tpu.memref_slice %arg2[%dma_start3A_99, %multiple_of3A] : memref<10000x256xf32, #tpu.memory_space<hbm>> -> memref<10000x128xf32, #tpu.memory_space<hbm>>
      tpu.enqueue_indirect_dma source(%dma_start3A_100 : memref<10000x128xf32, #tpu.memory_space<hbm>>) target(%dma_start3A_95 : memref<24x128xf32, #tpu.memory_space<vmem>>) offsets(%dma_start3A_98 : memref<24xi32, #tpu.memory_space<vmem>>) semaphore(%arg11 : memref<!tpu.dma_semaphore, #tpu.memory_space<semaphore_mem>>)
      %dma_start3A_101 = arith.constant 1 : i32
      %dma_start3A_102 = arith.constant 1 : i32
      %dma_start3A_103 = arith.constant 0 : i32
      %dma_start3A_104 = arith.constant 0 : i32
      %dma_start3A_105 = tpu.memref_slice %arg10[%dma_start3A_102, %dma_start3A_103, %dma_start3A_104] : memref<7x24x128xf32, #tpu.memory_space<vmem>> -> memref<1x24x128xf32, #tpu.memory_space<vmem>>
      %dma_start3A_106 = tpu.memref_squeeze %dma_start3A_105 : memref<1x24x128xf32, #tpu.memory_space<vmem>> -> memref<24x128xf32, #tpu.memory_space<vmem>>
      %dma_start3A_107 = arith.constant 0 : i32
      %dma_start3A_108 = tpu.memref_slice %arg8[%dma_start3A_101, %dma_start3A_107] : memref<105x24xi32, #tpu.memory_space<vmem>> -> memref<1x24xi32, #tpu.memory_space<vmem>>
      %dma_start3A_109 = tpu.memref_squeeze %dma_start3A_108 : memref<1x24xi32, #tpu.memory_space<vmem>> -> memref<24xi32, #tpu.memory_space<vmem>>
      %dma_start3A_110 = arith.constant 0 : i32
      %dma_start3A_111 = tpu.memref_slice %arg2[%dma_start3A_110, %multiple_of3A] : memref<10000x256xf32, #tpu.memory_space<hbm>> -> memref<10000x128xf32, #tpu.memory_space<hbm>>
      tpu.enqueue_indirect_dma source(%dma_start3A_111 : memref<10000x128xf32, #tpu.memory_space<hbm>>) target(%dma_start3A_106 : memref<24x128xf32, #tpu.memory_space<vmem>>) offsets(%dma_start3A_109 : memref<24xi32, #tpu.memory_space<vmem>>) semaphore(%arg12 : memref<!tpu.dma_semaphore, #tpu.memory_space<semaphore_mem>>)
      %dma_start3A_112 = arith.constant 2 : i32
      %dma_start3A_113 = arith.constant 2 : i32
      %dma_start3A_114 = arith.constant 0 : i32
      %dma_start3A_115 = arith.constant 0 : i32
      %dma_start3A_116 = tpu.memref_slice %arg10[%dma_start3A_113, %dma_start3A_114, %dma_start3A_115] : memref<7x24x128xf32, #tpu.memory_space<vmem>> -> memref<1x24x128xf32, #tpu.memory_space<vmem>>
      %dma_start3A_117 = tpu.memref_squeeze %dma_start3A_116 : memref<1x24x128xf32, #tpu.memory_space<vmem>> -> memref<24x128xf32, #tpu.memory_space<vmem>>
      %dma_start3A_118 = arith.constant 0 : i32
      %dma_start3A_119 = tpu.memref_slice %arg8[%dma_start3A_112, %dma_start3A_118] : memref<105x24xi32, #tpu.memory_space<vmem>> -> memref<1x24xi32, #tpu.memory_space<vmem>>
      %dma_start3A_120 = tpu.memref_squeeze %dma_start3A_119 : memref<1x24xi32, #tpu.memory_space<vmem>> -> memref<24xi32, #tpu.memory_space<vmem>>
      %dma_start3A_121 = arith.constant 0 : i32
      %dma_start3A_122 = tpu.memref_slice %arg2[%dma_start3A_121, %multiple_of3A] : memref<10000x256xf32, #tpu.memory_space<hbm>> -> memref<10000x128xf32, #tpu.memory_space<hbm>>
      tpu.enqueue_indirect_dma source(%dma_start3A_122 : memref<10000x128xf32, #tpu.memory_space<hbm>>) target(%dma_start3A_117 : memref<24x128xf32, #tpu.memory_space<vmem>>) offsets(%dma_start3A_120 : memref<24xi32, #tpu.memory_space<vmem>>) semaphore(%arg13 : memref<!tpu.dma_semaphore, #tpu.memory_space<semaphore_mem>>)
      %dma_start3A_123 = arith.constant 3 : i32
      %dma_start3A_124 = arith.constant 3 : i32
      %dma_start3A_125 = arith.constant 0 : i32
      %dma_start3A_126 = arith.constant 0 : i32
      %dma_start3A_127 = tpu.memref_slice %arg10[%dma_start3A_124, %dma_start3A_125, %dma_start3A_126] : memref<7x24x128xf32, #tpu.memory_space<vmem>> -> memref<1x24x128xf32, #tpu.memory_space<vmem>>
      %dma_start3A_128 = tpu.memref_squeeze %dma_start3A_127 : memref<1x24x128xf32, #tpu.memory_space<vmem>> -> memref<24x128xf32, #tpu.memory_space<vmem>>
      %dma_start3A_129 = arith.constant 0 : i32
      %dma_start3A_130 = tpu.memref_slice %arg8[%dma_start3A_123, %dma_start3A_129] : memref<105x24xi32, #tpu.memory_space<vmem>> -> memref<1x24xi32, #tpu.memory_space<vmem>>
      %dma_start3A_131 = tpu.memref_squeeze %dma_start3A_130 : memref<1x24xi32, #tpu.memory_space<vmem>> -> memref<24xi32, #tpu.memory_space<vmem>>
      %dma_start3A_132 = arith.constant 0 : i32
      %dma_start3A_133 = tpu.memref_slice %arg2[%dma_start3A_132, %multiple_of3A] : memref<10000x256xf32, #tpu.memory_space<hbm>> -> memref<10000x128xf32, #tpu.memory_space<hbm>>
      tpu.enqueue_indirect_dma source(%dma_start3A_133 : memref<10000x128xf32, #tpu.memory_space<hbm>>) target(%dma_start3A_128 : memref<24x128xf32, #tpu.memory_space<vmem>>) offsets(%dma_start3A_131 : memref<24xi32, #tpu.memory_space<vmem>>) semaphore(%arg11 : memref<!tpu.dma_semaphore, #tpu.memory_space<semaphore_mem>>)
      %dma_start3A_134 = arith.constant 4 : i32
      %dma_start3A_135 = arith.constant 4 : i32
      %dma_start3A_136 = arith.constant 0 : i32
      %dma_start3A_137 = arith.constant 0 : i32
      %dma_start3A_138 = tpu.memref_slice %arg10[%dma_start3A_135, %dma_start3A_136, %dma_start3A_137] : memref<7x24x128xf32, #tpu.memory_space<vmem>> -> memref<1x24x128xf32, #tpu.memory_space<vmem>>
      %dma_start3A_139 = tpu.memref_squeeze %dma_start3A_138 : memref<1x24x128xf32, #tpu.memory_space<vmem>> -> memref<24x128xf32, #tpu.memory_space<vmem>>
      %dma_start3A_140 = arith.constant 0 : i32
      %dma_start3A_141 = tpu.memref_slice %arg8[%dma_start3A_134, %dma_start3A_140] : memref<105x24xi32, #tpu.memory_space<vmem>> -> memref<1x24xi32, #tpu.memory_space<vmem>>
      %dma_start3A_142 = tpu.memref_squeeze %dma_start3A_141 : memref<1x24xi32, #tpu.memory_space<vmem>> -> memref<24xi32, #tpu.memory_space<vmem>>
      %dma_start3A_143 = arith.constant 0 : i32
      %dma_start3A_144 = tpu.memref_slice %arg2[%dma_start3A_143, %multiple_of3A] : memref<10000x256xf32, #tpu.memory_space<hbm>> -> memref<10000x128xf32, #tpu.memory_space<hbm>>
      tpu.enqueue_indirect_dma source(%dma_start3A_144 : memref<10000x128xf32, #tpu.memory_space<hbm>>) target(%dma_start3A_139 : memref<24x128xf32, #tpu.memory_space<vmem>>) offsets(%dma_start3A_142 : memref<24xi32, #tpu.memory_space<vmem>>) semaphore(%arg12 : memref<!tpu.dma_semaphore, #tpu.memory_space<semaphore_mem>>)
      %dma_start3A_145 = arith.constant 5 : i32
      %dma_start3A_146 = arith.constant 5 : i32
      %dma_start3A_147 = arith.constant 0 : i32
      %dma_start3A_148 = arith.constant 0 : i32
      %dma_start3A_149 = tpu.memref_slice %arg10[%dma_start3A_146, %dma_start3A_147, %dma_start3A_148] : memref<7x24x128xf32, #tpu.memory_space<vmem>> -> memref<1x24x128xf32, #tpu.memory_space<vmem>>
      %dma_start3A_150 = tpu.memref_squeeze %dma_start3A_149 : memref<1x24x128xf32, #tpu.memory_space<vmem>> -> memref<24x128xf32, #tpu.memory_space<vmem>>
      %dma_start3A_151 = arith.constant 0 : i32
      %dma_start3A_152 = tpu.memref_slice %arg8[%dma_start3A_145, %dma_start3A_151] : memref<105x24xi32, #tpu.memory_space<vmem>> -> memref<1x24xi32, #tpu.memory_space<vmem>>
      %dma_start3A_153 = tpu.memref_squeeze %dma_start3A_152 : memref<1x24xi32, #tpu.memory_space<vmem>> -> memref<24xi32, #tpu.memory_space<vmem>>
      %dma_start3A_154 = arith.constant 0 : i32
      %dma_start3A_155 = tpu.memref_slice %arg2[%dma_start3A_154, %multiple_of3A] : memref<10000x256xf32, #tpu.memory_space<hbm>> -> memref<10000x128xf32, #tpu.memory_space<hbm>>
      tpu.enqueue_indirect_dma source(%dma_start3A_155 : memref<10000x128xf32, #tpu.memory_space<hbm>>) target(%dma_start3A_150 : memref<24x128xf32, #tpu.memory_space<vmem>>) offsets(%dma_start3A_153 : memref<24xi32, #tpu.memory_space<vmem>>) semaphore(%arg13 : memref<!tpu.dma_semaphore, #tpu.memory_space<semaphore_mem>>)
      %scan3A_156 = arith.constant 0 : i32
      %scan3A_157 = arith.constant 0 : i32
      %scan3A_158 = arith.constant 105 : i32
      %scan3A_159 = arith.addi %scan3A_157, %scan3A_158 : i32
      %scan3A_160 = arith.constant 1 : i32
      %scan3A_161 = scf.for %scan3A_175 = %scan3A_157 to %scan3A_159 step %scan3A_160 iter_args(%scan3A_176 = %scan3A_156) -> (i32)  : i32 {
        %jit3A = arith.constant 7 : i32
        %eq3A = arith.constant 0 : i32
        %eq3A_177 = arith.cmpi eq, %jit3A, %eq3A : i32
        %jit3A_178 = arith.constant 1 : i32
        %select_n3A = arith.select %eq3A_177, %jit3A_178, %jit3A : i32
        %rem3A = arith.remsi %scan3A_175, %select_n3A : i32
        %ne3A = arith.constant 0 : i32
        %ne3A_179 = arith.cmpi ne, %rem3A, %ne3A : i32
        %lt3A = arith.constant 0 : i32
        %lt3A_180 = arith.cmpi slt, %rem3A, %lt3A : i32
        %lt3A_181 = arith.constant 0 : i32
        %lt3A_182 = arith.cmpi slt, %select_n3A, %lt3A_181 : i32
        %ne3A_183 = arith.xori %lt3A_180, %lt3A_182 : i1
        %and3A = arith.andi %ne3A_183, %ne3A_179 : i1
        %add3A = arith.addi %rem3A, %select_n3A : i32
        %select_n3A_184 = arith.select %and3A, %add3A, %rem3A : i32
        %jit3A_185 = arith.constant 3 : i32
        %eq3A_186 = arith.constant 0 : i32
        %eq3A_187 = arith.cmpi eq, %jit3A_185, %eq3A_186 : i32
        %jit3A_188 = arith.constant 1 : i32
        %select_n3A_189 = arith.select %eq3A_187, %jit3A_188, %jit3A_185 : i32
        %rem3A_190 = arith.remsi %scan3A_175, %select_n3A_189 : i32
        %ne3A_191 = arith.constant 0 : i32
        %ne3A_192 = arith.cmpi ne, %rem3A_190, %ne3A_191 : i32
        %lt3A_193 = arith.constant 0 : i32
        %lt3A_194 = arith.cmpi slt, %rem3A_190, %lt3A_193 : i32
        %lt3A_195 = arith.constant 0 : i32
        %lt3A_196 = arith.cmpi slt, %select_n3A_189, %lt3A_195 : i32
        %ne3A_197 = arith.xori %lt3A_194, %lt3A_196 : i1
        %and3A_198 = arith.andi %ne3A_197, %ne3A_192 : i1
        %add3A_199 = arith.addi %rem3A_190, %select_n3A_189 : i32
        %select_n3A_200 = arith.select %and3A_198, %add3A_199, %rem3A_190 : i32
        %eq3A_201 = arith.constant 0 : i32
        %eq3A_202 = arith.cmpi eq, %select_n3A_200, %eq3A_201 : i32
        %convert_element_type3A = arith.extui %eq3A_202 : i1 to i32
        %cond3A = arith.constant 0 : i32
        %cond3A_203 = arith.cmpi ne, %convert_element_type3A, %cond3A : i32
        scf.if %cond3A_203 {
          %dma_wait3A_266 = arith.constant 0 : i32
          %dma_wait3A_267 = arith.constant 0 : i32
          %dma_wait3A_268 = tpu.memref_slice %arg10[%select_n3A_184, %dma_wait3A_266, %dma_wait3A_267] : memref<7x24x128xf32, #tpu.memory_space<vmem>> -> memref<1x24x128xf32, #tpu.memory_space<vmem>>
          %dma_wait3A_269 = tpu.memref_squeeze %dma_wait3A_268 : memref<1x24x128xf32, #tpu.memory_space<vmem>> -> memref<24x128xf32, #tpu.memory_space<vmem>>
          %dma_wait3A_270 = arith.constant 0 : i32
          %dma_wait3A_271 = tpu.memref_slice %arg8[%scan3A_175, %dma_wait3A_270] : memref<105x24xi32, #tpu.memory_space<vmem>> -> memref<1x24xi32, #tpu.memory_space<vmem>>
          %dma_wait3A_272 = tpu.memref_squeeze %dma_wait3A_271 : memref<1x24xi32, #tpu.memory_space<vmem>> -> memref<24xi32, #tpu.memory_space<vmem>>
          %dma_wait3A_273 = arith.constant 0 : i32
          %dma_wait3A_274 = tpu.memref_slice %arg2[%dma_wait3A_273, %multiple_of3A] : memref<10000x256xf32, #tpu.memory_space<hbm>> -> memref<10000x128xf32, #tpu.memory_space<hbm>>
          tpu.wait_indirect_dma semaphore(%arg11 : memref<!tpu.dma_semaphore, #tpu.memory_space<semaphore_mem>>) src(%dma_wait3A_274 : memref<10000x128xf32, #tpu.memory_space<hbm>>) dst(%dma_wait3A_269 : memref<24x128xf32, #tpu.memory_space<vmem>>)
        } else {
        }
        %jit3A_204 = arith.constant 3 : i32
        %eq3A_205 = arith.constant 0 : i32
        %eq3A_206 = arith.cmpi eq, %jit3A_204, %eq3A_205 : i32
        %jit3A_207 = arith.constant 1 : i32
        %select_n3A_208 = arith.select %eq3A_206, %jit3A_207, %jit3A_204 : i32
        %rem3A_209 = arith.remsi %scan3A_175, %select_n3A_208 : i32
        %ne3A_210 = arith.constant 0 : i32
        %ne3A_211 = arith.cmpi ne, %rem3A_209, %ne3A_210 : i32
        %lt3A_212 = arith.constant 0 : i32
        %lt3A_213 = arith.cmpi slt, %rem3A_209, %lt3A_212 : i32
        %lt3A_214 = arith.constant 0 : i32
        %lt3A_215 = arith.cmpi slt, %select_n3A_208, %lt3A_214 : i32
        %ne3A_216 = arith.xori %lt3A_213, %lt3A_215 : i1
        %and3A_217 = arith.andi %ne3A_216, %ne3A_211 : i1
        %add3A_218 = arith.addi %rem3A_209, %select_n3A_208 : i32
        %select_n3A_219 = arith.select %and3A_217, %add3A_218, %rem3A_209 : i32
        %eq3A_220 = arith.constant 1 : i32
        %eq3A_221 = arith.cmpi eq, %select_n3A_219, %eq3A_220 : i32
        %convert_element_type3A_222 = arith.extui %eq3A_221 : i1 to i32
        %cond3A_223 = arith.constant 0 : i32
        %cond3A_224 = arith.cmpi ne, %convert_element_type3A_222, %cond3A_223 : i32
        scf.if %cond3A_224 {
          %dma_wait3A_266 = arith.constant 0 : i32
          %dma_wait3A_267 = arith.constant 0 : i32
          %dma_wait3A_268 = tpu.memref_slice %arg10[%select_n3A_184, %dma_wait3A_266, %dma_wait3A_267] : memref<7x24x128xf32, #tpu.memory_space<vmem>> -> memref<1x24x128xf32, #tpu.memory_space<vmem>>
          %dma_wait3A_269 = tpu.memref_squeeze %dma_wait3A_268 : memref<1x24x128xf32, #tpu.memory_space<vmem>> -> memref<24x128xf32, #tpu.memory_space<vmem>>
          %dma_wait3A_270 = arith.constant 0 : i32
          %dma_wait3A_271 = tpu.memref_slice %arg8[%scan3A_175, %dma_wait3A_270] : memref<105x24xi32, #tpu.memory_space<vmem>> -> memref<1x24xi32, #tpu.memory_space<vmem>>
          %dma_wait3A_272 = tpu.memref_squeeze %dma_wait3A_271 : memref<1x24xi32, #tpu.memory_space<vmem>> -> memref<24xi32, #tpu.memory_space<vmem>>
          %dma_wait3A_273 = arith.constant 0 : i32
          %dma_wait3A_274 = tpu.memref_slice %arg2[%dma_wait3A_273, %multiple_of3A] : memref<10000x256xf32, #tpu.memory_space<hbm>> -> memref<10000x128xf32, #tpu.memory_space<hbm>>
          tpu.wait_indirect_dma semaphore(%arg12 : memref<!tpu.dma_semaphore, #tpu.memory_space<semaphore_mem>>) src(%dma_wait3A_274 : memref<10000x128xf32, #tpu.memory_space<hbm>>) dst(%dma_wait3A_269 : memref<24x128xf32, #tpu.memory_space<vmem>>)
        } else {
        }
        %jit3A_225 = arith.constant 3 : i32
        %eq3A_226 = arith.constant 0 : i32
        %eq3A_227 = arith.cmpi eq, %jit3A_225, %eq3A_226 : i32
        %jit3A_228 = arith.constant 1 : i32
        %select_n3A_229 = arith.select %eq3A_227, %jit3A_228, %jit3A_225 : i32
        %rem3A_230 = arith.remsi %scan3A_175, %select_n3A_229 : i32
        %ne3A_231 = arith.constant 0 : i32
        %ne3A_232 = arith.cmpi ne, %rem3A_230, %ne3A_231 : i32
        %lt3A_233 = arith.constant 0 : i32
        %lt3A_234 = arith.cmpi slt, %rem3A_230, %lt3A_233 : i32
        %lt3A_235 = arith.constant 0 : i32
        %lt3A_236 = arith.cmpi slt, %select_n3A_229, %lt3A_235 : i32
        %ne3A_237 = arith.xori %lt3A_234, %lt3A_236 : i1
        %and3A_238 = arith.andi %ne3A_237, %ne3A_232 : i1
        %add3A_239 = arith.addi %rem3A_230, %select_n3A_229 : i32
        %select_n3A_240 = arith.select %and3A_238, %add3A_239, %rem3A_230 : i32
        %eq3A_241 = arith.constant 2 : i32
        %eq3A_242 = arith.cmpi eq, %select_n3A_240, %eq3A_241 : i32
        %convert_element_type3A_243 = arith.extui %eq3A_242 : i1 to i32
        %cond3A_244 = arith.constant 0 : i32
        %cond3A_245 = arith.cmpi ne, %convert_element_type3A_243, %cond3A_244 : i32
        scf.if %cond3A_245 {
          %dma_wait3A_266 = arith.constant 0 : i32
          %dma_wait3A_267 = arith.constant 0 : i32
          %dma_wait3A_268 = tpu.memref_slice %arg10[%select_n3A_184, %dma_wait3A_266, %dma_wait3A_267] : memref<7x24x128xf32, #tpu.memory_space<vmem>> -> memref<1x24x128xf32, #tpu.memory_space<vmem>>
          %dma_wait3A_269 = tpu.memref_squeeze %dma_wait3A_268 : memref<1x24x128xf32, #tpu.memory_space<vmem>> -> memref<24x128xf32, #tpu.memory_space<vmem>>
          %dma_wait3A_270 = arith.constant 0 : i32
          %dma_wait3A_271 = tpu.memref_slice %arg8[%scan3A_175, %dma_wait3A_270] : memref<105x24xi32, #tpu.memory_space<vmem>> -> memref<1x24xi32, #tpu.memory_space<vmem>>
          %dma_wait3A_272 = tpu.memref_squeeze %dma_wait3A_271 : memref<1x24xi32, #tpu.memory_space<vmem>> -> memref<24xi32, #tpu.memory_space<vmem>>
          %dma_wait3A_273 = arith.constant 0 : i32
          %dma_wait3A_274 = tpu.memref_slice %arg2[%dma_wait3A_273, %multiple_of3A] : memref<10000x256xf32, #tpu.memory_space<hbm>> -> memref<10000x128xf32, #tpu.memory_space<hbm>>
          tpu.wait_indirect_dma semaphore(%arg13 : memref<!tpu.dma_semaphore, #tpu.memory_space<semaphore_mem>>) src(%dma_wait3A_274 : memref<10000x128xf32, #tpu.memory_space<hbm>>) dst(%dma_wait3A_269 : memref<24x128xf32, #tpu.memory_space<vmem>>)
        } else {
        }
        %dma_start3A_246 = arith.constant 0 : i32
        %dma_start3A_247 = arith.constant 0 : i32
        %dma_start3A_248 = tpu.memref_slice %arg10[%select_n3A_184, %dma_start3A_246, %dma_start3A_247] : memref<7x24x128xf32, #tpu.memory_space<vmem>> -> memref<1x24x128xf32, #tpu.memory_space<vmem>>
        %dma_start3A_249 = tpu.memref_squeeze %dma_start3A_248 : memref<1x24x128xf32, #tpu.memory_space<vmem>> -> memref<24x128xf32, #tpu.memory_space<vmem>>
        %dma_start3A_250 = arith.constant 0 : i32
        %dma_start3A_251 = tpu.memref_slice %arg9[%scan3A_175, %dma_start3A_250] : memref<105x24xi32, #tpu.memory_space<vmem>> -> memref<1x24xi32, #tpu.memory_space<vmem>>
        %dma_start3A_252 = tpu.memref_squeeze %dma_start3A_251 : memref<1x24xi32, #tpu.memory_space<vmem>> -> memref<24xi32, #tpu.memory_space<vmem>>
        %dma_start3A_253 = arith.constant 0 : i32
        %dma_start3A_254 = arith.constant 0 : i32
        %dma_start3A_255 = tpu.memref_slice %arg7[%dma_start3A_253, %dma_start3A_254] : memref<10112x128xf32, #tpu.memory_space<vmem_shared>> -> memref<10112x128xf32, #tpu.memory_space<vmem_shared>>
        tpu.enqueue_indirect_dma source(%dma_start3A_249 : memref<24x128xf32, #tpu.memory_space<vmem>>) target(%dma_start3A_255 : memref<10112x128xf32, #tpu.memory_space<vmem_shared>>) offsets(%dma_start3A_252 : memref<24xi32, #tpu.memory_space<vmem>>) semaphore(%arg14 : memref<!tpu.dma_semaphore, #tpu.memory_space<semaphore_mem>>) {add = true}
        %ge3A = arith.constant 1 : i32
        %ge3A_256 = arith.cmpi sge, %scan3A_175, %ge3A : i32
        %convert_element_type3A_257 = arith.extui %ge3A_256 : i1 to i32
        %cond3A_258 = arith.constant 0 : i32
        %cond3A_259 = arith.cmpi ne, %convert_element_type3A_257, %cond3A_258 : i32
        scf.if %cond3A_259 {
          %dma_wait3A_266 = arith.constant 0 : i32
          %dma_wait3A_267 = arith.constant 0 : i32
          %dma_wait3A_268 = tpu.memref_slice %arg10[%select_n3A_184, %dma_wait3A_266, %dma_wait3A_267] : memref<7x24x128xf32, #tpu.memory_space<vmem>> -> memref<1x24x128xf32, #tpu.memory_space<vmem>>
          %dma_wait3A_269 = tpu.memref_squeeze %dma_wait3A_268 : memref<1x24x128xf32, #tpu.memory_space<vmem>> -> memref<24x128xf32, #tpu.memory_space<vmem>>
          %dma_wait3A_270 = arith.constant 0 : i32
          %dma_wait3A_271 = tpu.memref_slice %arg9[%scan3A_175, %dma_wait3A_270] : memref<105x24xi32, #tpu.memory_space<vmem>> -> memref<1x24xi32, #tpu.memory_space<vmem>>
          %dma_wait3A_272 = tpu.memref_squeeze %dma_wait3A_271 : memref<1x24xi32, #tpu.memory_space<vmem>> -> memref<24xi32, #tpu.memory_space<vmem>>
          %dma_wait3A_273 = arith.constant 0 : i32
          %dma_wait3A_274 = arith.constant 0 : i32
          %dma_wait3A_275 = tpu.memref_slice %arg7[%dma_wait3A_273, %dma_wait3A_274] : memref<10112x128xf32, #tpu.memory_space<vmem_shared>> -> memref<10112x128xf32, #tpu.memory_space<vmem_shared>>
          tpu.wait_indirect_dma semaphore(%arg14 : memref<!tpu.dma_semaphore, #tpu.memory_space<semaphore_mem>>) src(%dma_wait3A_269 : memref<24x128xf32, #tpu.memory_space<vmem>>) dst(%dma_wait3A_275 : memref<10112x128xf32, #tpu.memory_space<vmem_shared>>)
        } else {
        }
        %lt3A_260 = arith.constant 99 : i32
        %lt3A_261 = arith.cmpi slt, %scan3A_175, %lt3A_260 : i32
        %convert_element_type3A_262 = arith.extui %lt3A_261 : i1 to i32
        %cond3A_263 = arith.constant 0 : i32
        %cond3A_264 = arith.cmpi ne, %convert_element_type3A_262, %cond3A_263 : i32
        scf.if %cond3A_264 {
          %add3A_266 = arith.constant 6 : i32
          %add3A_267 = arith.addi %scan3A_175, %add3A_266 : i32
          %jit3A_268 = arith.constant 7 : i32
          %eq3A_269 = arith.constant 0 : i32
          %eq3A_270 = arith.cmpi eq, %jit3A_268, %eq3A_269 : i32
          %jit3A_271 = arith.constant 1 : i32
          %select_n3A_272 = arith.select %eq3A_270, %jit3A_271, %jit3A_268 : i32
          %rem3A_273 = arith.remsi %add3A_267, %select_n3A_272 : i32
          %ne3A_274 = arith.constant 0 : i32
          %ne3A_275 = arith.cmpi ne, %rem3A_273, %ne3A_274 : i32
          %lt3A_276 = arith.constant 0 : i32
          %lt3A_277 = arith.cmpi slt, %rem3A_273, %lt3A_276 : i32
          %lt3A_278 = arith.constant 0 : i32
          %lt3A_279 = arith.cmpi slt, %select_n3A_272, %lt3A_278 : i32
          %ne3A_280 = arith.xori %lt3A_277, %lt3A_279 : i1
          %and3A_281 = arith.andi %ne3A_280, %ne3A_275 : i1
          %add3A_282 = arith.addi %rem3A_273, %select_n3A_272 : i32
          %select_n3A_283 = arith.select %and3A_281, %add3A_282, %rem3A_273 : i32
          %jit3A_284 = arith.constant 3 : i32
          %eq3A_285 = arith.constant 0 : i32
          %eq3A_286 = arith.cmpi eq, %jit3A_284, %eq3A_285 : i32
          %jit3A_287 = arith.constant 1 : i32
          %select_n3A_288 = arith.select %eq3A_286, %jit3A_287, %jit3A_284 : i32
          %rem3A_289 = arith.remsi %scan3A_175, %select_n3A_288 : i32
          %ne3A_290 = arith.constant 0 : i32
          %ne3A_291 = arith.cmpi ne, %rem3A_289, %ne3A_290 : i32
          %lt3A_292 = arith.constant 0 : i32
          %lt3A_293 = arith.cmpi slt, %rem3A_289, %lt3A_292 : i32
          %lt3A_294 = arith.constant 0 : i32
          %lt3A_295 = arith.cmpi slt, %select_n3A_288, %lt3A_294 : i32
          %ne3A_296 = arith.xori %lt3A_293, %lt3A_295 : i1
          %and3A_297 = arith.andi %ne3A_296, %ne3A_291 : i1
          %add3A_298 = arith.addi %rem3A_289, %select_n3A_288 : i32
          %select_n3A_299 = arith.select %and3A_297, %add3A_298, %rem3A_289 : i32
          %eq3A_300 = arith.constant 0 : i32
          %eq3A_301 = arith.cmpi eq, %select_n3A_299, %eq3A_300 : i32
          %convert_element_type3A_302 = arith.extui %eq3A_301 : i1 to i32
          %cond3A_303 = arith.constant 0 : i32
          %cond3A_304 = arith.cmpi ne, %convert_element_type3A_302, %cond3A_303 : i32
          scf.if %cond3A_304 {
            %add3A_347 = arith.constant 6 : i32
            %add3A_348 = arith.addi %scan3A_175, %add3A_347 : i32
            %dma_start3A_349 = arith.constant 0 : i32
            %dma_start3A_350 = arith.constant 0 : i32
            %dma_start3A_351 = tpu.memref_slice %arg10[%select_n3A_283, %dma_start3A_349, %dma_start3A_350] : memref<7x24x128xf32, #tpu.memory_space<vmem>> -> memref<1x24x128xf32, #tpu.memory_space<vmem>>
            %dma_start3A_352 = tpu.memref_squeeze %dma_start3A_351 : memref<1x24x128xf32, #tpu.memory_space<vmem>> -> memref<24x128xf32, #tpu.memory_space<vmem>>
            %dma_start3A_353 = arith.constant 0 : i32
            %dma_start3A_354 = tpu.memref_slice %arg8[%add3A_348, %dma_start3A_353] : memref<105x24xi32, #tpu.memory_space<vmem>> -> memref<1x24xi32, #tpu.memory_space<vmem>>
            %dma_start3A_355 = tpu.memref_squeeze %dma_start3A_354 : memref<1x24xi32, #tpu.memory_space<vmem>> -> memref<24xi32, #tpu.memory_space<vmem>>
            %dma_start3A_356 = arith.constant 0 : i32
            %dma_start3A_357 = tpu.memref_slice %arg2[%dma_start3A_356, %multiple_of3A] : memref<10000x256xf32, #tpu.memory_space<hbm>> -> memref<10000x128xf32, #tpu.memory_space<hbm>>
            tpu.enqueue_indirect_dma source(%dma_start3A_357 : memref<10000x128xf32, #tpu.memory_space<hbm>>) target(%dma_start3A_352 : memref<24x128xf32, #tpu.memory_space<vmem>>) offsets(%dma_start3A_355 : memref<24xi32, #tpu.memory_space<vmem>>) semaphore(%arg11 : memref<!tpu.dma_semaphore, #tpu.memory_space<semaphore_mem>>)
          } else {
          }
          %jit3A_305 = arith.constant 3 : i32
          %eq3A_306 = arith.constant 0 : i32
          %eq3A_307 = arith.cmpi eq, %jit3A_305, %eq3A_306 : i32
          %jit3A_308 = arith.constant 1 : i32
          %select_n3A_309 = arith.select %eq3A_307, %jit3A_308, %jit3A_305 : i32
          %rem3A_310 = arith.remsi %scan3A_175, %select_n3A_309 : i32
          %ne3A_311 = arith.constant 0 : i32
          %ne3A_312 = arith.cmpi ne, %rem3A_310, %ne3A_311 : i32
          %lt3A_313 = arith.constant 0 : i32
          %lt3A_314 = arith.cmpi slt, %rem3A_310, %lt3A_313 : i32
          %lt3A_315 = arith.constant 0 : i32
          %lt3A_316 = arith.cmpi slt, %select_n3A_309, %lt3A_315 : i32
          %ne3A_317 = arith.xori %lt3A_314, %lt3A_316 : i1
          %and3A_318 = arith.andi %ne3A_317, %ne3A_312 : i1
          %add3A_319 = arith.addi %rem3A_310, %select_n3A_309 : i32
          %select_n3A_320 = arith.select %and3A_318, %add3A_319, %rem3A_310 : i32
          %eq3A_321 = arith.constant 1 : i32
          %eq3A_322 = arith.cmpi eq, %select_n3A_320, %eq3A_321 : i32
          %convert_element_type3A_323 = arith.extui %eq3A_322 : i1 to i32
          %cond3A_324 = arith.constant 0 : i32
          %cond3A_325 = arith.cmpi ne, %convert_element_type3A_323, %cond3A_324 : i32
          scf.if %cond3A_325 {
            %add3A_347 = arith.constant 6 : i32
            %add3A_348 = arith.addi %scan3A_175, %add3A_347 : i32
            %dma_start3A_349 = arith.constant 0 : i32
            %dma_start3A_350 = arith.constant 0 : i32
            %dma_start3A_351 = tpu.memref_slice %arg10[%select_n3A_283, %dma_start3A_349, %dma_start3A_350] : memref<7x24x128xf32, #tpu.memory_space<vmem>> -> memref<1x24x128xf32, #tpu.memory_space<vmem>>
            %dma_start3A_352 = tpu.memref_squeeze %dma_start3A_351 : memref<1x24x128xf32, #tpu.memory_space<vmem>> -> memref<24x128xf32, #tpu.memory_space<vmem>>
            %dma_start3A_353 = arith.constant 0 : i32
            %dma_start3A_354 = tpu.memref_slice %arg8[%add3A_348, %dma_start3A_353] : memref<105x24xi32, #tpu.memory_space<vmem>> -> memref<1x24xi32, #tpu.memory_space<vmem>>
            %dma_start3A_355 = tpu.memref_squeeze %dma_start3A_354 : memref<1x24xi32, #tpu.memory_space<vmem>> -> memref<24xi32, #tpu.memory_space<vmem>>
            %dma_start3A_356 = arith.constant 0 : i32
            %dma_start3A_357 = tpu.memref_slice %arg2[%dma_start3A_356, %multiple_of3A] : memref<10000x256xf32, #tpu.memory_space<hbm>> -> memref<10000x128xf32, #tpu.memory_space<hbm>>
            tpu.enqueue_indirect_dma source(%dma_start3A_357 : memref<10000x128xf32, #tpu.memory_space<hbm>>) target(%dma_start3A_352 : memref<24x128xf32, #tpu.memory_space<vmem>>) offsets(%dma_start3A_355 : memref<24xi32, #tpu.memory_space<vmem>>) semaphore(%arg12 : memref<!tpu.dma_semaphore, #tpu.memory_space<semaphore_mem>>)
          } else {
          }
          %jit3A_326 = arith.constant 3 : i32
          %eq3A_327 = arith.constant 0 : i32
          %eq3A_328 = arith.cmpi eq, %jit3A_326, %eq3A_327 : i32
          %jit3A_329 = arith.constant 1 : i32
          %select_n3A_330 = arith.select %eq3A_328, %jit3A_329, %jit3A_326 : i32
          %rem3A_331 = arith.remsi %scan3A_175, %select_n3A_330 : i32
          %ne3A_332 = arith.constant 0 : i32
          %ne3A_333 = arith.cmpi ne, %rem3A_331, %ne3A_332 : i32
          %lt3A_334 = arith.constant 0 : i32
          %lt3A_335 = arith.cmpi slt, %rem3A_331, %lt3A_334 : i32
          %lt3A_336 = arith.constant 0 : i32
          %lt3A_337 = arith.cmpi slt, %select_n3A_330, %lt3A_336 : i32
          %ne3A_338 = arith.xori %lt3A_335, %lt3A_337 : i1
          %and3A_339 = arith.andi %ne3A_338, %ne3A_333 : i1
          %add3A_340 = arith.addi %rem3A_331, %select_n3A_330 : i32
          %select_n3A_341 = arith.select %and3A_339, %add3A_340, %rem3A_331 : i32
          %eq3A_342 = arith.constant 2 : i32
          %eq3A_343 = arith.cmpi eq, %select_n3A_341, %eq3A_342 : i32
          %convert_element_type3A_344 = arith.extui %eq3A_343 : i1 to i32
          %cond3A_345 = arith.constant 0 : i32
          %cond3A_346 = arith.cmpi ne, %convert_element_type3A_344, %cond3A_345 : i32
          scf.if %cond3A_346 {
            %add3A_347 = arith.constant 6 : i32
            %add3A_348 = arith.addi %scan3A_175, %add3A_347 : i32
            %dma_start3A_349 = arith.constant 0 : i32
            %dma_start3A_350 = arith.constant 0 : i32
            %dma_start3A_351 = tpu.memref_slice %arg10[%select_n3A_283, %dma_start3A_349, %dma_start3A_350] : memref<7x24x128xf32, #tpu.memory_space<vmem>> -> memref<1x24x128xf32, #tpu.memory_space<vmem>>
            %dma_start3A_352 = tpu.memref_squeeze %dma_start3A_351 : memref<1x24x128xf32, #tpu.memory_space<vmem>> -> memref<24x128xf32, #tpu.memory_space<vmem>>
            %dma_start3A_353 = arith.constant 0 : i32
            %dma_start3A_354 = tpu.memref_slice %arg8[%add3A_348, %dma_start3A_353] : memref<105x24xi32, #tpu.memory_space<vmem>> -> memref<1x24xi32, #tpu.memory_space<vmem>>
            %dma_start3A_355 = tpu.memref_squeeze %dma_start3A_354 : memref<1x24xi32, #tpu.memory_space<vmem>> -> memref<24xi32, #tpu.memory_space<vmem>>
            %dma_start3A_356 = arith.constant 0 : i32
            %dma_start3A_357 = tpu.memref_slice %arg2[%dma_start3A_356, %multiple_of3A] : memref<10000x256xf32, #tpu.memory_space<hbm>> -> memref<10000x128xf32, #tpu.memory_space<hbm>>
            tpu.enqueue_indirect_dma source(%dma_start3A_357 : memref<10000x128xf32, #tpu.memory_space<hbm>>) target(%dma_start3A_352 : memref<24x128xf32, #tpu.memory_space<vmem>>) offsets(%dma_start3A_355 : memref<24xi32, #tpu.memory_space<vmem>>) semaphore(%arg13 : memref<!tpu.dma_semaphore, #tpu.memory_space<semaphore_mem>>)
          } else {
          }
        } else {
        }
        %scan3A_265 = arith.constant 0 : i32
        scf.yield %scan3A_265 : i32
      }
      %scan3A_162 = arith.constant 105 : i32
      %dma_wait3A = arith.constant 0 : i32
      %dma_wait3A_163 = arith.constant 0 : i32
      %dma_wait3A_164 = arith.constant 0 : i32
      %dma_wait3A_165 = arith.constant 0 : i32
      %dma_wait3A_166 = tpu.memref_slice %arg10[%dma_wait3A, %dma_wait3A_164, %dma_wait3A_165] : memref<7x24x128xf32, #tpu.memory_space<vmem>> -> memref<1x24x128xf32, #tpu.memory_space<vmem>>
      %dma_wait3A_167 = tpu.memref_squeeze %dma_wait3A_166 : memref<1x24x128xf32, #tpu.memory_space<vmem>> -> memref<24x128xf32, #tpu.memory_space<vmem>>
      %dma_wait3A_168 = arith.constant 0 : i32
      %dma_wait3A_169 = tpu.memref_slice %arg9[%dma_wait3A_163, %dma_wait3A_168] : memref<105x24xi32, #tpu.memory_space<vmem>> -> memref<1x24xi32, #tpu.memory_space<vmem>>
      %dma_wait3A_170 = tpu.memref_squeeze %dma_wait3A_169 : memref<1x24xi32, #tpu.memory_space<vmem>> -> memref<24xi32, #tpu.memory_space<vmem>>
      %dma_wait3A_171 = arith.constant 0 : i32
      %dma_wait3A_172 = arith.constant 0 : i32
      %dma_wait3A_173 = tpu.memref_slice %arg7[%dma_wait3A_171, %dma_wait3A_172] : memref<10112x128xf32, #tpu.memory_space<vmem_shared>> -> memref<10112x128xf32, #tpu.memory_space<vmem_shared>>
      tpu.wait_indirect_dma semaphore(%arg14 : memref<!tpu.dma_semaphore, #tpu.memory_space<semaphore_mem>>) src(%dma_wait3A_167 : memref<24x128xf32, #tpu.memory_space<vmem>>) dst(%dma_wait3A_173 : memref<10112x128xf32, #tpu.memory_space<vmem_shared>>)
      %scan3A_174 = arith.constant 0 : i32
      scf.yield %scan3A_174 : i32
    }
    %scan3A_29 = arith.constant 4 : i32
    %barrier3A_30 = arith.constant 0 : index
    tpu.barrier barrier_id(%barrier3A_30)
    %scan3A_31 = arith.constant 0 : i32
    %scan3A_32 = arith.constant 0 : i32
    %scan3A_33 = arith.constant 79 : i32
    %scan3A_34 = arith.addi %scan3A_32, %scan3A_33 : i32
    %scan3A_35 = arith.constant 1 : i32
    %scan3A_36 = scf.for %scan3A_89 = %scan3A_32 to %scan3A_34 step %scan3A_35 iter_args(%scan3A_90 = %scan3A_31) -> (i32)  : i32 {
      %mul3A_91 = arith.constant 8 : i32
      %mul3A_92 = arith.muli %scan3A_89, %mul3A_91 : i32
      %add3A = arith.addi %mul3A_0, %mul3A_92 : i32
      %mul3A_93 = arith.constant 8 : i32
      %mul3A_94 = arith.muli %scan3A_89, %mul3A_93 : i32
      %add3A_95 = arith.addi %mul3A_0, %mul3A_94 : i32
      %dma_start3A = arith.constant 0 : i32
      %dma_start3A_96 = arith.constant 0 : i32
      %dma_start3A_97 = tpu.memref_slice %arg6[%dma_start3A, %arg0, %add3A_95, %dma_start3A_96] : memref<2x2x10240x128xf32, #tpu.memory_space<hbm>> -> memref<1x1x8x128xf32, #tpu.memory_space<hbm>>
      %dma_start3A_98 = tpu.memref_squeeze %dma_start3A_97 : memref<1x1x8x128xf32, #tpu.memory_space<hbm>> -> memref<8x128xf32, #tpu.memory_space<hbm>>
      %dma_start3A_99 = arith.constant 0 : i32
      %dma_start3A_100 = tpu.memref_slice %arg7[%add3A, %dma_start3A_99] : memref<10112x128xf32, #tpu.memory_space<vmem_shared>> -> memref<8x128xf32, #tpu.memory_space<vmem_shared>>
      tpu.enqueue_dma source(%dma_start3A_100 : memref<8x128xf32, #tpu.memory_space<vmem_shared>>) target(%dma_start3A_98 : memref<8x128xf32, #tpu.memory_space<hbm>>) target_semaphore(%arg14 : memref<!tpu.dma_semaphore, #tpu.memory_space<semaphore_mem>>)
      %scan3A_101 = arith.constant 0 : i32
      scf.yield %scan3A_101 : i32
    }
    %scan3A_37 = arith.constant 79 : i32
    %scan3A_38 = arith.constant 0 : i32
    %scan3A_39 = arith.constant 0 : i32
    %scan3A_40 = arith.constant 79 : i32
    %scan3A_41 = arith.addi %scan3A_39, %scan3A_40 : i32
    %scan3A_42 = arith.constant 1 : i32
    %scan3A_43 = scf.for %scan3A_89 = %scan3A_39 to %scan3A_41 step %scan3A_42 iter_args(%scan3A_90 = %scan3A_38) -> (i32)  : i32 {
      %dma_wait3A = arith.constant 0 : i32
      %dma_wait3A_91 = arith.constant 0 : i32
      %dma_wait3A_92 = tpu.memref_slice %arg6[%dma_wait3A, %arg0, %mul3A_0, %dma_wait3A_91] : memref<2x2x10240x128xf32, #tpu.memory_space<hbm>> -> memref<1x1x8x128xf32, #tpu.memory_space<hbm>>
      %dma_wait3A_93 = tpu.memref_squeeze %dma_wait3A_92 : memref<1x1x8x128xf32, #tpu.memory_space<hbm>> -> memref<8x128xf32, #tpu.memory_space<hbm>>
      %dma_wait3A_94 = arith.constant 0 : i32
      %dma_wait3A_95 = tpu.memref_slice %arg7[%mul3A_0, %dma_wait3A_94] : memref<10112x128xf32, #tpu.memory_space<vmem_shared>> -> memref<8x128xf32, #tpu.memory_space<vmem_shared>>
      tpu.wait_dma2 semaphore(%arg14 : memref<!tpu.dma_semaphore, #tpu.memory_space<semaphore_mem>>) src(%dma_wait3A_95 : memref<8x128xf32, #tpu.memory_space<vmem_shared>>) dst(%dma_wait3A_93 : memref<8x128xf32, #tpu.memory_space<hbm>>)
      %scan3A_96 = arith.constant 0 : i32
      scf.yield %scan3A_96 : i32
    }
    %scan3A_44 = arith.constant 79 : i32
    %scan3A_45 = arith.constant 0 : i32
    %scan3A_46 = arith.constant 0 : i32
    %scan3A_47 = arith.constant 192 : i32
    %scan3A_48 = arith.addi %scan3A_46, %scan3A_47 : i32
    %scan3A_49 = arith.constant 1 : i32
    %scan3A_50 = scf.for %scan3A_89 = %scan3A_46 to %scan3A_48 step %scan3A_49 iter_args(%scan3A_90 = %scan3A_45) -> (i32)  : i32 {
      %jit3A = arith.constant 8 : i32
      %div3A = arith.divsi %scan3A_89, %jit3A : i32
      %sign3A = arith.constant 0 : i32
      %sign3A_91 = arith.cmpi sgt, %scan3A_89, %sign3A : i32
      %sign3A_92 = arith.extui %sign3A_91 : i1 to i32
      %sign3A_93 = arith.constant 0 : i32
      %sign3A_94 = arith.cmpi slt, %scan3A_89, %sign3A_93 : i32
      %sign3A_95 = arith.extui %sign3A_94 : i1 to i32
      %sign3A_96 = arith.subi %sign3A_92, %sign3A_95 : i32
      %sign3A_97 = arith.constant 0 : i32
      %sign3A_98 = arith.cmpi sgt, %jit3A, %sign3A_97 : i32
      %sign3A_99 = arith.extui %sign3A_98 : i1 to i32
      %sign3A_100 = arith.constant 0 : i32
      %sign3A_101 = arith.cmpi slt, %jit3A, %sign3A_100 : i32
      %sign3A_102 = arith.extui %sign3A_101 : i1 to i32
      %sign3A_103 = arith.subi %sign3A_99, %sign3A_102 : i32
      %ne3A = arith.cmpi ne, %sign3A_96, %sign3A_103 : i32
      %rem3A = arith.remsi %scan3A_89, %jit3A : i32
      %ne3A_104 = arith.constant 0 : i32
      %ne3A_105 = arith.cmpi ne, %rem3A, %ne3A_104 : i32
      %and3A = arith.andi %ne3A, %ne3A_105 : i1
      %sub3A = arith.constant 1 : i32
      %sub3A_106 = arith.subi %div3A, %sub3A : i32
      %select_n3A = arith.select %and3A, %sub3A_106, %div3A : i32
      %jit3A_107 = arith.constant 8 : i32
      %eq3A = arith.constant 0 : i32
      %eq3A_108 = arith.cmpi eq, %jit3A_107, %eq3A : i32
      %jit3A_109 = arith.constant 1 : i32
      %select_n3A_110 = arith.select %eq3A_108, %jit3A_109, %jit3A_107 : i32
      %rem3A_111 = arith.remsi %scan3A_89, %select_n3A_110 : i32
      %ne3A_112 = arith.constant 0 : i32
      %ne3A_113 = arith.cmpi ne, %rem3A_111, %ne3A_112 : i32
      %lt3A = arith.constant 0 : i32
      %lt3A_114 = arith.cmpi slt, %rem3A_111, %lt3A : i32
      %lt3A_115 = arith.constant 0 : i32
      %lt3A_116 = arith.cmpi slt, %select_n3A_110, %lt3A_115 : i32
      %ne3A_117 = arith.xori %lt3A_114, %lt3A_116 : i1
      %and3A_118 = arith.andi %ne3A_117, %ne3A_113 : i1
      %add3A = arith.addi %rem3A_111, %select_n3A_110 : i32
      %select_n3A_119 = arith.select %and3A_118, %add3A, %rem3A_111 : i32
      %mul3A_120 = arith.constant 16 : i32
      %mul3A_121 = arith.muli %select_n3A_119, %mul3A_120 : i32
      %broadcast_in_dim3A = arith.constant 0.000000e+00 : f32
      %broadcast_in_dim3A_122 = vector.broadcast %broadcast_in_dim3A : f32 to vector<16xf32>
      %swap3A = arith.constant 0 : i32
      %swap3A_123 = arith.index_cast %swap3A : i32 to index
      %swap3A_124 = arith.index_cast %select_n3A : i32 to index
      %swap3A_125 = arith.index_cast %mul3A_121 : i32 to index
      %swap3A_126 = tpu.vector_load %arg10[%swap3A_123, %swap3A_124, %swap3A_125] {strides = array<i32>} : memref<7x24x128xf32, #tpu.memory_space<vmem>>, vector<1x1x16xf32>,
      %swap3A_127 = vector.shape_cast %swap3A_126 : vector<1x1x16xf32> to vector<16xf32>
      %swap3A_128 = vector.shape_cast %broadcast_in_dim3A_122 : vector<16xf32> to vector<1x1x16xf32>
      tpu.vector_store %arg10[%swap3A_123, %swap3A_124, %swap3A_125], %swap3A_128 {strides = array<i32>} : memref<7x24x128xf32, #tpu.memory_space<vmem>>, vector<1x1x16xf32>,
      %scan3A_129 = arith.constant 0 : i32
      scf.yield %scan3A_129 : i32
    }
    %scan3A_51 = arith.constant 192 : i32
    %scan3A_52 = arith.constant 0 : i32
    %scan3A_53 = arith.constant 0 : i32
    %scan3A_54 = arith.constant 79 : i32
    %scan3A_55 = arith.addi %scan3A_53, %scan3A_54 : i32
    %scan3A_56 = arith.constant 1 : i32
    %scan3A_57 = scf.for %scan3A_89 = %scan3A_53 to %scan3A_55 step %scan3A_56 iter_args(%scan3A_90 = %scan3A_52) -> (i32)  : i32 {
      %mul3A_91 = arith.constant 8 : i32
      %mul3A_92 = arith.muli %scan3A_89, %mul3A_91 : i32
      %add3A = arith.addi %mul3A_0, %mul3A_92 : i32
      %dma_start3A = arith.constant 0 : i32
      %dma_start3A_93 = arith.constant 0 : i32
      %dma_start3A_94 = arith.constant 0 : i32
      %dma_start3A_95 = tpu.memref_slice %arg10[%dma_start3A, %dma_start3A_93, %dma_start3A_94] : memref<7x24x128xf32, #tpu.memory_space<vmem>> -> memref<1x8x128xf32, #tpu.memory_space<vmem>>
      %dma_start3A_96 = tpu.memref_squeeze %dma_start3A_95 : memref<1x8x128xf32, #tpu.memory_space<vmem>> -> memref<8x128xf32, #tpu.memory_space<vmem>>
      %dma_start3A_97 = arith.constant 0 : i32
      %dma_start3A_98 = tpu.memref_slice %arg7[%add3A, %dma_start3A_97] : memref<10112x128xf32, #tpu.memory_space<vmem_shared>> -> memref<8x128xf32, #tpu.memory_space<vmem_shared>>
      %dma_start3A_99 = arith.constant 0 : i32
      %dma_start3A_100 = tpu.memref_slice %arg7[%add3A, %dma_start3A_99] : memref<10112x128xf32, #tpu.memory_space<vmem_shared>> -> memref<8x128xf32, #tpu.memory_space<vmem_shared>>
      %dma_start3A_101 = arith.constant 0 : i32
      %dma_start3A_102 = arith.constant 0 : i32
      %dma_start3A_103 = tpu.memref_slice %arg10[%dma_start3A, %dma_start3A_101, %dma_start3A_102] : memref<7x24x128xf32, #tpu.memory_space<vmem>> -> memref<1x8x128xf32, #tpu.memory_space<vmem>>
      %dma_start3A_104 = tpu.memref_squeeze %dma_start3A_103 : memref<1x8x128xf32, #tpu.memory_space<vmem>> -> memref<8x128xf32, #tpu.memory_space<vmem>>
      tpu.enqueue_dma source(%dma_start3A_104 : memref<8x128xf32, #tpu.memory_space<vmem>>) target(%dma_start3A_100 : memref<8x128xf32, #tpu.memory_space<vmem_shared>>) target_semaphore(%arg14 : memref<!tpu.dma_semaphore, #tpu.memory_space<semaphore_mem>>)
      %scan3A_105 = arith.constant 0 : i32
      scf.yield %scan3A_105 : i32
    }
    %scan3A_58 = arith.constant 79 : i32
    %scan3A_59 = arith.constant 0 : i32
    %scan3A_60 = arith.constant 0 : i32
    %scan3A_61 = arith.constant 79 : i32
    %scan3A_62 = arith.addi %scan3A_60, %scan3A_61 : i32
    %scan3A_63 = arith.constant 1 : i32
    %scan3A_64 = scf.for %scan3A_89 = %scan3A_60 to %scan3A_62 step %scan3A_63 iter_args(%scan3A_90 = %scan3A_59) -> (i32)  : i32 {
      %dma_wait3A = arith.constant 0 : i32
      %dma_wait3A_91 = arith.constant 0 : i32
      %dma_wait3A_92 = arith.constant 0 : i32
      %dma_wait3A_93 = tpu.memref_slice %arg10[%dma_wait3A, %dma_wait3A_91, %dma_wait3A_92] : memref<7x24x128xf32, #tpu.memory_space<vmem>> -> memref<1x8x128xf32, #tpu.memory_space<vmem>>
      %dma_wait3A_94 = tpu.memref_squeeze %dma_wait3A_93 : memref<1x8x128xf32, #tpu.memory_space<vmem>> -> memref<8x128xf32, #tpu.memory_space<vmem>>
      %dma_wait3A_95 = arith.constant 0 : i32
      %dma_wait3A_96 = tpu.memref_slice %arg7[%mul3A_0, %dma_wait3A_95] : memref<10112x128xf32, #tpu.memory_space<vmem_shared>> -> memref<8x128xf32, #tpu.memory_space<vmem_shared>>
      %dma_wait3A_97 = arith.constant 0 : i32
      %dma_wait3A_98 = tpu.memref_slice %arg7[%mul3A_0, %dma_wait3A_97] : memref<10112x128xf32, #tpu.memory_space<vmem_shared>> -> memref<8x128xf32, #tpu.memory_space<vmem_shared>>
      %dma_wait3A_99 = arith.constant 0 : i32
      %dma_wait3A_100 = arith.constant 0 : i32
      %dma_wait3A_101 = tpu.memref_slice %arg10[%dma_wait3A, %dma_wait3A_99, %dma_wait3A_100] : memref<7x24x128xf32, #tpu.memory_space<vmem>> -> memref<1x8x128xf32, #tpu.memory_space<vmem>>
      %dma_wait3A_102 = tpu.memref_squeeze %dma_wait3A_101 : memref<1x8x128xf32, #tpu.memory_space<vmem>> -> memref<8x128xf32, #tpu.memory_space<vmem>>
      tpu.wait_dma2 semaphore(%arg14 : memref<!tpu.dma_semaphore, #tpu.memory_space<semaphore_mem>>) src(%dma_wait3A_102 : memref<8x128xf32, #tpu.memory_space<vmem>>) dst(%dma_wait3A_98 : memref<8x128xf32, #tpu.memory_space<vmem_shared>>)
      %scan3A_103 = arith.constant 0 : i32
      scf.yield %scan3A_103 : i32
    }
    %scan3A_65 = arith.constant 79 : i32
    %barrier3A_66 = arith.constant 0 : index
    tpu.barrier barrier_id(%barrier3A_66)
    %scan3A_67 = arith.constant 0 : i32
    %scan3A_68 = arith.constant 0 : i32
    %scan3A_69 = arith.constant 4 : i32
    %scan3A_70 = arith.addi %scan3A_68, %scan3A_69 : i32
    %scan3A_71 = arith.constant 1 : i32
    %scan3A_72 = scf.for %scan3A_89 = %scan3A_68 to %scan3A_70 step %scan3A_71 iter_args(%scan3A_90 = %scan3A_67) -> (i32)  : i32 {
      "tpu.region"() ({
        %run_scoped3A = tpu.sem_alloc : memref<!tpu.dma_semaphore, #tpu.memory_space<semaphore_mem>>
        %dma_start3A_175 = arith.constant 0 : i32
        %dma_start3A_176 = arith.constant 0 : i32
        %dma_start3A_177 = tpu.memref_slice %arg4[%arg1, %scan3A_89, %dma_start3A_175, %dma_start3A_176] : memref<16x4x105x24xi32, #tpu.memory_space<hbm>> -> memref<1x1x105x24xi32, #tpu.memory_space<hbm>>
        %dma_start3A_178 = tpu.memref_squeeze %dma_start3A_177 : memref<1x1x105x24xi32, #tpu.memory_space<hbm>> -> memref<105x24xi32, #tpu.memory_space<hbm>>
        %dma_start3A_179 = arith.constant 0 : i32
        %dma_start3A_180 = arith.constant 0 : i32
        %dma_start3A_181 = tpu.memref_slice %arg4[%arg1, %scan3A_89, %dma_start3A_179, %dma_start3A_180] : memref<16x4x105x24xi32, #tpu.memory_space<hbm>> -> memref<1x1x105x24xi32, #tpu.memory_space<hbm>>
        %dma_start3A_182 = tpu.memref_squeeze %dma_start3A_181 : memref<1x1x105x24xi32, #tpu.memory_space<hbm>> -> memref<105x24xi32, #tpu.memory_space<hbm>>
        tpu.enqueue_dma source(%dma_start3A_182 : memref<105x24xi32, #tpu.memory_space<hbm>>) target(%arg8 : memref<105x24xi32, #tpu.memory_space<vmem>>) target_semaphore(%run_scoped3A : memref<!tpu.dma_semaphore, #tpu.memory_space<semaphore_mem>>)
        %dma_wait3A_183 = arith.constant 0 : i32
        %dma_wait3A_184 = arith.constant 0 : i32
        %dma_wait3A_185 = tpu.memref_slice %arg4[%arg1, %scan3A_89, %dma_wait3A_183, %dma_wait3A_184] : memref<16x4x105x24xi32, #tpu.memory_space<hbm>> -> memref<1x1x105x24xi32, #tpu.memory_space<hbm>>
        %dma_wait3A_186 = tpu.memref_squeeze %dma_wait3A_185 : memref<1x1x105x24xi32, #tpu.memory_space<hbm>> -> memref<105x24xi32, #tpu.memory_space<hbm>>
        %dma_wait3A_187 = arith.constant 0 : i32
        %dma_wait3A_188 = arith.constant 0 : i32
        %dma_wait3A_189 = tpu.memref_slice %arg4[%arg1, %scan3A_89, %dma_wait3A_187, %dma_wait3A_188] : memref<16x4x105x24xi32, #tpu.memory_space<hbm>> -> memref<1x1x105x24xi32, #tpu.memory_space<hbm>>
        %dma_wait3A_190 = tpu.memref_squeeze %dma_wait3A_189 : memref<1x1x105x24xi32, #tpu.memory_space<hbm>> -> memref<105x24xi32, #tpu.memory_space<hbm>>
        tpu.wait_dma2 semaphore(%run_scoped3A : memref<!tpu.dma_semaphore, #tpu.memory_space<semaphore_mem>>) src(%dma_wait3A_190 : memref<105x24xi32, #tpu.memory_space<hbm>>) dst(%arg8 : memref<105x24xi32, #tpu.memory_space<vmem>>)
        tpu.yield
      }) : () -> ()
      "tpu.region"() ({
        %run_scoped3A = tpu.sem_alloc : memref<!tpu.dma_semaphore, #tpu.memory_space<semaphore_mem>>
        %dma_start3A_175 = arith.constant 0 : i32
        %dma_start3A_176 = arith.constant 0 : i32
        %dma_start3A_177 = tpu.memref_slice %arg5[%arg1, %scan3A_89, %dma_start3A_175, %dma_start3A_176] : memref<16x4x105x24xi32, #tpu.memory_space<hbm>> -> memref<1x1x105x24xi32, #tpu.memory_space<hbm>>
        %dma_start3A_178 = tpu.memref_squeeze %dma_start3A_177 : memref<1x1x105x24xi32, #tpu.memory_space<hbm>> -> memref<105x24xi32, #tpu.memory_space<hbm>>
        %dma_start3A_179 = arith.constant 0 : i32
        %dma_start3A_180 = arith.constant 0 : i32
        %dma_start3A_181 = tpu.memref_slice %arg5[%arg1, %scan3A_89, %dma_start3A_179, %dma_start3A_180] : memref<16x4x105x24xi32, #tpu.memory_space<hbm>> -> memref<1x1x105x24xi32, #tpu.memory_space<hbm>>
        %dma_start3A_182 = tpu.memref_squeeze %dma_start3A_181 : memref<1x1x105x24xi32, #tpu.memory_space<hbm>> -> memref<105x24xi32, #tpu.memory_space<hbm>>
        tpu.enqueue_dma source(%dma_start3A_182 : memref<105x24xi32, #tpu.memory_space<hbm>>) target(%arg9 : memref<105x24xi32, #tpu.memory_space<vmem>>) target_semaphore(%run_scoped3A : memref<!tpu.dma_semaphore, #tpu.memory_space<semaphore_mem>>)
        %dma_wait3A_183 = arith.constant 0 : i32
        %dma_wait3A_184 = arith.constant 0 : i32
        %dma_wait3A_185 = tpu.memref_slice %arg5[%arg1, %scan3A_89, %dma_wait3A_183, %dma_wait3A_184] : memref<16x4x105x24xi32, #tpu.memory_space<hbm>> -> memref<1x1x105x24xi32, #tpu.memory_space<hbm>>
        %dma_wait3A_186 = tpu.memref_squeeze %dma_wait3A_185 : memref<1x1x105x24xi32, #tpu.memory_space<hbm>> -> memref<105x24xi32, #tpu.memory_space<hbm>>
        %dma_wait3A_187 = arith.constant 0 : i32
        %dma_wait3A_188 = arith.constant 0 : i32
        %dma_wait3A_189 = tpu.memref_slice %arg5[%arg1, %scan3A_89, %dma_wait3A_187, %dma_wait3A_188] : memref<16x4x105x24xi32, #tpu.memory_space<hbm>> -> memref<1x1x105x24xi32, #tpu.memory_space<hbm>>
        %dma_wait3A_190 = tpu.memref_squeeze %dma_wait3A_189 : memref<1x1x105x24xi32, #tpu.memory_space<hbm>> -> memref<105x24xi32, #tpu.memory_space<hbm>>
        tpu.wait_dma2 semaphore(%run_scoped3A : memref<!tpu.dma_semaphore, #tpu.memory_space<semaphore_mem>>) src(%dma_wait3A_190 : memref<105x24xi32, #tpu.memory_space<hbm>>) dst(%arg9 : memref<105x24xi32, #tpu.memory_space<vmem>>)
        tpu.yield
      }) : () -> ()
      %dma_start3A = arith.constant 0 : i32
      %dma_start3A_91 = arith.constant 0 : i32
      %dma_start3A_92 = arith.constant 0 : i32
      %dma_start3A_93 = arith.constant 0 : i32
      %dma_start3A_94 = tpu.memref_slice %arg10[%dma_start3A_91, %dma_start3A_92, %dma_start3A_93] : memref<7x24x128xf32, #tpu.memory_space<vmem>> -> memref<1x24x128xf32, #tpu.memory_space<vmem>>
      %dma_start3A_95 = tpu.memref_squeeze %dma_start3A_94 : memref<1x24x128xf32, #tpu.memory_space<vmem>> -> memref<24x128xf32, #tpu.memory_space<vmem>>
      %dma_start3A_96 = arith.constant 0 : i32
      %dma_start3A_97 = tpu.memref_slice %arg8[%dma_start3A, %dma_start3A_96] : memref<105x24xi32, #tpu.memory_space<vmem>> -> memref<1x24xi32, #tpu.memory_space<vmem>>
      %dma_start3A_98 = tpu.memref_squeeze %dma_start3A_97 : memref<1x24xi32, #tpu.memory_space<vmem>> -> memref<24xi32, #tpu.memory_space<vmem>>
      %dma_start3A_99 = arith.constant 0 : i32
      %dma_start3A_100 = tpu.memref_slice %arg3[%dma_start3A_99, %multiple_of3A] : memref<10000x256xf32, #tpu.memory_space<hbm>> -> memref<10000x128xf32, #tpu.memory_space<hbm>>
      tpu.enqueue_indirect_dma source(%dma_start3A_100 : memref<10000x128xf32, #tpu.memory_space<hbm>>) target(%dma_start3A_95 : memref<24x128xf32, #tpu.memory_space<vmem>>) offsets(%dma_start3A_98 : memref<24xi32, #tpu.memory_space<vmem>>) semaphore(%arg11 : memref<!tpu.dma_semaphore, #tpu.memory_space<semaphore_mem>>)
      %dma_start3A_101 = arith.constant 1 : i32
      %dma_start3A_102 = arith.constant 1 : i32
      %dma_start3A_103 = arith.constant 0 : i32
      %dma_start3A_104 = arith.constant 0 : i32
      %dma_start3A_105 = tpu.memref_slice %arg10[%dma_start3A_102, %dma_start3A_103, %dma_start3A_104] : memref<7x24x128xf32, #tpu.memory_space<vmem>> -> memref<1x24x128xf32, #tpu.memory_space<vmem>>
      %dma_start3A_106 = tpu.memref_squeeze %dma_start3A_105 : memref<1x24x128xf32, #tpu.memory_space<vmem>> -> memref<24x128xf32, #tpu.memory_space<vmem>>
      %dma_start3A_107 = arith.constant 0 : i32
      %dma_start3A_108 = tpu.memref_slice %arg8[%dma_start3A_101, %dma_start3A_107] : memref<105x24xi32, #tpu.memory_space<vmem>> -> memref<1x24xi32, #tpu.memory_space<vmem>>
      %dma_start3A_109 = tpu.memref_squeeze %dma_start3A_108 : memref<1x24xi32, #tpu.memory_space<vmem>> -> memref<24xi32, #tpu.memory_space<vmem>>
      %dma_start3A_110 = arith.constant 0 : i32
      %dma_start3A_111 = tpu.memref_slice %arg3[%dma_start3A_110, %multiple_of3A] : memref<10000x256xf32, #tpu.memory_space<hbm>> -> memref<10000x128xf32, #tpu.memory_space<hbm>>
      tpu.enqueue_indirect_dma source(%dma_start3A_111 : memref<10000x128xf32, #tpu.memory_space<hbm>>) target(%dma_start3A_106 : memref<24x128xf32, #tpu.memory_space<vmem>>) offsets(%dma_start3A_109 : memref<24xi32, #tpu.memory_space<vmem>>) semaphore(%arg12 : memref<!tpu.dma_semaphore, #tpu.memory_space<semaphore_mem>>)
      %dma_start3A_112 = arith.constant 2 : i32
      %dma_start3A_113 = arith.constant 2 : i32
      %dma_start3A_114 = arith.constant 0 : i32
      %dma_start3A_115 = arith.constant 0 : i32
      %dma_start3A_116 = tpu.memref_slice %arg10[%dma_start3A_113, %dma_start3A_114, %dma_start3A_115] : memref<7x24x128xf32, #tpu.memory_space<vmem>> -> memref<1x24x128xf32, #tpu.memory_space<vmem>>
      %dma_start3A_117 = tpu.memref_squeeze %dma_start3A_116 : memref<1x24x128xf32, #tpu.memory_space<vmem>> -> memref<24x128xf32, #tpu.memory_space<vmem>>
      %dma_start3A_118 = arith.constant 0 : i32
      %dma_start3A_119 = tpu.memref_slice %arg8[%dma_start3A_112, %dma_start3A_118] : memref<105x24xi32, #tpu.memory_space<vmem>> -> memref<1x24xi32, #tpu.memory_space<vmem>>
      %dma_start3A_120 = tpu.memref_squeeze %dma_start3A_119 : memref<1x24xi32, #tpu.memory_space<vmem>> -> memref<24xi32, #tpu.memory_space<vmem>>
      %dma_start3A_121 = arith.constant 0 : i32
      %dma_start3A_122 = tpu.memref_slice %arg3[%dma_start3A_121, %multiple_of3A] : memref<10000x256xf32, #tpu.memory_space<hbm>> -> memref<10000x128xf32, #tpu.memory_space<hbm>>
      tpu.enqueue_indirect_dma source(%dma_start3A_122 : memref<10000x128xf32, #tpu.memory_space<hbm>>) target(%dma_start3A_117 : memref<24x128xf32, #tpu.memory_space<vmem>>) offsets(%dma_start3A_120 : memref<24xi32, #tpu.memory_space<vmem>>) semaphore(%arg13 : memref<!tpu.dma_semaphore, #tpu.memory_space<semaphore_mem>>)
      %dma_start3A_123 = arith.constant 3 : i32
      %dma_start3A_124 = arith.constant 3 : i32
      %dma_start3A_125 = arith.constant 0 : i32
      %dma_start3A_126 = arith.constant 0 : i32
      %dma_start3A_127 = tpu.memref_slice %arg10[%dma_start3A_124, %dma_start3A_125, %dma_start3A_126] : memref<7x24x128xf32, #tpu.memory_space<vmem>> -> memref<1x24x128xf32, #tpu.memory_space<vmem>>
      %dma_start3A_128 = tpu.memref_squeeze %dma_start3A_127 : memref<1x24x128xf32, #tpu.memory_space<vmem>> -> memref<24x128xf32, #tpu.memory_space<vmem>>
      %dma_start3A_129 = arith.constant 0 : i32
      %dma_start3A_130 = tpu.memref_slice %arg8[%dma_start3A_123, %dma_start3A_129] : memref<105x24xi32, #tpu.memory_space<vmem>> -> memref<1x24xi32, #tpu.memory_space<vmem>>
      %dma_start3A_131 = tpu.memref_squeeze %dma_start3A_130 : memref<1x24xi32, #tpu.memory_space<vmem>> -> memref<24xi32, #tpu.memory_space<vmem>>
      %dma_start3A_132 = arith.constant 0 : i32
      %dma_start3A_133 = tpu.memref_slice %arg3[%dma_start3A_132, %multiple_of3A] : memref<10000x256xf32, #tpu.memory_space<hbm>> -> memref<10000x128xf32, #tpu.memory_space<hbm>>
      tpu.enqueue_indirect_dma source(%dma_start3A_133 : memref<10000x128xf32, #tpu.memory_space<hbm>>) target(%dma_start3A_128 : memref<24x128xf32, #tpu.memory_space<vmem>>) offsets(%dma_start3A_131 : memref<24xi32, #tpu.memory_space<vmem>>) semaphore(%arg11 : memref<!tpu.dma_semaphore, #tpu.memory_space<semaphore_mem>>)
      %dma_start3A_134 = arith.constant 4 : i32
      %dma_start3A_135 = arith.constant 4 : i32
      %dma_start3A_136 = arith.constant 0 : i32
      %dma_start3A_137 = arith.constant 0 : i32
      %dma_start3A_138 = tpu.memref_slice %arg10[%dma_start3A_135, %dma_start3A_136, %dma_start3A_137] : memref<7x24x128xf32, #tpu.memory_space<vmem>> -> memref<1x24x128xf32, #tpu.memory_space<vmem>>
      %dma_start3A_139 = tpu.memref_squeeze %dma_start3A_138 : memref<1x24x128xf32, #tpu.memory_space<vmem>> -> memref<24x128xf32, #tpu.memory_space<vmem>>
      %dma_start3A_140 = arith.constant 0 : i32
      %dma_start3A_141 = tpu.memref_slice %arg8[%dma_start3A_134, %dma_start3A_140] : memref<105x24xi32, #tpu.memory_space<vmem>> -> memref<1x24xi32, #tpu.memory_space<vmem>>
      %dma_start3A_142 = tpu.memref_squeeze %dma_start3A_141 : memref<1x24xi32, #tpu.memory_space<vmem>> -> memref<24xi32, #tpu.memory_space<vmem>>
      %dma_start3A_143 = arith.constant 0 : i32
      %dma_start3A_144 = tpu.memref_slice %arg3[%dma_start3A_143, %multiple_of3A] : memref<10000x256xf32, #tpu.memory_space<hbm>> -> memref<10000x128xf32, #tpu.memory_space<hbm>>
      tpu.enqueue_indirect_dma source(%dma_start3A_144 : memref<10000x128xf32, #tpu.memory_space<hbm>>) target(%dma_start3A_139 : memref<24x128xf32, #tpu.memory_space<vmem>>) offsets(%dma_start3A_142 : memref<24xi32, #tpu.memory_space<vmem>>) semaphore(%arg12 : memref<!tpu.dma_semaphore, #tpu.memory_space<semaphore_mem>>)
      %dma_start3A_145 = arith.constant 5 : i32
      %dma_start3A_146 = arith.constant 5 : i32
      %dma_start3A_147 = arith.constant 0 : i32
      %dma_start3A_148 = arith.constant 0 : i32
      %dma_start3A_149 = tpu.memref_slice %arg10[%dma_start3A_146, %dma_start3A_147, %dma_start3A_148] : memref<7x24x128xf32, #tpu.memory_space<vmem>> -> memref<1x24x128xf32, #tpu.memory_space<vmem>>
      %dma_start3A_150 = tpu.memref_squeeze %dma_start3A_149 : memref<1x24x128xf32, #tpu.memory_space<vmem>> -> memref<24x128xf32, #tpu.memory_space<vmem>>
      %dma_start3A_151 = arith.constant 0 : i32
      %dma_start3A_152 = tpu.memref_slice %arg8[%dma_start3A_145, %dma_start3A_151] : memref<105x24xi32, #tpu.memory_space<vmem>> -> memref<1x24xi32, #tpu.memory_space<vmem>>
      %dma_start3A_153 = tpu.memref_squeeze %dma_start3A_152 : memref<1x24xi32, #tpu.memory_space<vmem>> -> memref<24xi32, #tpu.memory_space<vmem>>
      %dma_start3A_154 = arith.constant 0 : i32
      %dma_start3A_155 = tpu.memref_slice %arg3[%dma_start3A_154, %multiple_of3A] : memref<10000x256xf32, #tpu.memory_space<hbm>> -> memref<10000x128xf32, #tpu.memory_space<hbm>>
      tpu.enqueue_indirect_dma source(%dma_start3A_155 : memref<10000x128xf32, #tpu.memory_space<hbm>>) target(%dma_start3A_150 : memref<24x128xf32, #tpu.memory_space<vmem>>) offsets(%dma_start3A_153 : memref<24xi32, #tpu.memory_space<vmem>>) semaphore(%arg13 : memref<!tpu.dma_semaphore, #tpu.memory_space<semaphore_mem>>)
      %scan3A_156 = arith.constant 0 : i32
      %scan3A_157 = arith.constant 0 : i32
      %scan3A_158 = arith.constant 105 : i32
      %scan3A_159 = arith.addi %scan3A_157, %scan3A_158 : i32
      %scan3A_160 = arith.constant 1 : i32
      %scan3A_161 = scf.for %scan3A_175 = %scan3A_157 to %scan3A_159 step %scan3A_160 iter_args(%scan3A_176 = %scan3A_156) -> (i32)  : i32 {
        %jit3A = arith.constant 7 : i32
        %eq3A = arith.constant 0 : i32
        %eq3A_177 = arith.cmpi eq, %jit3A, %eq3A : i32
        %jit3A_178 = arith.constant 1 : i32
        %select_n3A = arith.select %eq3A_177, %jit3A_178, %jit3A : i32
        %rem3A = arith.remsi %scan3A_175, %select_n3A : i32
        %ne3A = arith.constant 0 : i32
        %ne3A_179 = arith.cmpi ne, %rem3A, %ne3A : i32
        %lt3A = arith.constant 0 : i32
        %lt3A_180 = arith.cmpi slt, %rem3A, %lt3A : i32
        %lt3A_181 = arith.constant 0 : i32
        %lt3A_182 = arith.cmpi slt, %select_n3A, %lt3A_181 : i32
        %ne3A_183 = arith.xori %lt3A_180, %lt3A_182 : i1
        %and3A = arith.andi %ne3A_183, %ne3A_179 : i1
        %add3A = arith.addi %rem3A, %select_n3A : i32
        %select_n3A_184 = arith.select %and3A, %add3A, %rem3A : i32
        %jit3A_185 = arith.constant 3 : i32
        %eq3A_186 = arith.constant 0 : i32
        %eq3A_187 = arith.cmpi eq, %jit3A_185, %eq3A_186 : i32
        %jit3A_188 = arith.constant 1 : i32
        %select_n3A_189 = arith.select %eq3A_187, %jit3A_188, %jit3A_185 : i32
        %rem3A_190 = arith.remsi %scan3A_175, %select_n3A_189 : i32
        %ne3A_191 = arith.constant 0 : i32
        %ne3A_192 = arith.cmpi ne, %rem3A_190, %ne3A_191 : i32
        %lt3A_193 = arith.constant 0 : i32
        %lt3A_194 = arith.cmpi slt, %rem3A_190, %lt3A_193 : i32
        %lt3A_195 = arith.constant 0 : i32
        %lt3A_196 = arith.cmpi slt, %select_n3A_189, %lt3A_195 : i32
        %ne3A_197 = arith.xori %lt3A_194, %lt3A_196 : i1
        %and3A_198 = arith.andi %ne3A_197, %ne3A_192 : i1
        %add3A_199 = arith.addi %rem3A_190, %select_n3A_189 : i32
        %select_n3A_200 = arith.select %and3A_198, %add3A_199, %rem3A_190 : i32
        %eq3A_201 = arith.constant 0 : i32
        %eq3A_202 = arith.cmpi eq, %select_n3A_200, %eq3A_201 : i32
        %convert_element_type3A = arith.extui %eq3A_202 : i1 to i32
        %cond3A = arith.constant 0 : i32
        %cond3A_203 = arith.cmpi ne, %convert_element_type3A, %cond3A : i32
        scf.if %cond3A_203 {
          %dma_wait3A_266 = arith.constant 0 : i32
          %dma_wait3A_267 = arith.constant 0 : i32
          %dma_wait3A_268 = tpu.memref_slice %arg10[%select_n3A_184, %dma_wait3A_266, %dma_wait3A_267] : memref<7x24x128xf32, #tpu.memory_space<vmem>> -> memref<1x24x128xf32, #tpu.memory_space<vmem>>
          %dma_wait3A_269 = tpu.memref_squeeze %dma_wait3A_268 : memref<1x24x128xf32, #tpu.memory_space<vmem>> -> memref<24x128xf32, #tpu.memory_space<vmem>>
          %dma_wait3A_270 = arith.constant 0 : i32
          %dma_wait3A_271 = tpu.memref_slice %arg8[%scan3A_175, %dma_wait3A_270] : memref<105x24xi32, #tpu.memory_space<vmem>> -> memref<1x24xi32, #tpu.memory_space<vmem>>
          %dma_wait3A_272 = tpu.memref_squeeze %dma_wait3A_271 : memref<1x24xi32, #tpu.memory_space<vmem>> -> memref<24xi32, #tpu.memory_space<vmem>>
          %dma_wait3A_273 = arith.constant 0 : i32
          %dma_wait3A_274 = tpu.memref_slice %arg3[%dma_wait3A_273, %multiple_of3A] : memref<10000x256xf32, #tpu.memory_space<hbm>> -> memref<10000x128xf32, #tpu.memory_space<hbm>>
          tpu.wait_indirect_dma semaphore(%arg11 : memref<!tpu.dma_semaphore, #tpu.memory_space<semaphore_mem>>) src(%dma_wait3A_274 : memref<10000x128xf32, #tpu.memory_space<hbm>>) dst(%dma_wait3A_269 : memref<24x128xf32, #tpu.memory_space<vmem>>)
        } else {
        }
        %jit3A_204 = arith.constant 3 : i32
        %eq3A_205 = arith.constant 0 : i32
        %eq3A_206 = arith.cmpi eq, %jit3A_204, %eq3A_205 : i32
        %jit3A_207 = arith.constant 1 : i32
        %select_n3A_208 = arith.select %eq3A_206, %jit3A_207, %jit3A_204 : i32
        %rem3A_209 = arith.remsi %scan3A_175, %select_n3A_208 : i32
        %ne3A_210 = arith.constant 0 : i32
        %ne3A_211 = arith.cmpi ne, %rem3A_209, %ne3A_210 : i32
        %lt3A_212 = arith.constant 0 : i32
        %lt3A_213 = arith.cmpi slt, %rem3A_209, %lt3A_212 : i32
        %lt3A_214 = arith.constant 0 : i32
        %lt3A_215 = arith.cmpi slt, %select_n3A_208, %lt3A_214 : i32
        %ne3A_216 = arith.xori %lt3A_213, %lt3A_215 : i1
        %and3A_217 = arith.andi %ne3A_216, %ne3A_211 : i1
        %add3A_218 = arith.addi %rem3A_209, %select_n3A_208 : i32
        %select_n3A_219 = arith.select %and3A_217, %add3A_218, %rem3A_209 : i32
        %eq3A_220 = arith.constant 1 : i32
        %eq3A_221 = arith.cmpi eq, %select_n3A_219, %eq3A_220 : i32
        %convert_element_type3A_222 = arith.extui %eq3A_221 : i1 to i32
        %cond3A_223 = arith.constant 0 : i32
        %cond3A_224 = arith.cmpi ne, %convert_element_type3A_222, %cond3A_223 : i32
        scf.if %cond3A_224 {
          %dma_wait3A_266 = arith.constant 0 : i32
          %dma_wait3A_267 = arith.constant 0 : i32
          %dma_wait3A_268 = tpu.memref_slice %arg10[%select_n3A_184, %dma_wait3A_266, %dma_wait3A_267] : memref<7x24x128xf32, #tpu.memory_space<vmem>> -> memref<1x24x128xf32, #tpu.memory_space<vmem>>
          %dma_wait3A_269 = tpu.memref_squeeze %dma_wait3A_268 : memref<1x24x128xf32, #tpu.memory_space<vmem>> -> memref<24x128xf32, #tpu.memory_space<vmem>>
          %dma_wait3A_270 = arith.constant 0 : i32
          %dma_wait3A_271 = tpu.memref_slice %arg8[%scan3A_175, %dma_wait3A_270] : memref<105x24xi32, #tpu.memory_space<vmem>> -> memref<1x24xi32, #tpu.memory_space<vmem>>
          %dma_wait3A_272 = tpu.memref_squeeze %dma_wait3A_271 : memref<1x24xi32, #tpu.memory_space<vmem>> -> memref<24xi32, #tpu.memory_space<vmem>>
          %dma_wait3A_273 = arith.constant 0 : i32
          %dma_wait3A_274 = tpu.memref_slice %arg3[%dma_wait3A_273, %multiple_of3A] : memref<10000x256xf32, #tpu.memory_space<hbm>> -> memref<10000x128xf32, #tpu.memory_space<hbm>>
          tpu.wait_indirect_dma semaphore(%arg12 : memref<!tpu.dma_semaphore, #tpu.memory_space<semaphore_mem>>) src(%dma_wait3A_274 : memref<10000x128xf32, #tpu.memory_space<hbm>>) dst(%dma_wait3A_269 : memref<24x128xf32, #tpu.memory_space<vmem>>)
        } else {
        }
        %jit3A_225 = arith.constant 3 : i32
        %eq3A_226 = arith.constant 0 : i32
        %eq3A_227 = arith.cmpi eq, %jit3A_225, %eq3A_226 : i32
        %jit3A_228 = arith.constant 1 : i32
        %select_n3A_229 = arith.select %eq3A_227, %jit3A_228, %jit3A_225 : i32
        %rem3A_230 = arith.remsi %scan3A_175, %select_n3A_229 : i32
        %ne3A_231 = arith.constant 0 : i32
        %ne3A_232 = arith.cmpi ne, %rem3A_230, %ne3A_231 : i32
        %lt3A_233 = arith.constant 0 : i32
        %lt3A_234 = arith.cmpi slt, %rem3A_230, %lt3A_233 : i32
        %lt3A_235 = arith.constant 0 : i32
        %lt3A_236 = arith.cmpi slt, %select_n3A_229, %lt3A_235 : i32
        %ne3A_237 = arith.xori %lt3A_234, %lt3A_236 : i1
        %and3A_238 = arith.andi %ne3A_237, %ne3A_232 : i1
        %add3A_239 = arith.addi %rem3A_230, %select_n3A_229 : i32
        %select_n3A_240 = arith.select %and3A_238, %add3A_239, %rem3A_230 : i32
        %eq3A_241 = arith.constant 2 : i32
        %eq3A_242 = arith.cmpi eq, %select_n3A_240, %eq3A_241 : i32
        %convert_element_type3A_243 = arith.extui %eq3A_242 : i1 to i32
        %cond3A_244 = arith.constant 0 : i32
        %cond3A_245 = arith.cmpi ne, %convert_element_type3A_243, %cond3A_244 : i32
        scf.if %cond3A_245 {
          %dma_wait3A_266 = arith.constant 0 : i32
          %dma_wait3A_267 = arith.constant 0 : i32
          %dma_wait3A_268 = tpu.memref_slice %arg10[%select_n3A_184, %dma_wait3A_266, %dma_wait3A_267] : memref<7x24x128xf32, #tpu.memory_space<vmem>> -> memref<1x24x128xf32, #tpu.memory_space<vmem>>
          %dma_wait3A_269 = tpu.memref_squeeze %dma_wait3A_268 : memref<1x24x128xf32, #tpu.memory_space<vmem>> -> memref<24x128xf32, #tpu.memory_space<vmem>>
          %dma_wait3A_270 = arith.constant 0 : i32
          %dma_wait3A_271 = tpu.memref_slice %arg8[%scan3A_175, %dma_wait3A_270] : memref<105x24xi32, #tpu.memory_space<vmem>> -> memref<1x24xi32, #tpu.memory_space<vmem>>
          %dma_wait3A_272 = tpu.memref_squeeze %dma_wait3A_271 : memref<1x24xi32, #tpu.memory_space<vmem>> -> memref<24xi32, #tpu.memory_space<vmem>>
          %dma_wait3A_273 = arith.constant 0 : i32
          %dma_wait3A_274 = tpu.memref_slice %arg3[%dma_wait3A_273, %multiple_of3A] : memref<10000x256xf32, #tpu.memory_space<hbm>> -> memref<10000x128xf32, #tpu.memory_space<hbm>>
          tpu.wait_indirect_dma semaphore(%arg13 : memref<!tpu.dma_semaphore, #tpu.memory_space<semaphore_mem>>) src(%dma_wait3A_274 : memref<10000x128xf32, #tpu.memory_space<hbm>>) dst(%dma_wait3A_269 : memref<24x128xf32, #tpu.memory_space<vmem>>)
        } else {
        }
        %dma_start3A_246 = arith.constant 0 : i32
        %dma_start3A_247 = arith.constant 0 : i32
        %dma_start3A_248 = tpu.memref_slice %arg10[%select_n3A_184, %dma_start3A_246, %dma_start3A_247] : memref<7x24x128xf32, #tpu.memory_space<vmem>> -> memref<1x24x128xf32, #tpu.memory_space<vmem>>
        %dma_start3A_249 = tpu.memref_squeeze %dma_start3A_248 : memref<1x24x128xf32, #tpu.memory_space<vmem>> -> memref<24x128xf32, #tpu.memory_space<vmem>>
        %dma_start3A_250 = arith.constant 0 : i32
        %dma_start3A_251 = tpu.memref_slice %arg9[%scan3A_175, %dma_start3A_250] : memref<105x24xi32, #tpu.memory_space<vmem>> -> memref<1x24xi32, #tpu.memory_space<vmem>>
        %dma_start3A_252 = tpu.memref_squeeze %dma_start3A_251 : memref<1x24xi32, #tpu.memory_space<vmem>> -> memref<24xi32, #tpu.memory_space<vmem>>
        %dma_start3A_253 = arith.constant 0 : i32
        %dma_start3A_254 = arith.constant 0 : i32
        %dma_start3A_255 = tpu.memref_slice %arg7[%dma_start3A_253, %dma_start3A_254] : memref<10112x128xf32, #tpu.memory_space<vmem_shared>> -> memref<10112x128xf32, #tpu.memory_space<vmem_shared>>
        tpu.enqueue_indirect_dma source(%dma_start3A_249 : memref<24x128xf32, #tpu.memory_space<vmem>>) target(%dma_start3A_255 : memref<10112x128xf32, #tpu.memory_space<vmem_shared>>) offsets(%dma_start3A_252 : memref<24xi32, #tpu.memory_space<vmem>>) semaphore(%arg14 : memref<!tpu.dma_semaphore, #tpu.memory_space<semaphore_mem>>) {add = true}
        %ge3A = arith.constant 1 : i32
        %ge3A_256 = arith.cmpi sge, %scan3A_175, %ge3A : i32
        %convert_element_type3A_257 = arith.extui %ge3A_256 : i1 to i32
        %cond3A_258 = arith.constant 0 : i32
        %cond3A_259 = arith.cmpi ne, %convert_element_type3A_257, %cond3A_258 : i32
        scf.if %cond3A_259 {
          %dma_wait3A_266 = arith.constant 0 : i32
          %dma_wait3A_267 = arith.constant 0 : i32
          %dma_wait3A_268 = tpu.memref_slice %arg10[%select_n3A_184, %dma_wait3A_266, %dma_wait3A_267] : memref<7x24x128xf32, #tpu.memory_space<vmem>> -> memref<1x24x128xf32, #tpu.memory_space<vmem>>
          %dma_wait3A_269 = tpu.memref_squeeze %dma_wait3A_268 : memref<1x24x128xf32, #tpu.memory_space<vmem>> -> memref<24x128xf32, #tpu.memory_space<vmem>>
          %dma_wait3A_270 = arith.constant 0 : i32
          %dma_wait3A_271 = tpu.memref_slice %arg9[%scan3A_175, %dma_wait3A_270] : memref<105x24xi32, #tpu.memory_space<vmem>> -> memref<1x24xi32, #tpu.memory_space<vmem>>
          %dma_wait3A_272 = tpu.memref_squeeze %dma_wait3A_271 : memref<1x24xi32, #tpu.memory_space<vmem>> -> memref<24xi32, #tpu.memory_space<vmem>>
          %dma_wait3A_273 = arith.constant 0 : i32
          %dma_wait3A_274 = arith.constant 0 : i32
          %dma_wait3A_275 = tpu.memref_slice %arg7[%dma_wait3A_273, %dma_wait3A_274] : memref<10112x128xf32, #tpu.memory_space<vmem_shared>> -> memref<10112x128xf32, #tpu.memory_space<vmem_shared>>
          tpu.wait_indirect_dma semaphore(%arg14 : memref<!tpu.dma_semaphore, #tpu.memory_space<semaphore_mem>>) src(%dma_wait3A_269 : memref<24x128xf32, #tpu.memory_space<vmem>>) dst(%dma_wait3A_275 : memref<10112x128xf32, #tpu.memory_space<vmem_shared>>)
        } else {
        }
        %lt3A_260 = arith.constant 99 : i32
        %lt3A_261 = arith.cmpi slt, %scan3A_175, %lt3A_260 : i32
        %convert_element_type3A_262 = arith.extui %lt3A_261 : i1 to i32
        %cond3A_263 = arith.constant 0 : i32
        %cond3A_264 = arith.cmpi ne, %convert_element_type3A_262, %cond3A_263 : i32
        scf.if %cond3A_264 {
          %add3A_266 = arith.constant 6 : i32
          %add3A_267 = arith.addi %scan3A_175, %add3A_266 : i32
          %jit3A_268 = arith.constant 7 : i32
          %eq3A_269 = arith.constant 0 : i32
          %eq3A_270 = arith.cmpi eq, %jit3A_268, %eq3A_269 : i32
          %jit3A_271 = arith.constant 1 : i32
          %select_n3A_272 = arith.select %eq3A_270, %jit3A_271, %jit3A_268 : i32
          %rem3A_273 = arith.remsi %add3A_267, %select_n3A_272 : i32
          %ne3A_274 = arith.constant 0 : i32
          %ne3A_275 = arith.cmpi ne, %rem3A_273, %ne3A_274 : i32
          %lt3A_276 = arith.constant 0 : i32
          %lt3A_277 = arith.cmpi slt, %rem3A_273, %lt3A_276 : i32
          %lt3A_278 = arith.constant 0 : i32
          %lt3A_279 = arith.cmpi slt, %select_n3A_272, %lt3A_278 : i32
          %ne3A_280 = arith.xori %lt3A_277, %lt3A_279 : i1
          %and3A_281 = arith.andi %ne3A_280, %ne3A_275 : i1
          %add3A_282 = arith.addi %rem3A_273, %select_n3A_272 : i32
          %select_n3A_283 = arith.select %and3A_281, %add3A_282, %rem3A_273 : i32
          %jit3A_284 = arith.constant 3 : i32
          %eq3A_285 = arith.constant 0 : i32
          %eq3A_286 = arith.cmpi eq, %jit3A_284, %eq3A_285 : i32
          %jit3A_287 = arith.constant 1 : i32
          %select_n3A_288 = arith.select %eq3A_286, %jit3A_287, %jit3A_284 : i32
          %rem3A_289 = arith.remsi %scan3A_175, %select_n3A_288 : i32
          %ne3A_290 = arith.constant 0 : i32
          %ne3A_291 = arith.cmpi ne, %rem3A_289, %ne3A_290 : i32
          %lt3A_292 = arith.constant 0 : i32
          %lt3A_293 = arith.cmpi slt, %rem3A_289, %lt3A_292 : i32
          %lt3A_294 = arith.constant 0 : i32
          %lt3A_295 = arith.cmpi slt, %select_n3A_288, %lt3A_294 : i32
          %ne3A_296 = arith.xori %lt3A_293, %lt3A_295 : i1
          %and3A_297 = arith.andi %ne3A_296, %ne3A_291 : i1
          %add3A_298 = arith.addi %rem3A_289, %select_n3A_288 : i32
          %select_n3A_299 = arith.select %and3A_297, %add3A_298, %rem3A_289 : i32
          %eq3A_300 = arith.constant 0 : i32
          %eq3A_301 = arith.cmpi eq, %select_n3A_299, %eq3A_300 : i32
          %convert_element_type3A_302 = arith.extui %eq3A_301 : i1 to i32
          %cond3A_303 = arith.constant 0 : i32
          %cond3A_304 = arith.cmpi ne, %convert_element_type3A_302, %cond3A_303 : i32
          scf.if %cond3A_304 {
            %add3A_347 = arith.constant 6 : i32
            %add3A_348 = arith.addi %scan3A_175, %add3A_347 : i32
            %dma_start3A_349 = arith.constant 0 : i32
            %dma_start3A_350 = arith.constant 0 : i32
            %dma_start3A_351 = tpu.memref_slice %arg10[%select_n3A_283, %dma_start3A_349, %dma_start3A_350] : memref<7x24x128xf32, #tpu.memory_space<vmem>> -> memref<1x24x128xf32, #tpu.memory_space<vmem>>
            %dma_start3A_352 = tpu.memref_squeeze %dma_start3A_351 : memref<1x24x128xf32, #tpu.memory_space<vmem>> -> memref<24x128xf32, #tpu.memory_space<vmem>>
            %dma_start3A_353 = arith.constant 0 : i32
            %dma_start3A_354 = tpu.memref_slice %arg8[%add3A_348, %dma_start3A_353] : memref<105x24xi32, #tpu.memory_space<vmem>> -> memref<1x24xi32, #tpu.memory_space<vmem>>
            %dma_start3A_355 = tpu.memref_squeeze %dma_start3A_354 : memref<1x24xi32, #tpu.memory_space<vmem>> -> memref<24xi32, #tpu.memory_space<vmem>>
            %dma_start3A_356 = arith.constant 0 : i32
            %dma_start3A_357 = tpu.memref_slice %arg3[%dma_start3A_356, %multiple_of3A] : memref<10000x256xf32, #tpu.memory_space<hbm>> -> memref<10000x128xf32, #tpu.memory_space<hbm>>
            tpu.enqueue_indirect_dma source(%dma_start3A_357 : memref<10000x128xf32, #tpu.memory_space<hbm>>) target(%dma_start3A_352 : memref<24x128xf32, #tpu.memory_space<vmem>>) offsets(%dma_start3A_355 : memref<24xi32, #tpu.memory_space<vmem>>) semaphore(%arg11 : memref<!tpu.dma_semaphore, #tpu.memory_space<semaphore_mem>>)
          } else {
          }
          %jit3A_305 = arith.constant 3 : i32
          %eq3A_306 = arith.constant 0 : i32
          %eq3A_307 = arith.cmpi eq, %jit3A_305, %eq3A_306 : i32
          %jit3A_308 = arith.constant 1 : i32
          %select_n3A_309 = arith.select %eq3A_307, %jit3A_308, %jit3A_305 : i32
          %rem3A_310 = arith.remsi %scan3A_175, %select_n3A_309 : i32
          %ne3A_311 = arith.constant 0 : i32
          %ne3A_312 = arith.cmpi ne, %rem3A_310, %ne3A_311 : i32
          %lt3A_313 = arith.constant 0 : i32
          %lt3A_314 = arith.cmpi slt, %rem3A_310, %lt3A_313 : i32
          %lt3A_315 = arith.constant 0 : i32
          %lt3A_316 = arith.cmpi slt, %select_n3A_309, %lt3A_315 : i32
          %ne3A_317 = arith.xori %lt3A_314, %lt3A_316 : i1
          %and3A_318 = arith.andi %ne3A_317, %ne3A_312 : i1
          %add3A_319 = arith.addi %rem3A_310, %select_n3A_309 : i32
          %select_n3A_320 = arith.select %and3A_318, %add3A_319, %rem3A_310 : i32
          %eq3A_321 = arith.constant 1 : i32
          %eq3A_322 = arith.cmpi eq, %select_n3A_320, %eq3A_321 : i32
          %convert_element_type3A_323 = arith.extui %eq3A_322 : i1 to i32
          %cond3A_324 = arith.constant 0 : i32
          %cond3A_325 = arith.cmpi ne, %convert_element_type3A_323, %cond3A_324 : i32
          scf.if %cond3A_325 {
            %add3A_347 = arith.constant 6 : i32
            %add3A_348 = arith.addi %scan3A_175, %add3A_347 : i32
            %dma_start3A_349 = arith.constant 0 : i32
            %dma_start3A_350 = arith.constant 0 : i32
            %dma_start3A_351 = tpu.memref_slice %arg10[%select_n3A_283, %dma_start3A_349, %dma_start3A_350] : memref<7x24x128xf32, #tpu.memory_space<vmem>> -> memref<1x24x128xf32, #tpu.memory_space<vmem>>
            %dma_start3A_352 = tpu.memref_squeeze %dma_start3A_351 : memref<1x24x128xf32, #tpu.memory_space<vmem>> -> memref<24x128xf32, #tpu.memory_space<vmem>>
            %dma_start3A_353 = arith.constant 0 : i32
            %dma_start3A_354 = tpu.memref_slice %arg8[%add3A_348, %dma_start3A_353] : memref<105x24xi32, #tpu.memory_space<vmem>> -> memref<1x24xi32, #tpu.memory_space<vmem>>
            %dma_start3A_355 = tpu.memref_squeeze %dma_start3A_354 : memref<1x24xi32, #tpu.memory_space<vmem>> -> memref<24xi32, #tpu.memory_space<vmem>>
            %dma_start3A_356 = arith.constant 0 : i32
            %dma_start3A_357 = tpu.memref_slice %arg3[%dma_start3A_356, %multiple_of3A] : memref<10000x256xf32, #tpu.memory_space<hbm>> -> memref<10000x128xf32, #tpu.memory_space<hbm>>
            tpu.enqueue_indirect_dma source(%dma_start3A_357 : memref<10000x128xf32, #tpu.memory_space<hbm>>) target(%dma_start3A_352 : memref<24x128xf32, #tpu.memory_space<vmem>>) offsets(%dma_start3A_355 : memref<24xi32, #tpu.memory_space<vmem>>) semaphore(%arg12 : memref<!tpu.dma_semaphore, #tpu.memory_space<semaphore_mem>>)
          } else {
          }
          %jit3A_326 = arith.constant 3 : i32
          %eq3A_327 = arith.constant 0 : i32
          %eq3A_328 = arith.cmpi eq, %jit3A_326, %eq3A_327 : i32
          %jit3A_329 = arith.constant 1 : i32
          %select_n3A_330 = arith.select %eq3A_328, %jit3A_329, %jit3A_326 : i32
          %rem3A_331 = arith.remsi %scan3A_175, %select_n3A_330 : i32
          %ne3A_332 = arith.constant 0 : i32
          %ne3A_333 = arith.cmpi ne, %rem3A_331, %ne3A_332 : i32
          %lt3A_334 = arith.constant 0 : i32
          %lt3A_335 = arith.cmpi slt, %rem3A_331, %lt3A_334 : i32
          %lt3A_336 = arith.constant 0 : i32
          %lt3A_337 = arith.cmpi slt, %select_n3A_330, %lt3A_336 : i32
          %ne3A_338 = arith.xori %lt3A_335, %lt3A_337 : i1
          %and3A_339 = arith.andi %ne3A_338, %ne3A_333 : i1
          %add3A_340 = arith.addi %rem3A_331, %select_n3A_330 : i32
          %select_n3A_341 = arith.select %and3A_339, %add3A_340, %rem3A_331 : i32
          %eq3A_342 = arith.constant 2 : i32
          %eq3A_343 = arith.cmpi eq, %select_n3A_341, %eq3A_342 : i32
          %convert_element_type3A_344 = arith.extui %eq3A_343 : i1 to i32
          %cond3A_345 = arith.constant 0 : i32
          %cond3A_346 = arith.cmpi ne, %convert_element_type3A_344, %cond3A_345 : i32
          scf.if %cond3A_346 {
            %add3A_347 = arith.constant 6 : i32
            %add3A_348 = arith.addi %scan3A_175, %add3A_347 : i32
            %dma_start3A_349 = arith.constant 0 : i32
            %dma_start3A_350 = arith.constant 0 : i32
            %dma_start3A_351 = tpu.memref_slice %arg10[%select_n3A_283, %dma_start3A_349, %dma_start3A_350] : memref<7x24x128xf32, #tpu.memory_space<vmem>> -> memref<1x24x128xf32, #tpu.memory_space<vmem>>
            %dma_start3A_352 = tpu.memref_squeeze %dma_start3A_351 : memref<1x24x128xf32, #tpu.memory_space<vmem>> -> memref<24x128xf32, #tpu.memory_space<vmem>>
            %dma_start3A_353 = arith.constant 0 : i32
            %dma_start3A_354 = tpu.memref_slice %arg8[%add3A_348, %dma_start3A_353] : memref<105x24xi32, #tpu.memory_space<vmem>> -> memref<1x24xi32, #tpu.memory_space<vmem>>
            %dma_start3A_355 = tpu.memref_squeeze %dma_start3A_354 : memref<1x24xi32, #tpu.memory_space<vmem>> -> memref<24xi32, #tpu.memory_space<vmem>>
            %dma_start3A_356 = arith.constant 0 : i32
            %dma_start3A_357 = tpu.memref_slice %arg3[%dma_start3A_356, %multiple_of3A] : memref<10000x256xf32, #tpu.memory_space<hbm>> -> memref<10000x128xf32, #tpu.memory_space<hbm>>
            tpu.enqueue_indirect_dma source(%dma_start3A_357 : memref<10000x128xf32, #tpu.memory_space<hbm>>) target(%dma_start3A_352 : memref<24x128xf32, #tpu.memory_space<vmem>>) offsets(%dma_start3A_355 : memref<24xi32, #tpu.memory_space<vmem>>) semaphore(%arg13 : memref<!tpu.dma_semaphore, #tpu.memory_space<semaphore_mem>>)
          } else {
          }
        } else {
        }
        %scan3A_265 = arith.constant 0 : i32
        scf.yield %scan3A_265 : i32
      }
      %scan3A_162 = arith.constant 105 : i32
      %dma_wait3A = arith.constant 0 : i32
      %dma_wait3A_163 = arith.constant 0 : i32
      %dma_wait3A_164 = arith.constant 0 : i32
      %dma_wait3A_165 = arith.constant 0 : i32
      %dma_wait3A_166 = tpu.memref_slice %arg10[%dma_wait3A, %dma_wait3A_164, %dma_wait3A_165] : memref<7x24x128xf32, #tpu.memory_space<vmem>> -> memref<1x24x128xf32, #tpu.memory_space<vmem>>
      %dma_wait3A_167 = tpu.memref_squeeze %dma_wait3A_166 : memref<1x24x128xf32, #tpu.memory_space<vmem>> -> memref<24x128xf32, #tpu.memory_space<vmem>>
      %dma_wait3A_168 = arith.constant 0 : i32
      %dma_wait3A_169 = tpu.memref_slice %arg9[%dma_wait3A_163, %dma_wait3A_168] : memref<105x24xi32, #tpu.memory_space<vmem>> -> memref<1x24xi32, #tpu.memory_space<vmem>>
      %dma_wait3A_170 = tpu.memref_squeeze %dma_wait3A_169 : memref<1x24xi32, #tpu.memory_space<vmem>> -> memref<24xi32, #tpu.memory_space<vmem>>
      %dma_wait3A_171 = arith.constant 0 : i32
      %dma_wait3A_172 = arith.constant 0 : i32
      %dma_wait3A_173 = tpu.memref_slice %arg7[%dma_wait3A_171, %dma_wait3A_172] : memref<10112x128xf32, #tpu.memory_space<vmem_shared>> -> memref<10112x128xf32, #tpu.memory_space<vmem_shared>>
      tpu.wait_indirect_dma semaphore(%arg14 : memref<!tpu.dma_semaphore, #tpu.memory_space<semaphore_mem>>) src(%dma_wait3A_167 : memref<24x128xf32, #tpu.memory_space<vmem>>) dst(%dma_wait3A_173 : memref<10112x128xf32, #tpu.memory_space<vmem_shared>>)
      %scan3A_174 = arith.constant 0 : i32
      scf.yield %scan3A_174 : i32
    }
    %scan3A_73 = arith.constant 4 : i32
    %barrier3A_74 = arith.constant 0 : index
    tpu.barrier barrier_id(%barrier3A_74)
    %scan3A_75 = arith.constant 0 : i32
    %scan3A_76 = arith.constant 0 : i32
    %scan3A_77 = arith.constant 79 : i32
    %scan3A_78 = arith.addi %scan3A_76, %scan3A_77 : i32
    %scan3A_79 = arith.constant 1 : i32
    %scan3A_80 = scf.for %scan3A_89 = %scan3A_76 to %scan3A_78 step %scan3A_79 iter_args(%scan3A_90 = %scan3A_75) -> (i32)  : i32 {
      %mul3A_91 = arith.constant 8 : i32
      %mul3A_92 = arith.muli %scan3A_89, %mul3A_91 : i32
      %add3A = arith.addi %mul3A_0, %mul3A_92 : i32
      %mul3A_93 = arith.constant 8 : i32
      %mul3A_94 = arith.muli %scan3A_89, %mul3A_93 : i32
      %add3A_95 = arith.addi %mul3A_0, %mul3A_94 : i32
      %dma_start3A = arith.constant 1 : i32
      %dma_start3A_96 = arith.constant 0 : i32
      %dma_start3A_97 = tpu.memref_slice %arg6[%dma_start3A, %arg0, %add3A_95, %dma_start3A_96] : memref<2x2x10240x128xf32, #tpu.memory_space<hbm>> -> memref<1x1x8x128xf32, #tpu.memory_space<hbm>>
      %dma_start3A_98 = tpu.memref_squeeze %dma_start3A_97 : memref<1x1x8x128xf32, #tpu.memory_space<hbm>> -> memref<8x128xf32, #tpu.memory_space<hbm>>
      %dma_start3A_99 = arith.constant 0 : i32
      %dma_start3A_100 = tpu.memref_slice %arg7[%add3A, %dma_start3A_99] : memref<10112x128xf32, #tpu.memory_space<vmem_shared>> -> memref<8x128xf32, #tpu.memory_space<vmem_shared>>
      tpu.enqueue_dma source(%dma_start3A_100 : memref<8x128xf32, #tpu.memory_space<vmem_shared>>) target(%dma_start3A_98 : memref<8x128xf32, #tpu.memory_space<hbm>>) target_semaphore(%arg14 : memref<!tpu.dma_semaphore, #tpu.memory_space<semaphore_mem>>)
      %scan3A_101 = arith.constant 0 : i32
      scf.yield %scan3A_101 : i32
    }
    %scan3A_81 = arith.constant 79 : i32
    %scan3A_82 = arith.constant 0 : i32
    %scan3A_83 = arith.constant 0 : i32
    %scan3A_84 = arith.constant 79 : i32
    %scan3A_85 = arith.addi %scan3A_83, %scan3A_84 : i32
    %scan3A_86 = arith.constant 1 : i32
    %scan3A_87 = scf.for %scan3A_89 = %scan3A_83 to %scan3A_85 step %scan3A_86 iter_args(%scan3A_90 = %scan3A_82) -> (i32)  : i32 {
      %dma_wait3A = arith.constant 1 : i32
      %dma_wait3A_91 = arith.constant 0 : i32
      %dma_wait3A_92 = tpu.memref_slice %arg6[%dma_wait3A, %arg0, %mul3A_0, %dma_wait3A_91] : memref<2x2x10240x128xf32, #tpu.memory_space<hbm>> -> memref<1x1x8x128xf32, #tpu.memory_space<hbm>>
      %dma_wait3A_93 = tpu.memref_squeeze %dma_wait3A_92 : memref<1x1x8x128xf32, #tpu.memory_space<hbm>> -> memref<8x128xf32, #tpu.memory_space<hbm>>
      %dma_wait3A_94 = arith.constant 0 : i32
      %dma_wait3A_95 = tpu.memref_slice %arg7[%mul3A_0, %dma_wait3A_94] : memref<10112x128xf32, #tpu.memory_space<vmem_shared>> -> memref<8x128xf32, #tpu.memory_space<vmem_shared>>
      tpu.wait_dma2 semaphore(%arg14 : memref<!tpu.dma_semaphore, #tpu.memory_space<semaphore_mem>>) src(%dma_wait3A_95 : memref<8x128xf32, #tpu.memory_space<vmem_shared>>) dst(%dma_wait3A_93 : memref<8x128xf32, #tpu.memory_space<hbm>>)
      %scan3A_96 = arith.constant 0 : i32
      scf.yield %scan3A_96 : i32
    }
    %scan3A_88 = arith.constant 79 : i32
    return
  }
}

module attributes {stable_mosaic.version = 14 : i64} {
  func.func @_tc_fused_kernel(%arg0: i32, %arg1: i32, %arg2: memref<512x128xf32, #tpu.memory_space<vmem>>, %arg3: memref<512x128xf32, #tpu.memory_space<vmem>>, %arg4: memref<512x128xf32, #tpu.memory_space<vmem>>, %arg5: memref<512x128xf32, #tpu.memory_space<vmem>>, %arg6: memref<256x256xf32, #tpu.memory_space<vmem>>, %arg7: memref<1x256xf32, #tpu.memory_space<vmem>>, %arg8: memref<512x1xf32, #tpu.memory_space<vmem>>, %arg9: memref<256x256xf32, #tpu.memory_space<vmem>>, %arg10: memref<1x256xf32, #tpu.memory_space<vmem>>, %arg11: memref<1x1xf32, #tpu.memory_space<vmem>>, %arg12: memref<1x1x512xf32, #tpu.memory_space<vmem>>, %arg13: memref<1x1x512xf32, #tpu.memory_space<vmem>>, %arg14: memref<1x1x512xf32, #tpu.memory_space<vmem>>, %arg15: memref<1x1x512xf32, #tpu.memory_space<vmem>>, %arg16: memref<10240x256xf32, #tpu.memory_space<vmem>>, %arg17: memref<10240x256xf32, #tpu.memory_space<vmem>>, %arg18: memref<20x256xf32, #tpu.memory_space<vmem>>, %arg19: memref<20xf32, #tpu.memory_space<smem>>) attributes {dimension_semantics = [#tpu.dimension_semantics<arbitrary>, #tpu.dimension_semantics<arbitrary>], iteration_bounds = array<i64: 2, 20>, scalar_prefetch = 0 : i64, scratch_operands = 4 : i64, tpu.core_type = #tpu.core_type<tc>, window_params = [{transform_indices = @transform_0, window_bounds = array<i64: 512, 128>}, {transform_indices = @transform_1, window_bounds = array<i64: 512, 128>}, {transform_indices = @transform_2, window_bounds = array<i64: 512, 128>}, {transform_indices = @transform_3, window_bounds = array<i64: 512, 128>}, {pipeline_mode = #tpu.pipeline_mode<synchronous>, transform_indices = @transform_4, window_bounds = array<i64: 256, 256>}, {pipeline_mode = #tpu.pipeline_mode<synchronous>, transform_indices = @transform_5, window_bounds = array<i64: 1, 256>}, {transform_indices = @transform_6, window_bounds = array<i64: 512, 1>}, {pipeline_mode = #tpu.pipeline_mode<synchronous>, transform_indices = @transform_7, window_bounds = array<i64: 256, 256>}, {pipeline_mode = #tpu.pipeline_mode<synchronous>, transform_indices = @transform_8, window_bounds = array<i64: 1, 256>}, {pipeline_mode = #tpu.pipeline_mode<synchronous>, transform_indices = @transform_9, window_bounds = array<i64: 1, 1>}, {transform_indices = @transform_10, window_bounds = array<i64: 1, 1, 512>}, {transform_indices = @transform_11, window_bounds = array<i64: 1, 1, 512>}, {transform_indices = @transform_12, window_bounds = array<i64: 1, 1, 512>}, {transform_indices = @transform_13, window_bounds = array<i64: 1, 1, 512>}]} {
    %eq3A = arith.constant 0 : i32
    %eq3A_0 = arith.cmpi eq, %arg0, %eq3A : i32
    %convert_element_type3A = arith.extui %eq3A_0 : i1 to i32
    %cond3A = arith.constant 0 : i32
    %cond3A_1 = arith.cmpi ne, %convert_element_type3A, %cond3A : i32
    scf.if %cond3A_1 {
      %get3A = arith.constant 0 : index
      %get3A_7 = arith.constant 0 : index
      %get3A_8 = vector.load %arg2[%get3A, %get3A_7] : memref<512x128xf32, #tpu.memory_space<vmem>>, vector<512x128xf32>
      %get3A_9 = arith.constant 0 : index
      %get3A_10 = arith.constant 0 : index
      %get3A_11 = vector.load %arg3[%get3A_9, %get3A_10] : memref<512x128xf32, #tpu.memory_space<vmem>>, vector<512x128xf32>
      %concatenate3A = tpu.concatenate %get3A_8, %get3A_11 in 1 : vector<512x128xf32>, vector<512x128xf32> -> vector<512x256xf32>
      %get3A_12 = arith.constant 0 : index
      %get3A_13 = arith.constant 0 : index
      %get3A_14 = vector.load %arg4[%get3A_12, %get3A_13] : memref<512x128xf32, #tpu.memory_space<vmem>>, vector<512x128xf32>
      %get3A_15 = arith.constant 0 : index
      %get3A_16 = arith.constant 0 : index
      %get3A_17 = vector.load %arg5[%get3A_15, %get3A_16] : memref<512x128xf32, #tpu.memory_space<vmem>>, vector<512x128xf32>
      %concatenate3A_18 = tpu.concatenate %get3A_14, %get3A_17 in 1 : vector<512x128xf32>, vector<512x128xf32> -> vector<512x256xf32>
      %get3A_19 = arith.constant 0 : index
      %get3A_20 = arith.constant 0 : index
      %get3A_21 = vector.load %arg6[%get3A_19, %get3A_20] : memref<256x256xf32, #tpu.memory_space<vmem>>, vector<256x256xf32>
      %dot_general3A = arith.constant dense<0.000000e+00> : vector<512x256xf32>
      %dot_general3A_22 = tpu.matmul %concatenate3A, %get3A_21, %dot_general3A {dimension_numbers = #tpu.dot_dimension_numbers<[1], [0], [0], [1], [0, 0, 1, 1], [], []>, transpose_lhs_hint = false} : vector<512x256xf32>, vector<256x256xf32>, vector<512x256xf32> -> vector<512x256xf32>
      %get3A_23 = arith.constant 0 : index
      %get3A_24 = arith.constant 0 : index
      %get3A_25 = vector.load %arg7[%get3A_23, %get3A_24] : memref<1x256xf32, #tpu.memory_space<vmem>>, vector<1x256xf32>
      %add3A = vector.broadcast %get3A_25 : vector<1x256xf32> to vector<512x256xf32>
      %add3A_26 = arith.addf %dot_general3A_22, %add3A : vector<512x256xf32>
      %max3A = arith.constant 0.000000e+00 : f32
      %max3A_27 = vector.broadcast %max3A : f32 to vector<512x256xf32>
      %max3A_28 = arith.maximumf %add3A_26, %max3A_27 : vector<512x256xf32>
      %get3A_29 = arith.constant 0 : index
      %get3A_30 = arith.constant 0 : index
      %get3A_31 = vector.load %arg6[%get3A_29, %get3A_30] : memref<256x256xf32, #tpu.memory_space<vmem>>, vector<256x256xf32>
      %dot_general3A_32 = arith.constant dense<0.000000e+00> : vector<512x256xf32>
      %dot_general3A_33 = tpu.matmul %concatenate3A_18, %get3A_31, %dot_general3A_32 {dimension_numbers = #tpu.dot_dimension_numbers<[1], [0], [0], [1], [0, 0, 1, 1], [], []>, transpose_lhs_hint = false} : vector<512x256xf32>, vector<256x256xf32>, vector<512x256xf32> -> vector<512x256xf32>
      %get3A_34 = arith.constant 0 : index
      %get3A_35 = arith.constant 0 : index
      %get3A_36 = vector.load %arg7[%get3A_34, %get3A_35] : memref<1x256xf32, #tpu.memory_space<vmem>>, vector<1x256xf32>
      %add3A_37 = vector.broadcast %get3A_36 : vector<1x256xf32> to vector<512x256xf32>
      %add3A_38 = arith.addf %dot_general3A_33, %add3A_37 : vector<512x256xf32>
      %max3A_39 = arith.constant 0.000000e+00 : f32
      %max3A_40 = vector.broadcast %max3A_39 : f32 to vector<512x256xf32>
      %max3A_41 = arith.maximumf %add3A_38, %max3A_40 : vector<512x256xf32>
      %mul3A = arith.constant 512 : i32
      %mul3A_42 = arith.muli %arg1, %mul3A : i32
      %swap3A = arith.index_cast %mul3A_42 : i32 to index
      %swap3A_43 = arith.constant 0 : index
      %swap3A_44 = vector.load %arg16[%swap3A, %swap3A_43] : memref<10240x256xf32, #tpu.memory_space<vmem>>, vector<512x256xf32>
      tpu.vector_store %arg16[%swap3A, %swap3A_43], %max3A_28 {strides = array<i32>} : memref<10240x256xf32, #tpu.memory_space<vmem>>, vector<512x256xf32>,
      %mul3A_45 = arith.constant 512 : i32
      %mul3A_46 = arith.muli %arg1, %mul3A_45 : i32
      %swap3A_47 = arith.index_cast %mul3A_46 : i32 to index
      %swap3A_48 = arith.constant 0 : index
      %swap3A_49 = vector.load %arg17[%swap3A_47, %swap3A_48] : memref<10240x256xf32, #tpu.memory_space<vmem>>, vector<512x256xf32>
      tpu.vector_store %arg17[%swap3A_47, %swap3A_48], %max3A_41 {strides = array<i32>} : memref<10240x256xf32, #tpu.memory_space<vmem>>, vector<512x256xf32>,
      %get3A_50 = arith.constant 0 : index
      %get3A_51 = arith.constant 0 : index
      %get3A_52 = vector.load %arg8[%get3A_50, %get3A_51] : memref<512x1xf32, #tpu.memory_space<vmem>>, vector<512x1xf32>
      %gt3A = arith.constant 0.000000e+00 : f32
      %gt3A_53 = vector.broadcast %gt3A : f32 to vector<512x1xf32>
      %gt3A_54 = arith.cmpf ogt, %get3A_52, %gt3A_53 : vector<512x1xf32>
      %mul3A_55 = vector.broadcast %get3A_52 : vector<512x1xf32> to vector<512x256xf32>
      %mul3A_56 = arith.mulf %max3A_28, %mul3A_55 : vector<512x256xf32>
      %jit3A = arith.constant 0.000000e+00 : f32
      %broadcast_in_dim3A = vector.shape_cast %gt3A_54 : vector<512x1xi1> to vector<512x1xi1>
      %broadcast_in_dim3A_57 = vector.broadcast %broadcast_in_dim3A : vector<512x1xi1> to vector<512x256xi1>
      %broadcast_in_dim3A_58 = vector.broadcast %jit3A : f32 to vector<512x256xf32>
      %select_n3A = arith.select %broadcast_in_dim3A_57, %mul3A_56, %broadcast_in_dim3A_58 : vector<512x256xi1>, vector<512x256xf32>
      %reduce_sum3A = arith.constant dense<0.000000e+00> : vector<256xf32>
      %reduce_sum3A_59 = vector.multi_reduction <add>, %select_n3A, %reduce_sum3A [0] : vector<512x256xf32> to vector<256xf32>
      %broadcast_in_dim3A_60 = vector.shape_cast %reduce_sum3A_59 : vector<256xf32> to vector<1x256xf32>
      %swap3A_61 = arith.index_cast %arg1 : i32 to index
      %swap3A_62 = arith.constant 0 : index
      %swap3A_63 = vector.load %arg18[%swap3A_61, %swap3A_62] : memref<20x256xf32, #tpu.memory_space<vmem>>, vector<1x256xf32>
      tpu.vector_store %arg18[%swap3A_61, %swap3A_62], %broadcast_in_dim3A_60 {strides = array<i32>} : memref<20x256xf32, #tpu.memory_space<vmem>>, vector<1x256xf32>,
      %reduce_sum3A_64 = vector.shape_cast %get3A_52 : vector<512x1xf32> to vector<1x512x1xf32>
      %reduce_sum3A_65 = arith.constant dense<0.000000e+00> : vector<1xf32>
      %reduce_sum3A_66 = vector.multi_reduction <add>, %reduce_sum3A_64, %reduce_sum3A_65 [1, 2] : vector<1x512x1xf32> to vector<1xf32>
      %reduce_sum3A_67 = vector.shape_cast %reduce_sum3A_66 : vector<1xf32> to vector<1x1x1xf32>
      %reduce_sum3A_68 = vector.extract %reduce_sum3A_67[0, 0, 0] : f32 from vector<1x1x1xf32>
      %swap3A_69 = arith.index_cast %arg1 : i32 to index
      %swap3A_70 = memref.load %arg19[%swap3A_69] : memref<20xf32, #tpu.memory_space<smem>>
      memref.store %reduce_sum3A_68, %arg19[%swap3A_69] : memref<20xf32, #tpu.memory_space<smem>>
    } else {
    }
    %eq3A_2 = arith.constant 1 : i32
    %eq3A_3 = arith.cmpi eq, %arg0, %eq3A_2 : i32
    %convert_element_type3A_4 = arith.extui %eq3A_3 : i1 to i32
    %cond3A_5 = arith.constant 0 : i32
    %cond3A_6 = arith.cmpi ne, %convert_element_type3A_4, %cond3A_5 : i32
    scf.if %cond3A_6 {
      %get3A = arith.constant 0 : index
      %get3A_7 = arith.constant 0 : index
      %get3A_8 = vector.load %arg18[%get3A, %get3A_7] : memref<20x256xf32, #tpu.memory_space<vmem>>, vector<20x256xf32>
      %reduce_sum3A = arith.constant dense<0.000000e+00> : vector<256xf32>
      %reduce_sum3A_9 = vector.multi_reduction <add>, %get3A_8, %reduce_sum3A [0] : vector<20x256xf32> to vector<256xf32>
      %scan3A = arith.constant 0.000000e+00 : f32
      %scan3A_10 = arith.constant 0 : i32
      %scan3A_11 = arith.constant 20 : i32
      %scan3A_12 = arith.addi %scan3A_10, %scan3A_11 : i32
      %scan3A_13 = arith.constant 1 : i32
      %scan3A_14 = scf.for %scan3A_72 = %scan3A_10 to %scan3A_12 step %scan3A_13 iter_args(%scan3A_73 = %scan3A) -> (f32)  : i32 {
        %get3A_74 = arith.index_cast %scan3A_72 : i32 to index
        %get3A_75 = memref.load %arg19[%get3A_74] : memref<20xf32, #tpu.memory_space<smem>>
        %add3A_76 = arith.addf %scan3A_73, %get3A_75 : f32
        scf.yield %add3A_76 : f32
      }
      %scan3A_15 = arith.constant 20 : i32
      %div3A = vector.broadcast %scan3A_14 : f32 to vector<256xf32>
      %div3A_16 = arith.divf %reduce_sum3A_9, %div3A : vector<256xf32>
      %logistic3A = arith.negf %div3A_16 : vector<256xf32>
      %logistic3A_17 = math.exp %logistic3A : vector<256xf32>
      %logistic3A_18 = arith.constant 1.000000e+00 : f32
      %logistic3A_19 = vector.broadcast %logistic3A_18 : f32 to vector<256xf32>
      %logistic3A_20 = arith.addf %logistic3A_19, %logistic3A_17 : vector<256xf32>
      %logistic3A_21 = arith.divf %logistic3A_19, %logistic3A_20 : vector<256xf32>
      %reshape3A = vector.shape_cast %logistic3A_21 : vector<256xf32> to vector<1x256xf32>
      %get3A_22 = arith.constant 0 : index
      %get3A_23 = arith.constant 0 : index
      %get3A_24 = vector.load %arg9[%get3A_22, %get3A_23] : memref<256x256xf32, #tpu.memory_space<vmem>>, vector<256x256xf32>
      %dot_general3A = arith.constant dense<0.000000e+00> : vector<1x256xf32>
      %dot_general3A_25 = tpu.matmul %reshape3A, %get3A_24, %dot_general3A {dimension_numbers = #tpu.dot_dimension_numbers<[1], [1], [0], [0], [0, 0, 1, 0], [], []>, transpose_lhs_hint = false} : vector<1x256xf32>, vector<256x256xf32>, vector<1x256xf32> -> vector<1x256xf32>
      %get3A_26 = arith.constant 0 : index
      %get3A_27 = arith.constant 0 : index
      %get3A_28 = vector.load %arg10[%get3A_26, %get3A_27] : memref<1x256xf32, #tpu.memory_space<vmem>>, vector<1x256xf32>
      %mul3A = arith.mulf %dot_general3A_25, %get3A_28 : vector<1x256xf32>
      %mul3A_29 = arith.constant 512 : i32
      %mul3A_30 = arith.muli %arg1, %mul3A_29 : i32
      %get3A_31 = arith.index_cast %mul3A_30 : i32 to index
      %get3A_32 = arith.constant 0 : index
      %get3A_33 = vector.load %arg16[%get3A_31, %get3A_32] : memref<10240x256xf32, #tpu.memory_space<vmem>>, vector<512x256xf32>
      %mul3A_34 = arith.constant 512 : i32
      %mul3A_35 = arith.muli %arg1, %mul3A_34 : i32
      %get3A_36 = arith.index_cast %mul3A_35 : i32 to index
      %get3A_37 = arith.constant 0 : index
      %get3A_38 = vector.load %arg17[%get3A_36, %get3A_37] : memref<10240x256xf32, #tpu.memory_space<vmem>>, vector<512x256xf32>
      %dot_general3A_39 = arith.constant dense<0.000000e+00> : vector<1x512xf32>
      %dot_general3A_40 = tpu.matmul %mul3A, %get3A_33, %dot_general3A_39 {dimension_numbers = #tpu.dot_dimension_numbers<[1], [1], [0], [0], [0, 0, 1, 0], [], []>, transpose_lhs_hint = false} : vector<1x256xf32>, vector<512x256xf32>, vector<1x512xf32> -> vector<1x512xf32>
      %dot_general3A_41 = arith.constant dense<0.000000e+00> : vector<1x512xf32>
      %dot_general3A_42 = tpu.matmul %mul3A, %get3A_38, %dot_general3A_41 {dimension_numbers = #tpu.dot_dimension_numbers<[1], [1], [0], [0], [0, 0, 1, 0], [], []>, transpose_lhs_hint = false} : vector<1x256xf32>, vector<512x256xf32>, vector<1x512xf32> -> vector<1x512xf32>
      %broadcast_in_dim3A = vector.shape_cast %dot_general3A_40 : vector<1x512xf32> to vector<1x1x512xf32>
      %get3A_43 = arith.constant 0 : index
      %get3A_44 = arith.constant 0 : index
      %get3A_45 = vector.load %arg11[%get3A_43, %get3A_44] : memref<1x1xf32, #tpu.memory_space<vmem>>, vector<1x1xf32>
      %broadcast_in_dim3A_46 = vector.shape_cast %get3A_45 : vector<1x1xf32> to vector<1x1x1xf32>
      %add3A = vector.broadcast %broadcast_in_dim3A_46 : vector<1x1x1xf32> to vector<1x1x512xf32>
      %add3A_47 = arith.addf %broadcast_in_dim3A, %add3A : vector<1x1x512xf32>
      %get3A_48 = arith.constant 0 : index
      %get3A_49 = arith.constant 0 : index
      %get3A_50 = arith.constant 0 : index
      %get3A_51 = vector.load %arg12[%get3A_48, %get3A_49, %get3A_50] : memref<1x1x512xf32, #tpu.memory_space<vmem>>, vector<1x1x512xf32>
      %add3A_52 = arith.addf %add3A_47, %get3A_51 : vector<1x1x512xf32>
      %swap3A = arith.constant 0 : index
      %swap3A_53 = arith.constant 0 : index
      %swap3A_54 = arith.constant 0 : index
      %swap3A_55 = vector.load %arg14[%swap3A, %swap3A_53, %swap3A_54] : memref<1x1x512xf32, #tpu.memory_space<vmem>>, vector<1x1x512xf32>
      tpu.vector_store %arg14[%swap3A, %swap3A_53, %swap3A_54], %add3A_52 {strides = array<i32>} : memref<1x1x512xf32, #tpu.memory_space<vmem>>, vector<1x1x512xf32>,
      %broadcast_in_dim3A_56 = vector.shape_cast %dot_general3A_42 : vector<1x512xf32> to vector<1x1x512xf32>
      %get3A_57 = arith.constant 0 : index
      %get3A_58 = arith.constant 0 : index
      %get3A_59 = vector.load %arg11[%get3A_57, %get3A_58] : memref<1x1xf32, #tpu.memory_space<vmem>>, vector<1x1xf32>
      %broadcast_in_dim3A_60 = vector.shape_cast %get3A_59 : vector<1x1xf32> to vector<1x1x1xf32>
      %add3A_61 = vector.broadcast %broadcast_in_dim3A_60 : vector<1x1x1xf32> to vector<1x1x512xf32>
      %add3A_62 = arith.addf %broadcast_in_dim3A_56, %add3A_61 : vector<1x1x512xf32>
      %get3A_63 = arith.constant 0 : index
      %get3A_64 = arith.constant 0 : index
      %get3A_65 = arith.constant 0 : index
      %get3A_66 = vector.load %arg13[%get3A_63, %get3A_64, %get3A_65] : memref<1x1x512xf32, #tpu.memory_space<vmem>>, vector<1x1x512xf32>
      %add3A_67 = arith.addf %add3A_62, %get3A_66 : vector<1x1x512xf32>
      %swap3A_68 = arith.constant 0 : index
      %swap3A_69 = arith.constant 0 : index
      %swap3A_70 = arith.constant 0 : index
      %swap3A_71 = vector.load %arg15[%swap3A_68, %swap3A_69, %swap3A_70] : memref<1x1x512xf32, #tpu.memory_space<vmem>>, vector<1x1x512xf32>
      tpu.vector_store %arg15[%swap3A_68, %swap3A_69, %swap3A_70], %add3A_67 {strides = array<i32>} : memref<1x1x512xf32, #tpu.memory_space<vmem>>, vector<1x1x512xf32>,
    } else {
    }
    return
  }
  func.func @transform_0(%arg0: i32, %arg1: i32) -> (i32, i32) {
    %sub3A = arith.constant 1 : i32
    %sub3A_0 = arith.subi %sub3A, %arg0 : i32
    %mul3A = arith.muli %arg1, %sub3A_0 : i32
    %c0_i32 = arith.constant 0 : i32
    %c0_i32_1 = arith.constant 0 : i32
    return %mul3A, %c0_i32 : i32, i32
  }
  func.func @transform_1(%arg0: i32, %arg1: i32) -> (i32, i32) {
    %sub3A = arith.constant 1 : i32
    %sub3A_0 = arith.subi %sub3A, %arg0 : i32
    %mul3A = arith.muli %arg1, %sub3A_0 : i32
    %c0_i32 = arith.constant 0 : i32
    %c0_i32_1 = arith.constant 0 : i32
    return %mul3A, %c0_i32 : i32, i32
  }
  func.func @transform_2(%arg0: i32, %arg1: i32) -> (i32, i32) {
    %sub3A = arith.constant 1 : i32
    %sub3A_0 = arith.subi %sub3A, %arg0 : i32
    %mul3A = arith.muli %arg1, %sub3A_0 : i32
    %c0_i32 = arith.constant 0 : i32
    %c0_i32_1 = arith.constant 0 : i32
    return %mul3A, %c0_i32 : i32, i32
  }
  func.func @transform_3(%arg0: i32, %arg1: i32) -> (i32, i32) {
    %sub3A = arith.constant 1 : i32
    %sub3A_0 = arith.subi %sub3A, %arg0 : i32
    %mul3A = arith.muli %arg1, %sub3A_0 : i32
    %c0_i32 = arith.constant 0 : i32
    %c0_i32_1 = arith.constant 0 : i32
    return %mul3A, %c0_i32 : i32, i32
  }
  func.func @transform_4(%arg0: i32, %arg1: i32) -> (i32, i32) {
    %c0_i32 = arith.constant 0 : i32
    %c0_i32_0 = arith.constant 0 : i32
    %c0_i32_1 = arith.constant 0 : i32
    return %c0_i32, %c0_i32_0 : i32, i32
  }
  func.func @transform_5(%arg0: i32, %arg1: i32) -> (i32, i32) {
    %c0_i32 = arith.constant 0 : i32
    %c0_i32_0 = arith.constant 0 : i32
    %c0_i32_1 = arith.constant 0 : i32
    return %c0_i32, %c0_i32_0 : i32, i32
  }
  func.func @transform_6(%arg0: i32, %arg1: i32) -> (i32, i32) {
    %sub3A = arith.constant 1 : i32
    %sub3A_0 = arith.subi %sub3A, %arg0 : i32
    %mul3A = arith.muli %arg1, %sub3A_0 : i32
    %c0_i32 = arith.constant 0 : i32
    %c0_i32_1 = arith.constant 0 : i32
    return %mul3A, %c0_i32 : i32, i32
  }
  func.func @transform_7(%arg0: i32, %arg1: i32) -> (i32, i32) {
    %c0_i32 = arith.constant 0 : i32
    %c0_i32_0 = arith.constant 0 : i32
    %c0_i32_1 = arith.constant 0 : i32
    return %c0_i32, %c0_i32_0 : i32, i32
  }
  func.func @transform_8(%arg0: i32, %arg1: i32) -> (i32, i32) {
    %c0_i32 = arith.constant 0 : i32
    %c0_i32_0 = arith.constant 0 : i32
    %c0_i32_1 = arith.constant 0 : i32
    return %c0_i32, %c0_i32_0 : i32, i32
  }
  func.func @transform_9(%arg0: i32, %arg1: i32) -> (i32, i32) {
    %c0_i32 = arith.constant 0 : i32
    %c0_i32_0 = arith.constant 0 : i32
    %c0_i32_1 = arith.constant 0 : i32
    return %c0_i32, %c0_i32_0 : i32, i32
  }
  func.func @transform_10(%arg0: i32, %arg1: i32) -> (i32, i32, i32) {
    %mul3A = arith.muli %arg1, %arg0 : i32
    %c0_i32 = arith.constant 0 : i32
    %c0_i32_0 = arith.constant 0 : i32
    %c0_i32_1 = arith.constant 0 : i32
    return %mul3A, %c0_i32, %c0_i32_0 : i32, i32, i32
  }
  func.func @transform_11(%arg0: i32, %arg1: i32) -> (i32, i32, i32) {
    %mul3A = arith.muli %arg1, %arg0 : i32
    %c0_i32 = arith.constant 0 : i32
    %c0_i32_0 = arith.constant 0 : i32
    %c0_i32_1 = arith.constant 0 : i32
    return %mul3A, %c0_i32, %c0_i32_0 : i32, i32, i32
  }
  func.func @transform_12(%arg0: i32, %arg1: i32) -> (i32, i32, i32) {
    %mul3A = arith.muli %arg1, %arg0 : i32
    %c0_i32 = arith.constant 0 : i32
    %c0_i32_0 = arith.constant 0 : i32
    %c0_i32_1 = arith.constant 0 : i32
    return %mul3A, %c0_i32, %c0_i32_0 : i32, i32, i32
  }
  func.func @transform_13(%arg0: i32, %arg1: i32) -> (i32, i32, i32) {
    %mul3A = arith.muli %arg1, %arg0 : i32
    %c0_i32 = arith.constant 0 : i32
    %c0_i32_0 = arith.constant 0 : i32
    %c0_i32_1 = arith.constant 0 : i32
    return %mul3A, %c0_i32, %c0_i32_0 : i32, i32, i32
  }
}

</mosaic_0001>

<sc_bundles>
// kernel: kernel.4.cloned.1.call-start
scs
__scs_entry_jumppad:
0x0: {  	(pc) =	sbr.rel $0x88, $3  }
0x1: {  	(tag) =	ssettag $0x0;
	lr =	simm.s32 $0x1  }
0x2: {  	[smem:$0x3F96] =	sst lr;
	_ =	strace $0xD0000000  }
0x3: {  	_ = 	snop  }
0x4: {  	_ = 	snop  }
0x5: {  	_ = 	snop  }
0x6: {  	_ = 	snop  }
0x7: {  	_ = 	snop  }
__scs_overlays_trampoline_lowered:
0x8: {  	[smem:$0x3FA5] =	sst s0  }
0x9: {  	[smem:$0x3FA6] =	sst s1  }
0xa: {  	[smem:$0x3FA7] =	sst s2  }
0xb: {  	[smem:$0x3FA8] =	sst s3  }
0xc: {  	[smem:$0x3FA9] =	sst s4  }
0xd: {  	[smem:$0x3FAA] =	sst s5  }
0xe: {  	[smem:$0x3FAB] =	sst s6  }
0xf: {  	[smem:$0x3FAC] =	sst s7  }
0x10: {  	[smem:$0x3FAD] =	sst s8  }
0x11: {  	[smem:$0x3FAE] =	sst s9;
	s0 =	simm.s32 @!p0 $0x0  }
0x12: {  	s1 =	sld [smem:$0x3F94];
	s0 =	simm.s32 @p0 $0x1  }
0x13: {  	[smem:$0x3FAF] =	sst s0;
	s0 =	simm.s32 @!p1 $0x0  }
0x14: {  	s2 =	sld [smem:$0x3F93];
	s0 =	simm.s32 @p1 $0x1  }
0x15: {  	[smem:$0x3FB0] =	sst s0;
	s0 =	simm.s32 @!p2 $0x0  }
0x16: {  	s3 =	sld [smem:$0x3FDB];
	s0 =	simm.s32 @p2 $0x1  }
0x17: {  	s4 =	simm.s32 $0x1BF5;
	[smem:$0x3FB2] =	sst s0  }
0x18: {  	s0 =	sld [smem:$0x3F95];
	_ =	swait.ge [sflag:s4], $0x0  }
0x19: {  	s7 =	sld [smem:$0x3F96]  }
0x1a: {  	s8 =	sadd.s32 $0xFFFFE003, lr  }
0x1b: {  	s9 =	sadd.s32 $0xFFFFFEF7, lr;
	s5 =	simm.s32 $0xFFFFFFFF;
	p2 =	slt.u32 s8, $0xFFFFF086  }
0x1c: {  	p1 =	slt.u32 s9, $0xF7A;
	s5 =	simm.s32 @!p2 $0x0  }
0x1d: {  	s5 =	simm.s32 @p1 $0x1;
	p0 =	seq.s32 s7, s2  }
0x1e: {  	s7 =	smul.u32 @!p0 $0xF7A, s2;
	p2 =	seq.s32 @!p0 s5, $0x0  }
0x1f: {  	s9 =	smul.u32 $0xF7A, s1;
	s8 =	simm.s32 @!p0 $0x1BF5;
	p2 =	por !p2, p0  }
0x20: {  	[sflag:s8] =	ssyncset.s32 @!p0 $0xFFFFF086;
	s6 =	sadd.s32 @!p0 s3, s7;
	s7 =	simm.s32 @!p0 $0x108  }
0x21: {  	s3 =	sadd.s32 s3, s9;
	s6 =	sadd.s32 @!p0 $0x88, s6;
	s7 =	simm.s32 @p2 $0x1082  }
0x22: {  	[simem:s7], [sflag:s8] =	dma.local @!p0 [hbm:s6], $0xF7A  }
0x23: {  	s9 =	sor.u32 $0xD0000000, s2;
	s6 =	simm.s32 $0x108;
	_ =	swait.ge @!p0 [sflag:s8], $0x0  }
0x24: {  	s3 =	sadd.s32 $0x88, s3;
	s6 =	simm.s32 @!p1 $0x1082;
	[sflag:s4] =	ssyncset.s32 $0xFFFFF086  }
0x25: {  	[simem:s6], [sflag:s4] =	dma.local [hbm:s3], $0xF7A  }
0x26: {  	[smem:$0x3F96] =	sst s1;
	(tag) =	ssettag s2;
	_ =	strace s9  }
0x27: {  	s1 =	sld [smem:$0x3FA6]  }
0x28: {  	s2 =	sld [smem:$0x3FA7]  }
0x29: {  	s4 =	sld [smem:$0x3FA9]  }
0x2a: {  	p0 =	seq.s32 s5, $0x0;
	s5 =	sld [smem:$0x3FAA]  }
0x2b: {  	s6 =	sld [smem:$0x3FAB]  }
0x2c: {  	s7 =	sld [smem:$0x3FAC]  }
0x2d: {  	s3 =	simm.s32 $0x108;
	s8 =	sld [smem:$0x3FAD]  }
0x2e: {  	s3 =	simm.s32 @!p0 $0x1082;
	s9 =	sld [smem:$0x3FAE]  }
0x2f: {  	lr =	sadd.s32 s0, s3;
	s0 =	sld [smem:$0x3FA5]  }
0x30: {  	s3 =	sld [smem:$0x3FA8]  }
0x31: {  	[smem:$0x3FB1] =	sst s10  }
0x32: {  	s10 =	sld [smem:$0x3FAF];
	_ =	sdelay $0x3  }
0x33: {  	p0 =	seq.s32 s10, $0x1;
	s10 =	sld [smem:$0x3FB1];
	_ =	sdelay $0x3  }
0x34: {  	[smem:$0x3FB1] =	sst s10  }
0x35: {  	s10 =	sld [smem:$0x3FB0];
	_ =	sdelay $0x3  }
0x36: {  	p1 =	seq.s32 s10, $0x1;
	s10 =	sld [smem:$0x3FB1];
	_ =	sdelay $0x3  }
0x37: {  	[smem:$0x3FB1] =	sst s10  }
0x38: {  	s10 =	sld [smem:$0x3FB2]  }
0x39: {  	_ = 	snop;
	(pc) =	sbr.ind lr, $3  }
0x3a: {  	_ = 	snop  }
0x3b: {  	_ = 	snop  }
0x3c: {  	p2 =	seq.s32 s10, $0x1;
	s10 =	sld [smem:$0x3FB1]  }
0x3d: {  	_ =	shalt  }
0x3e: {  	_ =	shalt  }
0x3f: {  	_ =	shalt  }
0x40: {  	_ =	shalt  }
0x41: {  	_ =	shalt  }
0x42: {  	_ =	shalt  }
0x43: {  	_ =	shalt  }
0x44: {  	_ =	shalt  }
0x45: {  	_ =	shalt  }
0x46: {  	_ =	shalt  }
0x47: {  	_ =	shalt  }
0x48: {  	_ =	shalt  }
0x49: {  	_ =	shalt  }
0x4a: {  	_ =	shalt  }
0x4b: {  	_ =	shalt  }
0x4c: {  	_ =	shalt  }
0x4d: {  	_ =	shalt  }
0x4e: {  	_ =	shalt  }
0x4f: {  	_ =	shalt  }
0x50: {  	_ =	shalt  }
0x51: {  	_ =	shalt  }
0x52: {  	_ =	shalt  }
0x53: {  	_ =	shalt  }
0x54: {  	_ =	shalt  }
0x55: {  	_ =	shalt  }
0x56: {  	_ =	shalt  }
0x57: {  	_ =	shalt  }
0x58: {  	_ =	shalt  }
0x59: {  	_ =	shalt  }
0x5a: {  	_ =	shalt  }
0x5b: {  	_ =	shalt  }
0x5c: {  	_ =	shalt  }
0x5d: {  	_ =	shalt  }
0x5e: {  	_ =	shalt  }
0x5f: {  	_ =	shalt  }
0x60: {  	_ =	shalt  }
0x61: {  	_ =	shalt  }
0x62: {  	_ =	shalt  }
0x63: {  	_ =	shalt  }
0x64: {  	_ =	shalt  }
0x65: {  	_ =	shalt  }
0x66: {  	_ =	shalt  }
0x67: {  	_ =	shalt  }
0x68: {  	_ =	shalt  }
0x69: {  	_ =	shalt  }
0x6a: {  	_ =	shalt  }
0x6b: {  	_ =	shalt  }
0x6c: {  	_ =	shalt  }
0x6d: {  	_ =	shalt  }
0x6e: {  	_ =	shalt  }
0x6f: {  	_ =	shalt  }
0x70: {  	_ =	shalt  }
0x71: {  	_ =	shalt  }
0x72: {  	_ =	shalt  }
0x73: {  	_ =	shalt  }
0x74: {  	_ =	shalt  }
0x75: {  	_ =	shalt  }
0x76: {  	_ =	shalt  }
0x77: {  	_ =	shalt  }
0x78: {  	_ =	shalt  }
0x79: {  	_ =	shalt  }
0x7a: {  	_ =	shalt  }
0x7b: {  	_ =	shalt  }
0x7c: {  	_ =	shalt  }
0x7d: {  	_ =	shalt  }
0x7e: {  	_ =	shalt  }
0x7f: {  	_ =	shalt  }
0x80: {  	_ =	shalt  }
0x81: {  	_ =	shalt  }
0x82: {  	_ =	shalt  }
0x83: {  	_ =	shalt  }
0x84: {  	_ =	shalt  }
0x85: {  	_ =	shalt  }
0x86: {  	_ =	shalt  }
0x87: {  	_ =	shalt  }
.Lfunc_end0:
.L_simem_size_0:
called_computation_lowered:
.L_overlay_start_0:
0x88: {  	s2 =	sld [smem:$0x3FD9]  }
0x89: {  	s3 =	sld [smem:$0x3FFE];
	_ =	sdelay $0x1  }
0x8a: {  	s1 =	srdreg.scid  }
0x8b: {  	s0 =	sand.u32 $0x1, s1  }
0x8c: {  	s17 =	sshll.u32 s0, $0xA;
	s2 =	sadd.s32 s3, s2  }
0x8d: {  	s2 =	sadd.s32 s2, s17  }
0x8e: {  	[smem:$0x3FBD] =	sst s2  }
0x8f: {  	_ = 	snop  }
0x90: {  	s2 =	sld [smem:$0x3FC9]  }
0x91: {  	s18 =	sld [smem:$0x3FC8];
	(tm) =	ssettm $0x1  }
0x92: {  	s4 =	sld [smem:$0x3FFB];
	_ =	sdelay $0x3  }
0x93: {  	_ =	strace s4  }
0x94: {  	s4 =	sld [smem:$0x3FFC];
	_ =	sdelay $0x3  }
0x95: {  	_ =	strace s4  }
0x96: {  	s4 =	sld [smem:$0x3FFD];
	_ =	sdelay $0x3  }
0x97: {  	_ =	strace s4  }
0x98: {  	_ =	strace $0x8FFFFFFF  }
0x99: {  	s19 =	sld [smem:$0x3FDB];
	_ =	sdelay $0x1  }
0x9a: {  	s5 =	simm.s32 $_scs_section_size  }
0x9b: {  	s6 =	simm.s32 $_size__tile_overlayer_lowered;
	s7 =	simm.s32 $_tile_overlayer_lowered  }
0x9c: {  	s22 =	simm.s32 $0x1BFF;
	s21 =	sshll.u32 s7, $0x1;
	s4 =	sadd.s32 s5, s19  }
0x9d: {  	s8 =	simm.s32 $0x0;
	s20 =	sshll.u32 s6, $0x1;
	s6 =	sadd.s32 s21, s4  }
0x9e: {  	[timem:s8], [sflag:s22] =	dma.local [hbm:s6], s20  }
0x9f: {  	_ =	swait.ge [sflag:s22], s20  }
0xa0: {  	s5 =	ssub.s32 $0x0, s20;
	[sflag:s22] =	ssyncset.done $0x0  }
0xa1: {  	[sflag:s22] =	ssyncadd.s32 s5;
	_ =	sdelay $0x1  }
0xa2: {  	s23 =	simm.s32 $0x1B8B  }
0xa3: {  	_ =	swait.ge [sflag:s23], $0x1  }
0xa4: {  	[sflag:s23] =	ssyncset.done $0x0  }
0xa5: {  	s25 =	simm.s32 $0x1B8E;
	s24 =	sld [smem:$0x3FFE];
	[sflag:s23] =	ssyncadd.s32 $0xFFFFFFFF  }
0xa6: {  	s26 =	simm.s32 $execute0_lowered;
	[smem:$0x3FD2] =	sst s25  }
0xa7: {  	s6 =	sshll.u32 s26, $0x1;
	_ =	strace $0x80000046;
	[dreg:$0x1] =	wrdreg $0xFFFFFFFF  }
0xa8: {  	s28 =	simm.s32 $_size_execute0_lowered;
	s4 =	sadd.s32 s4, s6;
	[dreg:$0x0] =	wrdreg $0x0  }
0xa9: {  	s6 =	sshll.u32 s28, $0x1;
	[dreg:$0x2] =	wrdreg s4  }
0xaa: {  	[dreg:$0x3] =	wrdreg s6  }
0xab: {  	[dreg:$0x4] =	wrdreg $0xC0  }
0xac: {  	_ =	task [dreg:s8], $0x5FFFF  }
0xad: {  	[dreg:$0x1] =	wrdreg $0xFFFFFFFF  }
0xae: {  	[dreg:$0x0] =	wrdreg $0x60  }
0xaf: {  	[dreg:$0x2] =	wrdreg s2  }
0xb0: {  	[dreg:$0x3] =	wrdreg s18  }
0xb1: {  	[dreg:$0x4] =	wrdreg s24  }
0xb2: {  	[dreg:$0x5] =	wrdreg $0x0  }
0xb3: {  	[dreg:$0x6] =	wrdreg $0x9  }
0xb4: {  	_ =	task.clear_ibuf [dreg:s8], $0x7FFFF;
	_ =	strace $0x90000046  }
0xb5: {  	s29 =	simm.s32 $0x9;
	_ =	strace $0x80000048  }
0xb6: {  	_ =	swait.ge [sflag:s29], $0x1  }
0xb7: {  	[sflag:s29] =	ssyncadd.s32 $0xFFFFFFFF  }
0xb8: {  	_ =	strace $0x90000048  }
0xb9: {  	_ =	sfence  }
0xba: {  	s30 =	sld [smem:$0x0];
	_ =	sdelay $0x2  }
0xbb: {  	s31 =	sshll.u32 s1, $0xD;
	s1 =	sshrl.u32 s1, $0x2  }
0xbc: {  	s3 =	sand.u32 $0x4000, s31;
	s1 =	sadd.s32 s1, s30  }
0xbd: {  	s0 =	sor.u32 s3, s0;
	s1 =	sshll.u32 s1, $0x11  }
0xbe: {  	s0 =	sor.u32 s1, s0  }
0xbf: {  	s0 =	sadd.s32 $0x8F2B, s0  }
0xc0: {  	[sflag:s0] =	ssyncadd.remote.s32 $0x1  }
0xc1: {  	_ =	sfence.sel $0xFFFF  }
0xc2: {  	[dreg:$0x0] =	wrdreg $0xFFFFFFFF;
	(pc) =	sbr.abs _section_cstart, $3  }
0xc3: {  	[dreg:$0x1] =	wrdreg $0xFFFFFFFF  }
0xc4: {  	_ =	task.clear_ibuf [dreg:s8], $0x2FFFF;
	_ =	strace $0x9FFFFFFF  }
0xc5: {  	(tm) =	ssettm $0x7FFFFFFF  }
tec
execute0_lowered:
.L_overlay_start_1:
0x0: {  	(tag) =	ssettag $0x1  }
0x1: {  	s0 =	rddreg [dreg:$0x0]  }
0x2: {  	s2 =	rddreg [dreg:$0x1]  }
0x3: {  	s6 =	rddreg [dreg:$0x2]  }
0x4: {  	s1 =	rddreg [dreg:$0x3];
	s3 =	simm.s32 $0x0  }
0x5: {  	s5 =	srdreg.scid;
	s14 =	stileid.u32;
	s16 =	simm.s32 $0x5  }
0x6: {  	s15 =	simm.s32 $0x1F180;
	s17 =	simm.s32 $0x1F200;
	s18 =	simm.s32 $0x1F280  }
0x7: {  	s19 =	simm.s32 $0x1F300;
	s20 =	simm.s32 $0x1F380;
	s21 =	simm.s32 $0x1  }
0x8: {  	s22 =	simm.s32 $0x18;
	[smem:$0x7FF] =	sst s3;
	s4 =	sadd.s32 $0xE00, s6  }
0x9: {  	s8 =	sand.u32 $0x1, s5;
	s7 =	smul.u32 $0x4F000, s14;
	s5 =	sadd.s32 $0x1CE00, s6  }
0xa: {  	s12 =	smul.u32 $0x13C00, s14;
	s13 =	sadd.s32 $0x38E00, s6;
	_ =	strace $0x80000047  }
0xb: {  	s9 =	ssub.s32 $0x2, s8;
	s10 =	smul.u32 $0x140000, s8;
	s26 =	sshll.u32 s8, $0x7  }
0xc: {  	v0 =	vimm.f32 $0.0e+00;
	v1 =	vimm.s32 $0x7;
	s11 =	sshrl.u32 s9, $0x1;
	s7 =	sshrl.u32 s7, $0x2;
	s8 =	sadd.s32 s0, s26  }
0xd: {  	v2 =	vimm.s32 $0x1;
	v3 =	vimm.s32 $0x0;
	v4 =	vlaneseq.u32;
	s11 =	ssub.s32 s9, s11;
	s6 =	sadd.s32 s7, s1;
	s7 =	smul.u32 $0xE000, s14  }
0xe: {  	vm0 =	vmmov $0x1;
	v5 =	vimm.s32 $0x2;
	v6 =	vimm.s32 $0x3;
	s10 =	sadd.s32 s12, s10;
	s9 =	sadd.s32 s2, s26;
	s14 =	simm.s32 $0x4  }
0xf: {  	v7 =	vimm.s32 $0x4;
	v8 =	vimm.s32 $0x5;
	v9 =	vimm.s32 $0x6;
	s28 =	sadd.s32 $0x280000, s10;
	s29 =	smax.u32 s11, $0x1;
	s30 =	sshrl.u32 s10, $0x3  }
0x10: {  	v10 =	vimm.s32 $0x8;
	v11 =	vimm.s32 $0x9;
	v12 =	vimm.s32 $0xA;
	[dreg:$0x5] =	wrdreg s29;
	s0 =	sshrl.u32 s28, $0x3;
	s31 =	sadd.s32 s30, s13  }
0x11: {  	v13 =	vimm.s32 $0xB;
	v14 =	vimm.s32 $0xC;
	v15 =	vimm.s32 $0xD;
	s12 =	simm.s32 $0x1F100;
	s24 =	sadd.s32 s0, s13;
	[dreg:$0x6] =	wrdreg s31  }
0x12: {  	v16 =	vimm.s32 $0xE;
	v17 =	vimm.s32 $0xF;
	v4 =	vmul.u32 $0x8, v4;
	s10 =	simm.s32 $0x0;
	s13 =	simm.s32 $0x1AC00;
	[dreg:$0x7] =	wrdreg s24  }
.LBB2_1:
0x13: {  	[dreg:$0x8] =	wrdreg s10;
	s0 =	simm.s32 $0x0;
	s2 =	simm.s32 $0x0  }
.LBB2_2:
0x14: {  	p0 =	sne.s32 s2, $0x2FC0  }
.Ltmp0:
0x15: {  	_ = 	snop;
	(pc) =	sbr.rel @p0 .LBB2_2-.Ltmp0, $4  }
0x16: {  	s10 =	sand.u32 $0x3E00, s2  }
0x17: {  	s23 =	sand.u32 $0x70, s0;
	s10 =	sshrl.u32 s10, $0x2  }
0x18: {  	s10 =	sor.u32 s23, s10  }
0x19: {  	s0 =	sadd.s32 $0x10, s0;
	s2 =	sadd.s32 $0x40, s2;
	[tilespmem:s10+$0x1AC00] =	vst v0  }
0x1a: {  	s0 =	simm.s32 $0x0  }
.LBB2_4:
0x1b: {  	p0 =	sne.s32 s0, $0x4E000  }
.Ltmp1:
0x1c: {  	_ = 	snop;
	(pc) =	sbr.rel @p0 .LBB2_4-.Ltmp1, $4  }
0x1d: {  	_ = 	snop  }
0x1e: {  	s2 =	sshra.s32 s0, $0x2  }
0x1f: {  	s0 =	sadd.s32 $0x1000, s0;
	s2 =	sadd.s32 s2, s6  }
0x20: {  	[spmem:s2] =	stream.linear.scatter [tilespmem:s13], [sflag:$0x4], $0x400, $0x38;
	v63 =	vld [tilespmem:$0x0]  }
0x21: {  	_ =	swait.ge [sflag:s14], $0x400  }
0x22: {  	s0 =	simm.s32 $0x4E;
	[sflag:s14] =	ssyncset.done $0x0  }
.LBB2_6:
0x23: {  	p0 =	sne.s32 s0, $0x1;
	s0 =	sadd.s32 $0xFFFFFFFF, s0;
	[sflag:s14] =	ssyncadd.s32 $0xFFFFFC00  }
.Ltmp2:
0x24: {  	(pc) =	sbr.rel @p0 .LBB2_6-.Ltmp2, $3  }
0x25: {  	_ =	sdelay $0x1  }
0x26: {  	_ =	swait.ge [sflag:s14], $0x400  }
0x27: {  	[sflag:s14] =	ssyncset.done $0x0  }
.Ltmp3:
0x28: {  	(pc) =	sbr.rel .LBB2_8-.Ltmp3, $4  }
0x29: {  	_ = 	snop  }
0x2a: {  	[sflag:s14] =	ssyncadd.s32 $0xFFFFFC00  }
0x2b: {  	[bflag:$0x0] =	sbarrier.arrive $0xFFFF  }
0x2c: {  	s23 =	simm.s32 $0x0;
	s24 =	simm.s32 $0x0  }
.LBB2_23:
0x2d: {  	s24 =	sadd.s32 $0x1, s24  }
0x2e: {  	p0 =	sne.s32 s24, $0x4  }
.Ltmp4:
0x2f: {  	_ = 	snop;
	(pc) =	sbr.rel @!p0 .LBB2_24-.Ltmp4, $4  }
0x30: {  	_ = 	snop  }
0x31: {  	_ =	swait.ge [sflag:s14], $0xC00  }
0x32: {  	[sflag:s14] =	ssyncset.done $0x0  }
0x33: {  	[sflag:s14] =	ssyncadd.s32 $0xFFFFF400  }
.LBB2_8:
0x34: {  	s0 =	smul.u32 $0x3800, s24;
	_ =	sdelay $0x1  }
0x35: {  	s0 =	sadd.s32 s7, s0  }
0x36: {  	s0 =	sshrl.u32 s0, $0x3  }
0x37: {  	s10 =	simm.s32 $0x13C00;
	s2 =	sadd.s32 s4, s0  }
0x38: {  	[tilespmem:s10], [sflag:$0x5] =	stream.linear.gather [hbm4b:s2+s23], $0x3480, $0x38;
	v63 =	vld [tilespmem:$0x0]  }
0x39: {  	_ =	swait.ge [sflag:s16], $0x3480  }
0x3a: {  	[sflag:s16] =	ssyncset.done $0x0  }
0x3b: {  	s29 =	simm.s32 $0x17400;
	s0 =	sadd.s32 s5, s0;
	[sflag:s16] =	ssyncadd.s32 $0xFFFFCB80  }
0x3c: {  	[tilespmem:s29], [sflag:$0x5] =	stream.linear.gather [hbm4b:s0+s23], $0x3480, $0x38;
	v63 =	vld [tilespmem:$0x0]  }
0x3d: {  	_ =	swait.ge [sflag:s16], $0x3480  }
0x3e: {  	[sflag:s16] =	ssyncset.done $0x0  }
0x3f: {  	[sflag:s16] =	ssyncadd.s32 $0xFFFFCB80  }
0x40: {  	v18 =	vld [tilespmem:$0x13C00];
	_ =	sdelay $0x4  }
0x41: {  	v19 =	vshll.u32 v18, $0x1  }
0x42: {  	v18 =	vand.u32 $0x7, v18;
	v19 =	vand.u32 $0xFFFFFFF0, v19  }
0x43: {  	v18 =	vor.u32 v18, v19  }
0x44: {  	v19 =	vperm.xlane v18, v3;
	_ =	sdelay $0x1  }
0x45: {  	v20 =	vperm.xlane v18, v2;
	v19 =	vadd.s32 v4, v19;
	_ =	sdelay $0x1  }
0x46: {  	v21 =	vperm.xlane v18, v5;
	v20 =	vadd.s32 v4, v20;
	_ =	sdelay $0x1  }
0x47: {  	v22 =	vperm.xlane v18, v6;
	v21 =	vadd.s32 v4, v21  }
0x48: {  	[tilespmem:s13], [sflag:$0x1] =	stream.indirect_vreg.gather [hbm4b:s8+s23], $0x80, v19, vm0, $0xb8;
	v63 =	vld [tilespmem:$0x0]  }
0x49: {  	s30 =	simm.s32 $0x1AC80;
	v42 =	vperm.xlane v18, v7;
	v19 =	vadd.s32 v4, v22  }
0x4a: {  	[tilespmem:s30], [sflag:$0x1] =	stream.indirect_vreg.gather [hbm4b:s8+s23], $0x80, v20, vm0, $0xb8;
	v63 =	vld [tilespmem:$0x0]  }
0x4b: {  	s31 =	simm.s32 $0x1AD00;
	v44 =	vperm.xlane v18, v8;
	v43 =	vadd.s32 v4, v42  }
0x4c: {  	[tilespmem:s31], [sflag:$0x1] =	stream.indirect_vreg.gather [hbm4b:s8+s23], $0x80, v21, vm0, $0xb8;
	v63 =	vld [tilespmem:$0x0]  }
0x4d: {  	s2 =	simm.s32 $0x1AD80;
	v46 =	vperm.xlane v18, v9;
	v45 =	vadd.s32 v4, v44  }
0x4e: {  	[tilespmem:s2], [sflag:$0x1] =	stream.indirect_vreg.gather [hbm4b:s8+s23], $0x80, v19, vm0, $0xb8;
	v63 =	vld [tilespmem:$0x0]  }
0x4f: {  	s10 =	simm.s32 $0x1AE00;
	v47 =	vperm.xlane v18, v1;
	v19 =	vadd.s32 v4, v46  }
0x50: {  	[tilespmem:s10], [sflag:$0x1] =	stream.indirect_vreg.gather [hbm4b:s8+s23], $0x80, v43, vm0, $0xb8;
	v63 =	vld [tilespmem:$0x0]  }
0x51: {  	s11 =	simm.s32 $0x1AE80;
	v49 =	vperm.xlane v18, v10;
	v48 =	vadd.s32 v4, v47  }
0x52: {  	[tilespmem:s11], [sflag:$0x1] =	stream.indirect_vreg.gather [hbm4b:s8+s23], $0x80, v45, vm0, $0xb8;
	v63 =	vld [tilespmem:$0x0]  }
0x53: {  	s25 =	simm.s32 $0x1AF00;
	v51 =	vperm.xlane v18, v11;
	v50 =	vadd.s32 v4, v49  }
0x54: {  	[tilespmem:s25], [sflag:$0x1] =	stream.indirect_vreg.gather [hbm4b:s8+s23], $0x80, v19, vm0, $0xb8;
	v63 =	vld [tilespmem:$0x0]  }
0x55: {  	s26 =	simm.s32 $0x1AF80;
	v52 =	vperm.xlane v18, v12;
	v19 =	vadd.s32 v4, v51  }
0x56: {  	[tilespmem:s26], [sflag:$0x1] =	stream.indirect_vreg.gather [hbm4b:s8+s23], $0x80, v48, vm0, $0xb8;
	v63 =	vld [tilespmem:$0x0]  }
0x57: {  	s28 =	simm.s32 $0x1B000;
	v54 =	vperm.xlane v18, v13;
	v53 =	vadd.s32 v4, v52  }
0x58: {  	[tilespmem:s28], [sflag:$0x1] =	stream.indirect_vreg.gather [hbm4b:s8+s23], $0x80, v50, vm0, $0xb8;
	v63 =	vld [tilespmem:$0x0]  }
0x59: {  	s29 =	simm.s32 $0x1B080;
	v56 =	vperm.xlane v18, v14;
	v55 =	vadd.s32 v4, v54  }
0x5a: {  	[tilespmem:s29], [sflag:$0x1] =	stream.indirect_vreg.gather [hbm4b:s8+s23], $0x80, v19, vm0, $0xb8;
	v63 =	vld [tilespmem:$0x0]  }
0x5b: {  	v57 =	vperm.xlane v18, v15;
	s30 =	simm.s32 $0x1B100;
	v19 =	vadd.s32 v4, v56  }
0x5c: {  	[tilespmem:s30], [sflag:$0x1] =	stream.indirect_vreg.gather [hbm4b:s8+s23], $0x80, v53, vm0, $0xb8;
	v63 =	vld [tilespmem:$0x0]  }
0x5d: {  	v59 =	vperm.xlane v18, v16;
	v58 =	vadd.s32 v4, v57;
	s31 =	simm.s32 $0x1B180  }
0x5e: {  	[tilespmem:s31], [sflag:$0x1] =	stream.indirect_vreg.gather [hbm4b:s8+s23], $0x80, v55, vm0, $0xb8;
	v63 =	vld [tilespmem:$0x0]  }
0x5f: {  	v18 =	vperm.xlane v18, v17;
	v60 =	vadd.s32 v4, v59;
	s2 =	simm.s32 $0x1B200  }
0x60: {  	[tilespmem:s2], [sflag:$0x1] =	stream.indirect_vreg.gather [hbm4b:s8+s23], $0x80, v19, vm0, $0xb8;
	v63 =	vld [tilespmem:$0x0]  }
0x61: {  	v18 =	vadd.s32 v4, v18;
	s10 =	simm.s32 $0x1B280  }
0x62: {  	[tilespmem:s10], [sflag:$0x1] =	stream.indirect_vreg.gather [hbm4b:s8+s23], $0x80, v58, vm0, $0xb8;
	v63 =	vld [tilespmem:$0x0]  }
0x63: {  	s11 =	simm.s32 $0x1B300  }
0x64: {  	[tilespmem:s11], [sflag:$0x1] =	stream.indirect_vreg.gather [hbm4b:s8+s23], $0x80, v60, vm0, $0xb8;
	v63 =	vld [tilespmem:$0x0]  }
0x65: {  	s25 =	simm.s32 $0x1B380  }
0x66: {  	[tilespmem:s25], [sflag:$0x1] =	stream.indirect_vreg.gather [hbm4b:s8+s23], $0x80, v18, vm0, $0xb8;
	v63 =	vld [tilespmem:$0x0]  }
0x67: {  	v18 =	vld.msk [tilespmem:$0x13C10], $0xff;
	_ =	sdelay $0x4  }
0x68: {  	v19 =	vshll.u32 v18, $0x1  }
0x69: {  	v18 =	vand.u32 $0x7, v18;
	v19 =	vand.u32 $0xFFFFFFF0, v19  }
0x6a: {  	v18 =	vor.u32 v18, v19  }
0x6b: {  	v19 =	vperm.xlane v18, v3;
	_ =	sdelay $0x1  }
0x6c: {  	v61 =	vperm.xlane v18, v2;
	v19 =	vadd.s32 v4, v19;
	_ =	sdelay $0x1  }
0x6d: {  	v62 =	vperm.xlane v18, v5;
	v20 =	vadd.s32 v4, v61;
	_ =	sdelay $0x1  }
0x6e: {  	s26 =	simm.s32 $0x1B400;
	v24 =	vperm.xlane v18, v6;
	v21 =	vadd.s32 v4, v62  }
0x6f: {  	[tilespmem:s26], [sflag:$0x1] =	stream.indirect_vreg.gather [hbm4b:s8+s23], $0x80, v19, vm0, $0xb8;
	v63 =	vld [tilespmem:$0x0]  }
0x70: {  	s28 =	simm.s32 $0x1B480;
	v25 =	vperm.xlane v18, v7;
	v19 =	vadd.s32 v4, v24  }
0x71: {  	[tilespmem:s28], [sflag:$0x1] =	stream.indirect_vreg.gather [hbm4b:s8+s23], $0x80, v20, vm0, $0xb8;
	v63 =	vld [tilespmem:$0x0]  }
0x72: {  	s29 =	simm.s32 $0x1B500;
	v27 =	vperm.xlane v18, v8;
	v26 =	vadd.s32 v4, v25  }
0x73: {  	[tilespmem:s29], [sflag:$0x1] =	stream.indirect_vreg.gather [hbm4b:s8+s23], $0x80, v21, vm0, $0xb8;
	v63 =	vld [tilespmem:$0x0]  }
0x74: {  	s30 =	simm.s32 $0x1B580;
	v29 =	vperm.xlane v18, v9;
	v28 =	vadd.s32 v4, v27  }
0x75: {  	[tilespmem:s30], [sflag:$0x1] =	stream.indirect_vreg.gather [hbm4b:s8+s23], $0x80, v19, vm0, $0xb8;
	v63 =	vld [tilespmem:$0x0]  }
0x76: {  	s31 =	simm.s32 $0x1B600;
	v18 =	vperm.xlane v18, v1;
	v19 =	vadd.s32 v4, v29  }
0x77: {  	[tilespmem:s31], [sflag:$0x1] =	stream.indirect_vreg.gather [hbm4b:s8+s23], $0x80, v26, vm0, $0xb8;
	v63 =	vld [tilespmem:$0x0]  }
0x78: {  	s2 =	simm.s32 $0x1B680;
	v18 =	vadd.s32 v4, v18  }
0x79: {  	[tilespmem:s2], [sflag:$0x1] =	stream.indirect_vreg.gather [hbm4b:s8+s23], $0x80, v28, vm0, $0xb8;
	v63 =	vld [tilespmem:$0x0]  }
0x7a: {  	s10 =	simm.s32 $0x1B700  }
0x7b: {  	[tilespmem:s10], [sflag:$0x1] =	stream.indirect_vreg.gather [hbm4b:s8+s23], $0x80, v19, vm0, $0xb8;
	v63 =	vld [tilespmem:$0x0]  }
0x7c: {  	s11 =	simm.s32 $0x1B780  }
0x7d: {  	[tilespmem:s11], [sflag:$0x1] =	stream.indirect_vreg.gather [hbm4b:s8+s23], $0x80, v18, vm0, $0xb8;
	v63 =	vld [tilespmem:$0x0]  }
0x7e: {  	v18 =	vld [tilespmem:$0x13C80];
	_ =	sdelay $0x4  }
0x7f: {  	v19 =	vshll.u32 v18, $0x1  }
0x80: {  	v18 =	vand.u32 $0x7, v18;
	v19 =	vand.u32 $0xFFFFFFF0, v19  }
0x81: {  	v18 =	vor.u32 v18, v19  }
0x82: {  	v19 =	vperm.xlane v18, v3;
	_ =	sdelay $0x1  }
0x83: {  	v30 =	vperm.xlane v18, v2;
	v19 =	vadd.s32 v4, v19;
	_ =	sdelay $0x1  }
0x84: {  	v31 =	vperm.xlane v18, v5;
	v20 =	vadd.s32 v4, v30;
	_ =	sdelay $0x1  }
0x85: {  	s25 =	simm.s32 $0x1B800;
	v32 =	vperm.xlane v18, v6;
	v21 =	vadd.s32 v4, v31  }
0x86: {  	[tilespmem:s25], [sflag:$0x2] =	stream.indirect_vreg.gather [hbm4b:s8+s23], $0x80, v19, vm0, $0xb8;
	v63 =	vld [tilespmem:$0x0]  }
0x87: {  	s26 =	simm.s32 $0x1B880;
	v33 =	vperm.xlane v18, v7;
	v19 =	vadd.s32 v4, v32  }
0x88: {  	[tilespmem:s26], [sflag:$0x2] =	stream.indirect_vreg.gather [hbm4b:s8+s23], $0x80, v20, vm0, $0xb8;
	v63 =	vld [tilespmem:$0x0]  }
0x89: {  	s28 =	simm.s32 $0x1B900;
	v35 =	vperm.xlane v18, v8;
	v34 =	vadd.s32 v4, v33  }
0x8a: {  	[tilespmem:s28], [sflag:$0x2] =	stream.indirect_vreg.gather [hbm4b:s8+s23], $0x80, v21, vm0, $0xb8;
	v63 =	vld [tilespmem:$0x0]  }
0x8b: {  	s29 =	simm.s32 $0x1B980;
	v37 =	vperm.xlane v18, v9;
	v36 =	vadd.s32 v4, v35  }
0x8c: {  	[tilespmem:s29], [sflag:$0x2] =	stream.indirect_vreg.gather [hbm4b:s8+s23], $0x80, v19, vm0, $0xb8;
	v63 =	vld [tilespmem:$0x0]  }
0x8d: {  	s30 =	simm.s32 $0x1BA00;
	v38 =	vperm.xlane v18, v1;
	v19 =	vadd.s32 v4, v37  }
0x8e: {  	[tilespmem:s30], [sflag:$0x2] =	stream.indirect_vreg.gather [hbm4b:s8+s23], $0x80, v34, vm0, $0xb8;
	v63 =	vld [tilespmem:$0x0]  }
0x8f: {  	s31 =	simm.s32 $0x1BA80;
	v40 =	vperm.xlane v18, v10;
	v39 =	vadd.s32 v4, v38  }
0x90: {  	[tilespmem:s31], [sflag:$0x2] =	stream.indirect_vreg.gather [hbm4b:s8+s23], $0x80, v36, vm0, $0xb8;
	v63 =	vld [tilespmem:$0x0]  }
0x91: {  	s2 =	simm.s32 $0x1BB00;
	v42 =	vperm.xlane v18, v11;
	v41 =	vadd.s32 v4, v40  }
0x92: {  	[tilespmem:s2], [sflag:$0x2] =	stream.indirect_vreg.gather [hbm4b:s8+s23], $0x80, v19, vm0, $0xb8;
	v63 =	vld [tilespmem:$0x0]  }
0x93: {  	s10 =	simm.s32 $0x1BB80;
	v43 =	vperm.xlane v18, v12;
	v19 =	vadd.s32 v4, v42  }
0x94: {  	[tilespmem:s10], [sflag:$0x2] =	stream.indirect_vreg.gather [hbm4b:s8+s23], $0x80, v39, vm0, $0xb8;
	v63 =	vld [tilespmem:$0x0]  }
0x95: {  	s11 =	simm.s32 $0x1BC00;
	v45 =	vperm.xlane v18, v13;
	v44 =	vadd.s32 v4, v43  }
0x96: {  	[tilespmem:s11], [sflag:$0x2] =	stream.indirect_vreg.gather [hbm4b:s8+s23], $0x80, v41, vm0, $0xb8;
	v63 =	vld [tilespmem:$0x0]  }
0x97: {  	v47 =	vperm.xlane v18, v14;
	v46 =	vadd.s32 v4, v45;
	s25 =	simm.s32 $0x1BC80  }
0x98: {  	[tilespmem:s25], [sflag:$0x2] =	stream.indirect_vreg.gather [hbm4b:s8+s23], $0x80, v19, vm0, $0xb8;
	v63 =	vld [tilespmem:$0x0]  }
0x99: {  	v48 =	vperm.xlane v18, v15;
	s26 =	simm.s32 $0x1BD00;
	v19 =	vadd.s32 v4, v47  }
0x9a: {  	[tilespmem:s26], [sflag:$0x2] =	stream.indirect_vreg.gather [hbm4b:s8+s23], $0x80, v44, vm0, $0xb8;
	v63 =	vld [tilespmem:$0x0]  }
0x9b: {  	v50 =	vperm.xlane v18, v16;
	v49 =	vadd.s32 v4, v48;
	s28 =	simm.s32 $0x1BD80  }
0x9c: {  	[tilespmem:s28], [sflag:$0x2] =	stream.indirect_vreg.gather [hbm4b:s8+s23], $0x80, v46, vm0, $0xb8;
	v63 =	vld [tilespmem:$0x0]  }
0x9d: {  	v18 =	vperm.xlane v18, v17;
	v51 =	vadd.s32 v4, v50;
	s29 =	simm.s32 $0x1BE00  }
0x9e: {  	[tilespmem:s29], [sflag:$0x2] =	stream.indirect_vreg.gather [hbm4b:s8+s23], $0x80, v19, vm0, $0xb8;
	v63 =	vld [tilespmem:$0x0]  }
0x9f: {  	v18 =	vadd.s32 v4, v18;
	s30 =	simm.s32 $0x1BE80  }
0xa0: {  	[tilespmem:s30], [sflag:$0x2] =	stream.indirect_vreg.gather [hbm4b:s8+s23], $0x80, v49, vm0, $0xb8;
	v63 =	vld [tilespmem:$0x0]  }
0xa1: {  	s31 =	simm.s32 $0x1BF00  }
0xa2: {  	[tilespmem:s31], [sflag:$0x2] =	stream.indirect_vreg.gather [hbm4b:s8+s23], $0x80, v51, vm0, $0xb8;
	v63 =	vld [tilespmem:$0x0]  }
0xa3: {  	s2 =	simm.s32 $0x1BF80  }
0xa4: {  	[tilespmem:s2], [sflag:$0x2] =	stream.indirect_vreg.gather [hbm4b:s8+s23], $0x80, v18, vm0, $0xb8;
	v63 =	vld [tilespmem:$0x0]  }
0xa5: {  	v18 =	vld.msk [tilespmem:$0x13C90], $0xff;
	_ =	sdelay $0x4  }
0xa6: {  	v19 =	vshll.u32 v18, $0x1  }
0xa7: {  	v18 =	vand.u32 $0x7, v18;
	v19 =	vand.u32 $0xFFFFFFF0, v19  }
0xa8: {  	v18 =	vor.u32 v18, v19  }
0xa9: {  	v19 =	vperm.xlane v18, v3;
	_ =	sdelay $0x1  }
0xaa: {  	v52 =	vperm.xlane v18, v2;
	v19 =	vadd.s32 v4, v19;
	_ =	sdelay $0x1  }
0xab: {  	v53 =	vperm.xlane v18, v5;
	v20 =	vadd.s32 v4, v52;
	_ =	sdelay $0x1  }
0xac: {  	s10 =	simm.s32 $0x1C000;
	v54 =	vperm.xlane v18, v6;
	v21 =	vadd.s32 v4, v53  }
0xad: {  	[tilespmem:s10], [sflag:$0x2] =	stream.indirect_vreg.gather [hbm4b:s8+s23], $0x80, v19, vm0, $0xb8;
	v63 =	vld [tilespmem:$0x0]  }
0xae: {  	s11 =	simm.s32 $0x1C080;
	v55 =	vperm.xlane v18, v7;
	v19 =	vadd.s32 v4, v54  }
0xaf: {  	[tilespmem:s11], [sflag:$0x2] =	stream.indirect_vreg.gather [hbm4b:s8+s23], $0x80, v20, vm0, $0xb8;
	v63 =	vld [tilespmem:$0x0]  }
0xb0: {  	s25 =	simm.s32 $0x1C100;
	v57 =	vperm.xlane v18, v8;
	v56 =	vadd.s32 v4, v55  }
0xb1: {  	[tilespmem:s25], [sflag:$0x2] =	stream.indirect_vreg.gather [hbm4b:s8+s23], $0x80, v21, vm0, $0xb8;
	v63 =	vld [tilespmem:$0x0]  }
0xb2: {  	s26 =	simm.s32 $0x1C180;
	v59 =	vperm.xlane v18, v9;
	v58 =	vadd.s32 v4, v57  }
0xb3: {  	[tilespmem:s26], [sflag:$0x2] =	stream.indirect_vreg.gather [hbm4b:s8+s23], $0x80, v19, vm0, $0xb8;
	v63 =	vld [tilespmem:$0x0]  }
0xb4: {  	s28 =	simm.s32 $0x1C200;
	v18 =	vperm.xlane v18, v1;
	v19 =	vadd.s32 v4, v59  }
0xb5: {  	[tilespmem:s28], [sflag:$0x2] =	stream.indirect_vreg.gather [hbm4b:s8+s23], $0x80, v56, vm0, $0xb8;
	v63 =	vld [tilespmem:$0x0]  }
0xb6: {  	s29 =	simm.s32 $0x1C280;
	v18 =	vadd.s32 v4, v18  }
0xb7: {  	[tilespmem:s29], [sflag:$0x2] =	stream.indirect_vreg.gather [hbm4b:s8+s23], $0x80, v58, vm0, $0xb8;
	v63 =	vld [tilespmem:$0x0]  }
0xb8: {  	s30 =	simm.s32 $0x1C300  }
0xb9: {  	[tilespmem:s30], [sflag:$0x2] =	stream.indirect_vreg.gather [hbm4b:s8+s23], $0x80, v19, vm0, $0xb8;
	v63 =	vld [tilespmem:$0x0]  }
0xba: {  	s31 =	simm.s32 $0x1C380  }
0xbb: {  	[tilespmem:s31], [sflag:$0x2] =	stream.indirect_vreg.gather [hbm4b:s8+s23], $0x80, v18, vm0, $0xb8;
	v63 =	vld [tilespmem:$0x0]  }
0xbc: {  	v18 =	vld [tilespmem:$0x13D00];
	_ =	sdelay $0x4  }
0xbd: {  	v19 =	vshll.u32 v18, $0x1  }
0xbe: {  	v18 =	vand.u32 $0x7, v18;
	v19 =	vand.u32 $0xFFFFFFF0, v19  }
0xbf: {  	v18 =	vor.u32 v18, v19  }
0xc0: {  	v19 =	vperm.xlane v18, v3;
	_ =	sdelay $0x1  }
0xc1: {  	v60 =	vperm.xlane v18, v2;
	v19 =	vadd.s32 v4, v19;
	_ =	sdelay $0x1  }
0xc2: {  	v61 =	vperm.xlane v18, v5;
	v20 =	vadd.s32 v4, v60;
	_ =	sdelay $0x1  }
0xc3: {  	s2 =	simm.s32 $0x1C400;
	v62 =	vperm.xlane v18, v6;
	v21 =	vadd.s32 v4, v61  }
0xc4: {  	[tilespmem:s2], [sflag:$0x3] =	stream.indirect_vreg.gather [hbm4b:s8+s23], $0x80, v19, vm0, $0xb8;
	v63 =	vld [tilespmem:$0x0]  }
0xc5: {  	s10 =	simm.s32 $0x1C480;
	v24 =	vperm.xlane v18, v7;
	v19 =	vadd.s32 v4, v62  }
0xc6: {  	[tilespmem:s10], [sflag:$0x3] =	stream.indirect_vreg.gather [hbm4b:s8+s23], $0x80, v20, vm0, $0xb8;
	v63 =	vld [tilespmem:$0x0]  }
0xc7: {  	s11 =	simm.s32 $0x1C500;
	v26 =	vperm.xlane v18, v8;
	v25 =	vadd.s32 v4, v24  }
0xc8: {  	[tilespmem:s11], [sflag:$0x3] =	stream.indirect_vreg.gather [hbm4b:s8+s23], $0x80, v21, vm0, $0xb8;
	v63 =	vld [tilespmem:$0x0]  }
0xc9: {  	s25 =	simm.s32 $0x1C580;
	v28 =	vperm.xlane v18, v9;
	v27 =	vadd.s32 v4, v26  }
0xca: {  	[tilespmem:s25], [sflag:$0x3] =	stream.indirect_vreg.gather [hbm4b:s8+s23], $0x80, v19, vm0, $0xb8;
	v63 =	vld [tilespmem:$0x0]  }
0xcb: {  	s26 =	simm.s32 $0x1C600;
	v29 =	vperm.xlane v18, v1;
	v19 =	vadd.s32 v4, v28  }
0xcc: {  	[tilespmem:s26], [sflag:$0x3] =	stream.indirect_vreg.gather [hbm4b:s8+s23], $0x80, v25, vm0, $0xb8;
	v63 =	vld [tilespmem:$0x0]  }
0xcd: {  	s28 =	simm.s32 $0x1C680;
	v31 =	vperm.xlane v18, v10;
	v30 =	vadd.s32 v4, v29  }
0xce: {  	[tilespmem:s28], [sflag:$0x3] =	stream.indirect_vreg.gather [hbm4b:s8+s23], $0x80, v27, vm0, $0xb8;
	v63 =	vld [tilespmem:$0x0]  }
0xcf: {  	s29 =	simm.s32 $0x1C700;
	v33 =	vperm.xlane v18, v11;
	v32 =	vadd.s32 v4, v31  }
0xd0: {  	[tilespmem:s29], [sflag:$0x3] =	stream.indirect_vreg.gather [hbm4b:s8+s23], $0x80, v19, vm0, $0xb8;
	v63 =	vld [tilespmem:$0x0]  }
0xd1: {  	s30 =	simm.s32 $0x1C780;
	v34 =	vperm.xlane v18, v12;
	v19 =	vadd.s32 v4, v33  }
0xd2: {  	[tilespmem:s30], [sflag:$0x3] =	stream.indirect_vreg.gather [hbm4b:s8+s23], $0x80, v30, vm0, $0xb8;
	v63 =	vld [tilespmem:$0x0]  }
0xd3: {  	s31 =	simm.s32 $0x1C800;
	v36 =	vperm.xlane v18, v13;
	v35 =	vadd.s32 v4, v34  }
0xd4: {  	[tilespmem:s31], [sflag:$0x3] =	stream.indirect_vreg.gather [hbm4b:s8+s23], $0x80, v32, vm0, $0xb8;
	v63 =	vld [tilespmem:$0x0]  }
0xd5: {  	v38 =	vperm.xlane v18, v14;
	v37 =	vadd.s32 v4, v36;
	s2 =	simm.s32 $0x1C880  }
0xd6: {  	[tilespmem:s2], [sflag:$0x3] =	stream.indirect_vreg.gather [hbm4b:s8+s23], $0x80, v19, vm0, $0xb8;
	v63 =	vld [tilespmem:$0x0]  }
0xd7: {  	v39 =	vperm.xlane v18, v15;
	s10 =	simm.s32 $0x1C900;
	v19 =	vadd.s32 v4, v38  }
0xd8: {  	[tilespmem:s10], [sflag:$0x3] =	stream.indirect_vreg.gather [hbm4b:s8+s23], $0x80, v35, vm0, $0xb8;
	v63 =	vld [tilespmem:$0x0]  }
0xd9: {  	v41 =	vperm.xlane v18, v16;
	v40 =	vadd.s32 v4, v39;
	s11 =	simm.s32 $0x1C980  }
0xda: {  	[tilespmem:s11], [sflag:$0x3] =	stream.indirect_vreg.gather [hbm4b:s8+s23], $0x80, v37, vm0, $0xb8;
	v63 =	vld [tilespmem:$0x0]  }
0xdb: {  	v18 =	vperm.xlane v18, v17;
	v42 =	vadd.s32 v4, v41;
	s25 =	simm.s32 $0x1CA00  }
0xdc: {  	[tilespmem:s25], [sflag:$0x3] =	stream.indirect_vreg.gather [hbm4b:s8+s23], $0x80, v19, vm0, $0xb8;
	v63 =	vld [tilespmem:$0x0]  }
0xdd: {  	v18 =	vadd.s32 v4, v18;
	s26 =	simm.s32 $0x1CA80  }
0xde: {  	[tilespmem:s26], [sflag:$0x3] =	stream.indirect_vreg.gather [hbm4b:s8+s23], $0x80, v40, vm0, $0xb8;
	v63 =	vld [tilespmem:$0x0]  }
0xdf: {  	s28 =	simm.s32 $0x1CB00  }
0xe0: {  	[tilespmem:s28], [sflag:$0x3] =	stream.indirect_vreg.gather [hbm4b:s8+s23], $0x80, v42, vm0, $0xb8;
	v63 =	vld [tilespmem:$0x0]  }
0xe1: {  	s29 =	simm.s32 $0x1CB80  }
0xe2: {  	[tilespmem:s29], [sflag:$0x3] =	stream.indirect_vreg.gather [hbm4b:s8+s23], $0x80, v18, vm0, $0xb8;
	v63 =	vld [tilespmem:$0x0]  }
0xe3: {  	v18 =	vld.msk [tilespmem:$0x13D10], $0xff;
	_ =	sdelay $0x4  }
0xe4: {  	v19 =	vshll.u32 v18, $0x1  }
0xe5: {  	v18 =	vand.u32 $0x7, v18;
	v19 =	vand.u32 $0xFFFFFFF0, v19  }
0xe6: {  	v18 =	vor.u32 v18, v19  }
0xe7: {  	v19 =	vperm.xlane v18, v3;
	_ =	sdelay $0x1  }
0xe8: {  	v43 =	vperm.xlane v18, v2;
	v19 =	vadd.s32 v4, v19;
	_ =	sdelay $0x1  }
0xe9: {  	v44 =	vperm.xlane v18, v5;
	v20 =	vadd.s32 v4, v43;
	_ =	sdelay $0x1  }
0xea: {  	s30 =	simm.s32 $0x1CC00;
	v45 =	vperm.xlane v18, v6;
	v21 =	vadd.s32 v4, v44  }
0xeb: {  	[tilespmem:s30], [sflag:$0x3] =	stream.indirect_vreg.gather [hbm4b:s8+s23], $0x80, v19, vm0, $0xb8;
	v63 =	vld [tilespmem:$0x0]  }
0xec: {  	s31 =	simm.s32 $0x1CC80;
	v46 =	vperm.xlane v18, v7;
	v19 =	vadd.s32 v4, v45  }
0xed: {  	[tilespmem:s31], [sflag:$0x3] =	stream.indirect_vreg.gather [hbm4b:s8+s23], $0x80, v20, vm0, $0xb8;
	v63 =	vld [tilespmem:$0x0]  }
0xee: {  	s2 =	simm.s32 $0x1CD00;
	v48 =	vperm.xlane v18, v8;
	v47 =	vadd.s32 v4, v46  }
0xef: {  	[tilespmem:s2], [sflag:$0x3] =	stream.indirect_vreg.gather [hbm4b:s8+s23], $0x80, v21, vm0, $0xb8;
	v63 =	vld [tilespmem:$0x0]  }
0xf0: {  	s10 =	simm.s32 $0x1CD80;
	v50 =	vperm.xlane v18, v9;
	v49 =	vadd.s32 v4, v48  }
0xf1: {  	[tilespmem:s10], [sflag:$0x3] =	stream.indirect_vreg.gather [hbm4b:s8+s23], $0x80, v19, vm0, $0xb8;
	v63 =	vld [tilespmem:$0x0]  }
0xf2: {  	s11 =	simm.s32 $0x1CE00;
	v18 =	vperm.xlane v18, v1;
	v19 =	vadd.s32 v4, v50  }
0xf3: {  	[tilespmem:s11], [sflag:$0x3] =	stream.indirect_vreg.gather [hbm4b:s8+s23], $0x80, v47, vm0, $0xb8;
	v63 =	vld [tilespmem:$0x0]  }
0xf4: {  	s25 =	simm.s32 $0x1CE80;
	v18 =	vadd.s32 v4, v18  }
0xf5: {  	[tilespmem:s25], [sflag:$0x3] =	stream.indirect_vreg.gather [hbm4b:s8+s23], $0x80, v49, vm0, $0xb8;
	v63 =	vld [tilespmem:$0x0]  }
0xf6: {  	s26 =	simm.s32 $0x1CF00  }
0xf7: {  	[tilespmem:s26], [sflag:$0x3] =	stream.indirect_vreg.gather [hbm4b:s8+s23], $0x80, v19, vm0, $0xb8;
	v63 =	vld [tilespmem:$0x0]  }
0xf8: {  	s28 =	simm.s32 $0x1CF80  }
0xf9: {  	[tilespmem:s28], [sflag:$0x3] =	stream.indirect_vreg.gather [hbm4b:s8+s23], $0x80, v18, vm0, $0xb8;
	v63 =	vld [tilespmem:$0x0]  }
0xfa: {  	v18 =	vld [tilespmem:$0x13D80];
	_ =	sdelay $0x4  }
0xfb: {  	v19 =	vshll.u32 v18, $0x1  }
0xfc: {  	v18 =	vand.u32 $0x7, v18;
	v19 =	vand.u32 $0xFFFFFFF0, v19  }
0xfd: {  	v18 =	vor.u32 v18, v19  }
0xfe: {  	v19 =	vperm.xlane v18, v3;
	_ =	sdelay $0x1  }
0xff: {  	v51 =	vperm.xlane v18, v2;
	v19 =	vadd.s32 v4, v19;
	_ =	sdelay $0x1  }
0x100: {  	v52 =	vperm.xlane v18, v5;
	v20 =	vadd.s32 v4, v51;
	_ =	sdelay $0x1  }
0x101: {  	s29 =	simm.s32 $0x1D000;
	v53 =	vperm.xlane v18, v6;
	v21 =	vadd.s32 v4, v52  }
0x102: {  	[tilespmem:s29], [sflag:$0x1] =	stream.indirect_vreg.gather [hbm4b:s8+s23], $0x80, v19, vm0, $0xb8;
	v63 =	vld [tilespmem:$0x0]  }
0x103: {  	s30 =	simm.s32 $0x1D080;
	v54 =	vperm.xlane v18, v7;
	v19 =	vadd.s32 v4, v53  }
0x104: {  	[tilespmem:s30], [sflag:$0x1] =	stream.indirect_vreg.gather [hbm4b:s8+s23], $0x80, v20, vm0, $0xb8;
	v63 =	vld [tilespmem:$0x0]  }
0x105: {  	s31 =	simm.s32 $0x1D100;
	v56 =	vperm.xlane v18, v8;
	v55 =	vadd.s32 v4, v54  }
0x106: {  	[tilespmem:s31], [sflag:$0x1] =	stream.indirect_vreg.gather [hbm4b:s8+s23], $0x80, v21, vm0, $0xb8;
	v63 =	vld [tilespmem:$0x0]  }
0x107: {  	s2 =	simm.s32 $0x1D180;
	v58 =	vperm.xlane v18, v9;
	v57 =	vadd.s32 v4, v56  }
0x108: {  	[tilespmem:s2], [sflag:$0x1] =	stream.indirect_vreg.gather [hbm4b:s8+s23], $0x80, v19, vm0, $0xb8;
	v63 =	vld [tilespmem:$0x0]  }
0x109: {  	s10 =	simm.s32 $0x1D200;
	v59 =	vperm.xlane v18, v1;
	v19 =	vadd.s32 v4, v58  }
0x10a: {  	[tilespmem:s10], [sflag:$0x1] =	stream.indirect_vreg.gather [hbm4b:s8+s23], $0x80, v55, vm0, $0xb8;
	v63 =	vld [tilespmem:$0x0]  }
0x10b: {  	s11 =	simm.s32 $0x1D280;
	v61 =	vperm.xlane v18, v10;
	v60 =	vadd.s32 v4, v59  }
0x10c: {  	[tilespmem:s11], [sflag:$0x1] =	stream.indirect_vreg.gather [hbm4b:s8+s23], $0x80, v57, vm0, $0xb8;
	v63 =	vld [tilespmem:$0x0]  }
0x10d: {  	s25 =	simm.s32 $0x1D300;
	v24 =	vperm.xlane v18, v11;
	v62 =	vadd.s32 v4, v61  }
0x10e: {  	[tilespmem:s25], [sflag:$0x1] =	stream.indirect_vreg.gather [hbm4b:s8+s23], $0x80, v19, vm0, $0xb8;
	v63 =	vld [tilespmem:$0x0]  }
0x10f: {  	s26 =	simm.s32 $0x1D380;
	v25 =	vperm.xlane v18, v12;
	v19 =	vadd.s32 v4, v24  }
0x110: {  	[tilespmem:s26], [sflag:$0x1] =	stream.indirect_vreg.gather [hbm4b:s8+s23], $0x80, v60, vm0, $0xb8;
	v63 =	vld [tilespmem:$0x0]  }
0x111: {  	s28 =	simm.s32 $0x1D400;
	v27 =	vperm.xlane v18, v13;
	v26 =	vadd.s32 v4, v25  }
0x112: {  	[tilespmem:s28], [sflag:$0x1] =	stream.indirect_vreg.gather [hbm4b:s8+s23], $0x80, v62, vm0, $0xb8;
	v63 =	vld [tilespmem:$0x0]  }
0x113: {  	v29 =	vperm.xlane v18, v14;
	v28 =	vadd.s32 v4, v27;
	s29 =	simm.s32 $0x1D480  }
0x114: {  	[tilespmem:s29], [sflag:$0x1] =	stream.indirect_vreg.gather [hbm4b:s8+s23], $0x80, v19, vm0, $0xb8;
	v63 =	vld [tilespmem:$0x0]  }
0x115: {  	v30 =	vperm.xlane v18, v15;
	s30 =	simm.s32 $0x1D500;
	v19 =	vadd.s32 v4, v29  }
0x116: {  	[tilespmem:s30], [sflag:$0x1] =	stream.indirect_vreg.gather [hbm4b:s8+s23], $0x80, v26, vm0, $0xb8;
	v63 =	vld [tilespmem:$0x0]  }
0x117: {  	v32 =	vperm.xlane v18, v16;
	v31 =	vadd.s32 v4, v30;
	s31 =	simm.s32 $0x1D580  }
0x118: {  	[tilespmem:s31], [sflag:$0x1] =	stream.indirect_vreg.gather [hbm4b:s8+s23], $0x80, v28, vm0, $0xb8;
	v63 =	vld [tilespmem:$0x0]  }
0x119: {  	v18 =	vperm.xlane v18, v17;
	v33 =	vadd.s32 v4, v32;
	s2 =	simm.s32 $0x1D600  }
0x11a: {  	[tilespmem:s2], [sflag:$0x1] =	stream.indirect_vreg.gather [hbm4b:s8+s23], $0x80, v19, vm0, $0xb8;
	v63 =	vld [tilespmem:$0x0]  }
0x11b: {  	v18 =	vadd.s32 v4, v18;
	s10 =	simm.s32 $0x1D680  }
0x11c: {  	[tilespmem:s10], [sflag:$0x1] =	stream.indirect_vreg.gather [hbm4b:s8+s23], $0x80, v31, vm0, $0xb8;
	v63 =	vld [tilespmem:$0x0]  }
0x11d: {  	s11 =	simm.s32 $0x1D700  }
0x11e: {  	[tilespmem:s11], [sflag:$0x1] =	stream.indirect_vreg.gather [hbm4b:s8+s23], $0x80, v33, vm0, $0xb8;
	v63 =	vld [tilespmem:$0x0]  }
0x11f: {  	s25 =	simm.s32 $0x1D780  }
0x120: {  	[tilespmem:s25], [sflag:$0x1] =	stream.indirect_vreg.gather [hbm4b:s8+s23], $0x80, v18, vm0, $0xb8;
	v63 =	vld [tilespmem:$0x0]  }
0x121: {  	v18 =	vld.msk [tilespmem:$0x13D90], $0xff;
	_ =	sdelay $0x4  }
0x122: {  	v19 =	vshll.u32 v18, $0x1  }
0x123: {  	v18 =	vand.u32 $0x7, v18;
	v19 =	vand.u32 $0xFFFFFFF0, v19  }
0x124: {  	v18 =	vor.u32 v18, v19  }
0x125: {  	v19 =	vperm.xlane v18, v3;
	_ =	sdelay $0x1  }
0x126: {  	v34 =	vperm.xlane v18, v2;
	v19 =	vadd.s32 v4, v19;
	_ =	sdelay $0x1  }
0x127: {  	v35 =	vperm.xlane v18, v5;
	v20 =	vadd.s32 v4, v34;
	_ =	sdelay $0x1  }
0x128: {  	s26 =	simm.s32 $0x1D800;
	v36 =	vperm.xlane v18, v6;
	v21 =	vadd.s32 v4, v35  }
0x129: {  	[tilespmem:s26], [sflag:$0x1] =	stream.indirect_vreg.gather [hbm4b:s8+s23], $0x80, v19, vm0, $0xb8;
	v63 =	vld [tilespmem:$0x0]  }
0x12a: {  	s28 =	simm.s32 $0x1D880;
	v37 =	vperm.xlane v18, v7;
	v19 =	vadd.s32 v4, v36  }
0x12b: {  	[tilespmem:s28], [sflag:$0x1] =	stream.indirect_vreg.gather [hbm4b:s8+s23], $0x80, v20, vm0, $0xb8;
	v63 =	vld [tilespmem:$0x0]  }
0x12c: {  	s29 =	simm.s32 $0x1D900;
	v39 =	vperm.xlane v18, v8;
	v38 =	vadd.s32 v4, v37  }
0x12d: {  	[tilespmem:s29], [sflag:$0x1] =	stream.indirect_vreg.gather [hbm4b:s8+s23], $0x80, v21, vm0, $0xb8;
	v63 =	vld [tilespmem:$0x0]  }
0x12e: {  	s30 =	simm.s32 $0x1D980;
	v41 =	vperm.xlane v18, v9;
	v40 =	vadd.s32 v4, v39  }
0x12f: {  	[tilespmem:s30], [sflag:$0x1] =	stream.indirect_vreg.gather [hbm4b:s8+s23], $0x80, v19, vm0, $0xb8;
	v63 =	vld [tilespmem:$0x0]  }
0x130: {  	s31 =	simm.s32 $0x1DA00;
	v18 =	vperm.xlane v18, v1;
	v19 =	vadd.s32 v4, v41  }
0x131: {  	[tilespmem:s31], [sflag:$0x1] =	stream.indirect_vreg.gather [hbm4b:s8+s23], $0x80, v38, vm0, $0xb8;
	v63 =	vld [tilespmem:$0x0]  }
0x132: {  	s2 =	simm.s32 $0x1DA80;
	v18 =	vadd.s32 v4, v18  }
0x133: {  	[tilespmem:s2], [sflag:$0x1] =	stream.indirect_vreg.gather [hbm4b:s8+s23], $0x80, v40, vm0, $0xb8;
	v63 =	vld [tilespmem:$0x0]  }
0x134: {  	s10 =	simm.s32 $0x1DB00  }
0x135: {  	[tilespmem:s10], [sflag:$0x1] =	stream.indirect_vreg.gather [hbm4b:s8+s23], $0x80, v19, vm0, $0xb8;
	v63 =	vld [tilespmem:$0x0]  }
0x136: {  	s11 =	simm.s32 $0x1DB80  }
0x137: {  	[tilespmem:s11], [sflag:$0x1] =	stream.indirect_vreg.gather [hbm4b:s8+s23], $0x80, v18, vm0, $0xb8;
	v63 =	vld [tilespmem:$0x0]  }
0x138: {  	v18 =	vld [tilespmem:$0x13E00];
	_ =	sdelay $0x4  }
0x139: {  	v19 =	vshll.u32 v18, $0x1  }
0x13a: {  	v18 =	vand.u32 $0x7, v18;
	v19 =	vand.u32 $0xFFFFFFF0, v19  }
0x13b: {  	v18 =	vor.u32 v18, v19  }
0x13c: {  	v19 =	vperm.xlane v18, v3;
	_ =	sdelay $0x1  }
0x13d: {  	v42 =	vperm.xlane v18, v2;
	v19 =	vadd.s32 v4, v19;
	_ =	sdelay $0x1  }
0x13e: {  	v43 =	vperm.xlane v18, v5;
	v20 =	vadd.s32 v4, v42;
	_ =	sdelay $0x1  }
0x13f: {  	s25 =	simm.s32 $0x1DC00;
	v44 =	vperm.xlane v18, v6;
	v21 =	vadd.s32 v4, v43  }
0x140: {  	[tilespmem:s25], [sflag:$0x2] =	stream.indirect_vreg.gather [hbm4b:s8+s23], $0x80, v19, vm0, $0xb8;
	v63 =	vld [tilespmem:$0x0]  }
0x141: {  	s26 =	simm.s32 $0x1DC80;
	v45 =	vperm.xlane v18, v7;
	v19 =	vadd.s32 v4, v44  }
0x142: {  	[tilespmem:s26], [sflag:$0x2] =	stream.indirect_vreg.gather [hbm4b:s8+s23], $0x80, v20, vm0, $0xb8;
	v63 =	vld [tilespmem:$0x0]  }
0x143: {  	s28 =	simm.s32 $0x1DD00;
	v47 =	vperm.xlane v18, v8;
	v46 =	vadd.s32 v4, v45  }
0x144: {  	[tilespmem:s28], [sflag:$0x2] =	stream.indirect_vreg.gather [hbm4b:s8+s23], $0x80, v21, vm0, $0xb8;
	v63 =	vld [tilespmem:$0x0]  }
0x145: {  	s29 =	simm.s32 $0x1DD80;
	v49 =	vperm.xlane v18, v9;
	v48 =	vadd.s32 v4, v47  }
0x146: {  	[tilespmem:s29], [sflag:$0x2] =	stream.indirect_vreg.gather [hbm4b:s8+s23], $0x80, v19, vm0, $0xb8;
	v63 =	vld [tilespmem:$0x0]  }
0x147: {  	s30 =	simm.s32 $0x1DE00;
	v50 =	vperm.xlane v18, v1;
	v19 =	vadd.s32 v4, v49  }
0x148: {  	[tilespmem:s30], [sflag:$0x2] =	stream.indirect_vreg.gather [hbm4b:s8+s23], $0x80, v46, vm0, $0xb8;
	v63 =	vld [tilespmem:$0x0]  }
0x149: {  	s31 =	simm.s32 $0x1DE80;
	v52 =	vperm.xlane v18, v10;
	v51 =	vadd.s32 v4, v50  }
0x14a: {  	[tilespmem:s31], [sflag:$0x2] =	stream.indirect_vreg.gather [hbm4b:s8+s23], $0x80, v48, vm0, $0xb8;
	v63 =	vld [tilespmem:$0x0]  }
0x14b: {  	s2 =	simm.s32 $0x1DF00;
	v54 =	vperm.xlane v18, v11;
	v53 =	vadd.s32 v4, v52  }
0x14c: {  	[tilespmem:s2], [sflag:$0x2] =	stream.indirect_vreg.gather [hbm4b:s8+s23], $0x80, v19, vm0, $0xb8;
	v63 =	vld [tilespmem:$0x0]  }
0x14d: {  	s10 =	simm.s32 $0x1DF80;
	v55 =	vperm.xlane v18, v12;
	v19 =	vadd.s32 v4, v54  }
0x14e: {  	[tilespmem:s10], [sflag:$0x2] =	stream.indirect_vreg.gather [hbm4b:s8+s23], $0x80, v51, vm0, $0xb8;
	v63 =	vld [tilespmem:$0x0]  }
0x14f: {  	s11 =	simm.s32 $0x1E000;
	v57 =	vperm.xlane v18, v13;
	v56 =	vadd.s32 v4, v55  }
0x150: {  	[tilespmem:s11], [sflag:$0x2] =	stream.indirect_vreg.gather [hbm4b:s8+s23], $0x80, v53, vm0, $0xb8;
	v63 =	vld [tilespmem:$0x0]  }
0x151: {  	v59 =	vperm.xlane v18, v14;
	v58 =	vadd.s32 v4, v57;
	s25 =	simm.s32 $0x1E080  }
0x152: {  	[tilespmem:s25], [sflag:$0x2] =	stream.indirect_vreg.gather [hbm4b:s8+s23], $0x80, v19, vm0, $0xb8;
	v63 =	vld [tilespmem:$0x0]  }
0x153: {  	v60 =	vperm.xlane v18, v15;
	s26 =	simm.s32 $0x1E100;
	v19 =	vadd.s32 v4, v59  }
0x154: {  	[tilespmem:s26], [sflag:$0x2] =	stream.indirect_vreg.gather [hbm4b:s8+s23], $0x80, v56, vm0, $0xb8;
	v63 =	vld [tilespmem:$0x0]  }
0x155: {  	v62 =	vperm.xlane v18, v16;
	v61 =	vadd.s32 v4, v60;
	s28 =	simm.s32 $0x1E180  }
0x156: {  	[tilespmem:s28], [sflag:$0x2] =	stream.indirect_vreg.gather [hbm4b:s8+s23], $0x80, v58, vm0, $0xb8;
	v63 =	vld [tilespmem:$0x0]  }
0x157: {  	v18 =	vperm.xlane v18, v17;
	v24 =	vadd.s32 v4, v62;
	s29 =	simm.s32 $0x1E200  }
0x158: {  	[tilespmem:s29], [sflag:$0x2] =	stream.indirect_vreg.gather [hbm4b:s8+s23], $0x80, v19, vm0, $0xb8;
	v63 =	vld [tilespmem:$0x0]  }
0x159: {  	v18 =	vadd.s32 v4, v18;
	s30 =	simm.s32 $0x1E280  }
0x15a: {  	[tilespmem:s30], [sflag:$0x2] =	stream.indirect_vreg.gather [hbm4b:s8+s23], $0x80, v61, vm0, $0xb8;
	v63 =	vld [tilespmem:$0x0]  }
0x15b: {  	s31 =	simm.s32 $0x1E300  }
0x15c: {  	[tilespmem:s31], [sflag:$0x2] =	stream.indirect_vreg.gather [hbm4b:s8+s23], $0x80, v24, vm0, $0xb8;
	v63 =	vld [tilespmem:$0x0]  }
0x15d: {  	s2 =	simm.s32 $0x1E380  }
0x15e: {  	[tilespmem:s2], [sflag:$0x2] =	stream.indirect_vreg.gather [hbm4b:s8+s23], $0x80, v18, vm0, $0xb8;
	v63 =	vld [tilespmem:$0x0]  }
0x15f: {  	v18 =	vld.msk [tilespmem:$0x13E10], $0xff;
	_ =	sdelay $0x4  }
0x160: {  	v19 =	vshll.u32 v18, $0x1  }
0x161: {  	v18 =	vand.u32 $0x7, v18;
	v19 =	vand.u32 $0xFFFFFFF0, v19  }
0x162: {  	v18 =	vor.u32 v18, v19  }
0x163: {  	v19 =	vperm.xlane v18, v3;
	_ =	sdelay $0x1  }
0x164: {  	v25 =	vperm.xlane v18, v2;
	v19 =	vadd.s32 v4, v19;
	_ =	sdelay $0x1  }
0x165: {  	v26 =	vperm.xlane v18, v5;
	v20 =	vadd.s32 v4, v25;
	_ =	sdelay $0x1  }
0x166: {  	s10 =	simm.s32 $0x1E400;
	v27 =	vperm.xlane v18, v6;
	v21 =	vadd.s32 v4, v26  }
0x167: {  	[tilespmem:s10], [sflag:$0x2] =	stream.indirect_vreg.gather [hbm4b:s8+s23], $0x80, v19, vm0, $0xb8;
	v63 =	vld [tilespmem:$0x0]  }
0x168: {  	s11 =	simm.s32 $0x1E480;
	v28 =	vperm.xlane v18, v7;
	v19 =	vadd.s32 v4, v27  }
0x169: {  	[tilespmem:s11], [sflag:$0x2] =	stream.indirect_vreg.gather [hbm4b:s8+s23], $0x80, v20, vm0, $0xb8;
	v63 =	vld [tilespmem:$0x0]  }
0x16a: {  	s25 =	simm.s32 $0x1E500;
	v30 =	vperm.xlane v18, v8;
	v29 =	vadd.s32 v4, v28  }
0x16b: {  	[tilespmem:s25], [sflag:$0x2] =	stream.indirect_vreg.gather [hbm4b:s8+s23], $0x80, v21, vm0, $0xb8;
	v63 =	vld [tilespmem:$0x0]  }
0x16c: {  	s26 =	simm.s32 $0x1E580;
	v32 =	vperm.xlane v18, v9;
	v31 =	vadd.s32 v4, v30  }
0x16d: {  	[tilespmem:s26], [sflag:$0x2] =	stream.indirect_vreg.gather [hbm4b:s8+s23], $0x80, v19, vm0, $0xb8;
	v63 =	vld [tilespmem:$0x0]  }
0x16e: {  	s28 =	simm.s32 $0x1E600;
	v18 =	vperm.xlane v18, v1;
	v19 =	vadd.s32 v4, v32  }
0x16f: {  	[tilespmem:s28], [sflag:$0x2] =	stream.indirect_vreg.gather [hbm4b:s8+s23], $0x80, v29, vm0, $0xb8;
	v63 =	vld [tilespmem:$0x0]  }
0x170: {  	s29 =	simm.s32 $0x1E680;
	v18 =	vadd.s32 v4, v18  }
0x171: {  	[tilespmem:s29], [sflag:$0x2] =	stream.indirect_vreg.gather [hbm4b:s8+s23], $0x80, v31, vm0, $0xb8;
	v63 =	vld [tilespmem:$0x0]  }
0x172: {  	s30 =	simm.s32 $0x1E700  }
0x173: {  	[tilespmem:s30], [sflag:$0x2] =	stream.indirect_vreg.gather [hbm4b:s8+s23], $0x80, v19, vm0, $0xb8;
	v63 =	vld [tilespmem:$0x0]  }
0x174: {  	s31 =	simm.s32 $0x1E780  }
0x175: {  	[tilespmem:s31], [sflag:$0x2] =	stream.indirect_vreg.gather [hbm4b:s8+s23], $0x80, v18, vm0, $0xb8;
	v63 =	vld [tilespmem:$0x0]  }
0x176: {  	v18 =	vld [tilespmem:$0x13E80];
	_ =	sdelay $0x4  }
0x177: {  	v19 =	vshll.u32 v18, $0x1  }
0x178: {  	v18 =	vand.u32 $0x7, v18;
	v19 =	vand.u32 $0xFFFFFFF0, v19  }
0x179: {  	v18 =	vor.u32 v18, v19  }
0x17a: {  	v19 =	vperm.xlane v18, v3;
	_ =	sdelay $0x1  }
0x17b: {  	v33 =	vperm.xlane v18, v2;
	v19 =	vadd.s32 v4, v19;
	_ =	sdelay $0x1  }
0x17c: {  	v34 =	vperm.xlane v18, v5;
	v20 =	vadd.s32 v4, v33;
	_ =	sdelay $0x1  }
0x17d: {  	s2 =	simm.s32 $0x1E800;
	v35 =	vperm.xlane v18, v6;
	v21 =	vadd.s32 v4, v34  }
0x17e: {  	[tilespmem:s2], [sflag:$0x3] =	stream.indirect_vreg.gather [hbm4b:s8+s23], $0x80, v19, vm0, $0xb8;
	v63 =	vld [tilespmem:$0x0]  }
0x17f: {  	s10 =	simm.s32 $0x1E880;
	v36 =	vperm.xlane v18, v7;
	v19 =	vadd.s32 v4, v35  }
0x180: {  	[tilespmem:s10], [sflag:$0x3] =	stream.indirect_vreg.gather [hbm4b:s8+s23], $0x80, v20, vm0, $0xb8;
	v63 =	vld [tilespmem:$0x0]  }
0x181: {  	s11 =	simm.s32 $0x1E900;
	v38 =	vperm.xlane v18, v8;
	v37 =	vadd.s32 v4, v36  }
0x182: {  	[tilespmem:s11], [sflag:$0x3] =	stream.indirect_vreg.gather [hbm4b:s8+s23], $0x80, v21, vm0, $0xb8;
	v63 =	vld [tilespmem:$0x0]  }
0x183: {  	s25 =	simm.s32 $0x1E980;
	v40 =	vperm.xlane v18, v9;
	v39 =	vadd.s32 v4, v38  }
0x184: {  	[tilespmem:s25], [sflag:$0x3] =	stream.indirect_vreg.gather [hbm4b:s8+s23], $0x80, v19, vm0, $0xb8;
	v63 =	vld [tilespmem:$0x0]  }
0x185: {  	s26 =	simm.s32 $0x1EA00;
	v41 =	vperm.xlane v18, v1;
	v19 =	vadd.s32 v4, v40  }
0x186: {  	[tilespmem:s26], [sflag:$0x3] =	stream.indirect_vreg.gather [hbm4b:s8+s23], $0x80, v37, vm0, $0xb8;
	v63 =	vld [tilespmem:$0x0]  }
0x187: {  	s28 =	simm.s32 $0x1EA80;
	v43 =	vperm.xlane v18, v10;
	v42 =	vadd.s32 v4, v41  }
0x188: {  	[tilespmem:s28], [sflag:$0x3] =	stream.indirect_vreg.gather [hbm4b:s8+s23], $0x80, v39, vm0, $0xb8;
	v63 =	vld [tilespmem:$0x0]  }
0x189: {  	s29 =	simm.s32 $0x1EB00;
	v45 =	vperm.xlane v18, v11;
	v44 =	vadd.s32 v4, v43  }
0x18a: {  	[tilespmem:s29], [sflag:$0x3] =	stream.indirect_vreg.gather [hbm4b:s8+s23], $0x80, v19, vm0, $0xb8;
	v63 =	vld [tilespmem:$0x0]  }
0x18b: {  	s30 =	simm.s32 $0x1EB80;
	v46 =	vperm.xlane v18, v12;
	v19 =	vadd.s32 v4, v45  }
0x18c: {  	[tilespmem:s30], [sflag:$0x3] =	stream.indirect_vreg.gather [hbm4b:s8+s23], $0x80, v42, vm0, $0xb8;
	v63 =	vld [tilespmem:$0x0]  }
0x18d: {  	s31 =	simm.s32 $0x1EC00;
	v48 =	vperm.xlane v18, v13;
	v47 =	vadd.s32 v4, v46  }
0x18e: {  	[tilespmem:s31], [sflag:$0x3] =	stream.indirect_vreg.gather [hbm4b:s8+s23], $0x80, v44, vm0, $0xb8;
	v63 =	vld [tilespmem:$0x0]  }
0x18f: {  	v50 =	vperm.xlane v18, v14;
	v49 =	vadd.s32 v4, v48;
	s2 =	simm.s32 $0x1EC80  }
0x190: {  	[tilespmem:s2], [sflag:$0x3] =	stream.indirect_vreg.gather [hbm4b:s8+s23], $0x80, v19, vm0, $0xb8;
	v63 =	vld [tilespmem:$0x0]  }
0x191: {  	v51 =	vperm.xlane v18, v15;
	s10 =	simm.s32 $0x1ED00;
	v19 =	vadd.s32 v4, v50  }
0x192: {  	[tilespmem:s10], [sflag:$0x3] =	stream.indirect_vreg.gather [hbm4b:s8+s23], $0x80, v47, vm0, $0xb8;
	v63 =	vld [tilespmem:$0x0]  }
0x193: {  	v53 =	vperm.xlane v18, v16;
	v52 =	vadd.s32 v4, v51;
	s11 =	simm.s32 $0x1ED80  }
0x194: {  	[tilespmem:s11], [sflag:$0x3] =	stream.indirect_vreg.gather [hbm4b:s8+s23], $0x80, v49, vm0, $0xb8;
	v63 =	vld [tilespmem:$0x0]  }
0x195: {  	v18 =	vperm.xlane v18, v17;
	v54 =	vadd.s32 v4, v53;
	s25 =	simm.s32 $0x1EE00  }
0x196: {  	[tilespmem:s25], [sflag:$0x3] =	stream.indirect_vreg.gather [hbm4b:s8+s23], $0x80, v19, vm0, $0xb8;
	v63 =	vld [tilespmem:$0x0]  }
0x197: {  	v18 =	vadd.s32 v4, v18;
	s26 =	simm.s32 $0x1EE80  }
0x198: {  	[tilespmem:s26], [sflag:$0x3] =	stream.indirect_vreg.gather [hbm4b:s8+s23], $0x80, v52, vm0, $0xb8;
	v63 =	vld [tilespmem:$0x0]  }
0x199: {  	s28 =	simm.s32 $0x1EF00  }
0x19a: {  	[tilespmem:s28], [sflag:$0x3] =	stream.indirect_vreg.gather [hbm4b:s8+s23], $0x80, v54, vm0, $0xb8;
	v63 =	vld [tilespmem:$0x0]  }
0x19b: {  	s29 =	simm.s32 $0x1EF80  }
0x19c: {  	[tilespmem:s29], [sflag:$0x3] =	stream.indirect_vreg.gather [hbm4b:s8+s23], $0x80, v18, vm0, $0xb8;
	v63 =	vld [tilespmem:$0x0]  }
0x19d: {  	v18 =	vld.msk [tilespmem:$0x13E90], $0xff;
	_ =	sdelay $0x4  }
0x19e: {  	v19 =	vshll.u32 v18, $0x1  }
0x19f: {  	v18 =	vand.u32 $0x7, v18;
	v19 =	vand.u32 $0xFFFFFFF0, v19  }
0x1a0: {  	v18 =	vor.u32 v18, v19  }
0x1a1: {  	v19 =	vperm.xlane v18, v3;
	_ =	sdelay $0x1  }
0x1a2: {  	v55 =	vperm.xlane v18, v2;
	v19 =	vadd.s32 v4, v19;
	_ =	sdelay $0x1  }
0x1a3: {  	v56 =	vperm.xlane v18, v5;
	v20 =	vadd.s32 v4, v55;
	_ =	sdelay $0x1  }
0x1a4: {  	s30 =	simm.s32 $0x1F000;
	v57 =	vperm.xlane v18, v6;
	v21 =	vadd.s32 v4, v56  }
0x1a5: {  	[tilespmem:s30], [sflag:$0x3] =	stream.indirect_vreg.gather [hbm4b:s8+s23], $0x80, v19, vm0, $0xb8;
	v63 =	vld [tilespmem:$0x0]  }
0x1a6: {  	s31 =	simm.s32 $0x1F080;
	v58 =	vperm.xlane v18, v7;
	v19 =	vadd.s32 v4, v57  }
0x1a7: {  	[tilespmem:s31], [sflag:$0x3] =	stream.indirect_vreg.gather [hbm4b:s8+s23], $0x80, v20, vm0, $0xb8;
	v63 =	vld [tilespmem:$0x0]  }
0x1a8: {  	v60 =	vperm.xlane v18, v8;
	v59 =	vadd.s32 v4, v58  }
0x1a9: {  	[tilespmem:s12], [sflag:$0x3] =	stream.indirect_vreg.gather [hbm4b:s8+s23], $0x80, v21, vm0, $0xb8;
	v63 =	vld [tilespmem:$0x0]  }
0x1aa: {  	v61 =	vadd.s32 v4, v60  }
0x1ab: {  	v62 =	vperm.xlane v18, v9;
	[tilespmem:s15], [sflag:$0x3] =	stream.indirect_vreg.gather [hbm4b:s8+s23], $0x80, v19, vm0, $0xb8;
	v63 =	vld [tilespmem:$0x0]  }
0x1ac: {  	_ = 	snop  }
0x1ad: {  	v18 =	vperm.xlane v18, v1;
	v19 =	vadd.s32 v4, v62;
	[tilespmem:s17], [sflag:$0x3] =	stream.indirect_vreg.gather [hbm4b:s8+s23], $0x80, v59, vm0, $0xb8;
	v63 =	vld [tilespmem:$0x0]  }
0x1ae: {  	_ = 	snop  }
0x1af: {  	v18 =	vadd.s32 v4, v18;
	[tilespmem:s18], [sflag:$0x3] =	stream.indirect_vreg.gather [hbm4b:s8+s23], $0x80, v61, vm0, $0xb8;
	v63 =	vld [tilespmem:$0x0]  }
.Ltmp5:
0x1b0: {  	_ = 	snop;
	(pc) =	sbr.rel .LBB2_9-.Ltmp5, $4  }
0x1b1: {  	_ = 	snop  }
0x1b2: {  	[tilespmem:s19], [sflag:$0x3] =	stream.indirect_vreg.gather [hbm4b:s8+s23], $0x80, v19, vm0, $0xb8;
	v63 =	vld [tilespmem:$0x0]  }
0x1b3: {  	s25 =	simm.s32 $0xC00;
	s26 =	simm.s32 $0x0  }
0x1b4: {  	[tilespmem:s20], [sflag:$0x3] =	stream.indirect_vreg.gather [hbm4b:s8+s23], $0x80, v18, vm0, $0xb8;
	v63 =	vld [tilespmem:$0x0]  }
.LBB2_21:
0x1b5: {  	s2 =	sshra.s32 s29, $0x2  }
0x1b6: {  	v18 =	vld [tilespmem:s2+$0x13C00];
	_ =	sdelay $0x4  }
0x1b7: {  	v19 =	vshll.u32 v18, $0x1  }
0x1b8: {  	v18 =	vand.u32 $0x7, v18;
	v19 =	vand.u32 $0xFFFFFFF0, v19  }
0x1b9: {  	v18 =	vor.u32 v18, v19  }
0x1ba: {  	v19 =	vperm.xlane v18, v3;
	_ =	sdelay $0x1  }
0x1bb: {  	v20 =	vperm.xlane v18, v2;
	v19 =	vadd.s32 v4, v19;
	_ =	sdelay $0x1  }
0x1bc: {  	v21 =	vperm.xlane v18, v5;
	v20 =	vadd.s32 v4, v20  }
0x1bd: {  	s0 =	sshrl.u32 s28, $0x2  }
0x1be: {  	s10 =	sadd.s32 $0x1AC00, s0;
	v22 =	vperm.xlane v18, v6;
	v21 =	vadd.s32 v4, v21  }
0x1bf: {  	[tilespmem:s10], [sflag:$0x3] =	stream.indirect_vreg.gather [hbm4b:s8+s3], $0x80, v19, vm0, $0xb8;
	v63 =	vld [tilespmem:$0x0]  }
0x1c0: {  	s31 =	sadd.s32 $0x1AC80, s0;
	v36 =	vperm.xlane v18, v7;
	v19 =	vadd.s32 v4, v22  }
0x1c1: {  	[tilespmem:s31], [sflag:$0x3] =	stream.indirect_vreg.gather [hbm4b:s8+s3], $0x80, v20, vm0, $0xb8;
	v63 =	vld [tilespmem:$0x0]  }
0x1c2: {  	s11 =	sadd.s32 $0x1AD00, s0;
	v38 =	vperm.xlane v18, v8;
	v37 =	vadd.s32 v4, v36  }
0x1c3: {  	[tilespmem:s11], [sflag:$0x3] =	stream.indirect_vreg.gather [hbm4b:s8+s3], $0x80, v21, vm0, $0xb8;
	v63 =	vld [tilespmem:$0x0]  }
0x1c4: {  	s28 =	sadd.s32 $0x1AD80, s0;
	v40 =	vperm.xlane v18, v9;
	v39 =	vadd.s32 v4, v38  }
0x1c5: {  	[tilespmem:s28], [sflag:$0x3] =	stream.indirect_vreg.gather [hbm4b:s8+s3], $0x80, v19, vm0, $0xb8;
	v63 =	vld [tilespmem:$0x0]  }
0x1c6: {  	s29 =	sadd.s32 $0x1AE00, s0;
	v41 =	vperm.xlane v18, v1;
	v19 =	vadd.s32 v4, v40  }
0x1c7: {  	[tilespmem:s29], [sflag:$0x3] =	stream.indirect_vreg.gather [hbm4b:s8+s3], $0x80, v37, vm0, $0xb8;
	v63 =	vld [tilespmem:$0x0]  }
0x1c8: {  	s30 =	sadd.s32 $0x1AE80, s0;
	v43 =	vperm.xlane v18, v10;
	v42 =	vadd.s32 v4, v41  }
0x1c9: {  	[tilespmem:s30], [sflag:$0x3] =	stream.indirect_vreg.gather [hbm4b:s8+s3], $0x80, v39, vm0, $0xb8;
	v63 =	vld [tilespmem:$0x0]  }
0x1ca: {  	v45 =	vperm.xlane v18, v11;
	v44 =	vadd.s32 v4, v43;
	s31 =	sadd.s32 $0x1AF00, s0  }
0x1cb: {  	[tilespmem:s31], [sflag:$0x3] =	stream.indirect_vreg.gather [hbm4b:s8+s3], $0x80, v19, vm0, $0xb8;
	v63 =	vld [tilespmem:$0x0]  }
0x1cc: {  	v46 =	vperm.xlane v18, v12;
	s11 =	sadd.s32 $0x1AF80, s0;
	v19 =	vadd.s32 v4, v45  }
0x1cd: {  	[tilespmem:s11], [sflag:$0x3] =	stream.indirect_vreg.gather [hbm4b:s8+s3], $0x80, v42, vm0, $0xb8;
	v63 =	vld [tilespmem:$0x0]  }
0x1ce: {  	v48 =	vperm.xlane v18, v13;
	v47 =	vadd.s32 v4, v46;
	s28 =	sadd.s32 $0x1B000, s0  }
0x1cf: {  	[tilespmem:s28], [sflag:$0x3] =	stream.indirect_vreg.gather [hbm4b:s8+s3], $0x80, v44, vm0, $0xb8;
	v63 =	vld [tilespmem:$0x0]  }
0x1d0: {  	v50 =	vperm.xlane v18, v14;
	v49 =	vadd.s32 v4, v48;
	s29 =	sadd.s32 $0x1B080, s0  }
0x1d1: {  	[tilespmem:s29], [sflag:$0x3] =	stream.indirect_vreg.gather [hbm4b:s8+s3], $0x80, v19, vm0, $0xb8;
	v63 =	vld [tilespmem:$0x0]  }
0x1d2: {  	v51 =	vperm.xlane v18, v15;
	s30 =	sadd.s32 $0x1B100, s0;
	v19 =	vadd.s32 v4, v50  }
0x1d3: {  	[tilespmem:s30], [sflag:$0x3] =	stream.indirect_vreg.gather [hbm4b:s8+s3], $0x80, v47, vm0, $0xb8;
	v63 =	vld [tilespmem:$0x0]  }
0x1d4: {  	v53 =	vperm.xlane v18, v16;
	v52 =	vadd.s32 v4, v51;
	s31 =	sadd.s32 $0x1B180, s0  }
0x1d5: {  	[tilespmem:s31], [sflag:$0x3] =	stream.indirect_vreg.gather [hbm4b:s8+s3], $0x80, v49, vm0, $0xb8;
	v63 =	vld [tilespmem:$0x0]  }
0x1d6: {  	v18 =	vperm.xlane v18, v17;
	v54 =	vadd.s32 v4, v53;
	s11 =	sadd.s32 $0x1B200, s0  }
0x1d7: {  	[tilespmem:s11], [sflag:$0x3] =	stream.indirect_vreg.gather [hbm4b:s8+s3], $0x80, v19, vm0, $0xb8;
	v63 =	vld [tilespmem:$0x0]  }
0x1d8: {  	v18 =	vadd.s32 v4, v18;
	s28 =	sadd.s32 $0x1B280, s0  }
0x1d9: {  	[tilespmem:s28], [sflag:$0x3] =	stream.indirect_vreg.gather [hbm4b:s8+s3], $0x80, v52, vm0, $0xb8;
	v63 =	vld [tilespmem:$0x0]  }
0x1da: {  	s29 =	sadd.s32 $0x1B300, s0  }
0x1db: {  	[tilespmem:s29], [sflag:$0x3] =	stream.indirect_vreg.gather [hbm4b:s8+s3], $0x80, v54, vm0, $0xb8;
	v63 =	vld [tilespmem:$0x0]  }
0x1dc: {  	s30 =	sadd.s32 $0x1B380, s0  }
0x1dd: {  	[tilespmem:s30], [sflag:$0x3] =	stream.indirect_vreg.gather [hbm4b:s8+s3], $0x80, v18, vm0, $0xb8;
	v63 =	vld [tilespmem:$0x0]  }
0x1de: {  	v18 =	vld.msk [tilespmem:s2+$0x13C10], $0xff;
	_ =	sdelay $0x4  }
0x1df: {  	v19 =	vshll.u32 v18, $0x1  }
0x1e0: {  	v18 =	vand.u32 $0x7, v18;
	v19 =	vand.u32 $0xFFFFFFF0, v19  }
0x1e1: {  	v18 =	vor.u32 v18, v19  }
0x1e2: {  	v19 =	vperm.xlane v18, v3;
	_ =	sdelay $0x1  }
0x1e3: {  	v55 =	vperm.xlane v18, v2;
	v19 =	vadd.s32 v4, v19;
	_ =	sdelay $0x1  }
0x1e4: {  	v56 =	vperm.xlane v18, v5;
	v20 =	vadd.s32 v4, v55;
	_ =	sdelay $0x1  }
0x1e5: {  	s31 =	sadd.s32 $0x1B400, s0;
	v57 =	vperm.xlane v18, v6;
	v21 =	vadd.s32 v4, v56  }
0x1e6: {  	[tilespmem:s31], [sflag:$0x3] =	stream.indirect_vreg.gather [hbm4b:s8+s3], $0x80, v19, vm0, $0xb8;
	v63 =	vld [tilespmem:$0x0]  }
0x1e7: {  	s10 =	sadd.s32 $0x1B480, s0;
	v58 =	vperm.xlane v18, v7;
	v19 =	vadd.s32 v4, v57  }
0x1e8: {  	[tilespmem:s10], [sflag:$0x3] =	stream.indirect_vreg.gather [hbm4b:s8+s3], $0x80, v20, vm0, $0xb8;
	v63 =	vld [tilespmem:$0x0]  }
0x1e9: {  	s11 =	sadd.s32 $0x1B500, s0;
	v60 =	vperm.xlane v18, v8;
	v59 =	vadd.s32 v4, v58  }
0x1ea: {  	[tilespmem:s11], [sflag:$0x3] =	stream.indirect_vreg.gather [hbm4b:s8+s3], $0x80, v21, vm0, $0xb8;
	v63 =	vld [tilespmem:$0x0]  }
0x1eb: {  	s28 =	sadd.s32 $0x1B580, s0;
	v62 =	vperm.xlane v18, v9;
	v61 =	vadd.s32 v4, v60  }
0x1ec: {  	[tilespmem:s28], [sflag:$0x3] =	stream.indirect_vreg.gather [hbm4b:s8+s3], $0x80, v19, vm0, $0xb8;
	v63 =	vld [tilespmem:$0x0]  }
0x1ed: {  	s29 =	sadd.s32 $0x1B600, s0;
	v18 =	vperm.xlane v18, v1;
	v19 =	vadd.s32 v4, v62  }
0x1ee: {  	[tilespmem:s29], [sflag:$0x3] =	stream.indirect_vreg.gather [hbm4b:s8+s3], $0x80, v59, vm0, $0xb8;
	v63 =	vld [tilespmem:$0x0]  }
0x1ef: {  	s30 =	sadd.s32 $0x1B680, s0;
	v18 =	vadd.s32 v4, v18  }
0x1f0: {  	[tilespmem:s30], [sflag:$0x3] =	stream.indirect_vreg.gather [hbm4b:s8+s3], $0x80, v61, vm0, $0xb8;
	v63 =	vld [tilespmem:$0x0]  }
0x1f1: {  	s31 =	sadd.s32 $0x1B700, s0  }
0x1f2: {  	[tilespmem:s31], [sflag:$0x3] =	stream.indirect_vreg.gather [hbm4b:s8+s3], $0x80, v19, vm0, $0xb8;
	v63 =	vld [tilespmem:$0x0]  }
0x1f3: {  	s0 =	sadd.s32 $0x1B780, s0  }
0x1f4: {  	[tilespmem:s0], [sflag:$0x3] =	stream.indirect_vreg.gather [hbm4b:s8+s3], $0x80, v18, vm0, $0xb8;
	v63 =	vld [tilespmem:$0x0]  }
.LBB2_22:
0x1f5: {  	s26 =	sadd.s32 $0x1, s26  }
0x1f6: {  	p0 =	sne.s32 s26, $0x69  }
.Ltmp6:
0x1f7: {  	_ = 	snop;
	(pc) =	sbr.rel @!p0 .LBB2_23-.Ltmp6, $2  }
0x1f8: {  	_ =	sdelay $0x2  }
0x1f9: {  	s25 =	sadd.s32 $0x200, s25  }
.LBB2_9:
0x1fa: {  	s0 =	smul.u32 $0x25, s26;
	_ =	sdelay $0x1  }
0x1fb: {  	s0 =	sshrl.u32 s0, $0x8  }
0x1fc: {  	s2 =	ssub.s32 s26, s0  }
0x1fd: {  	s29 =	smul.u32 $0xAB, s26;
	s2 =	sand.u32 $0xFE, s2  }
0x1fe: {  	s2 =	sshrl.u32 s2, $0x1  }
0x1ff: {  	s0 =	sadd.s32 s0, s2;
	s2 =	sshrl.u32 s29, $0x9  }
0x200: {  	s0 =	sand.u32 $0xFC, s0;
	s2 =	sand.u32 $0x7F, s2  }
0x201: {  	s0 =	sshrl.u32 s0, $0x2;
	s2 =	smul.u32 $0x3, s2  }
0x202: {  	s0 =	smul.u32 $0x7, s0;
	_ =	sdelay $0x1  }
0x203: {  	s30 =	ssub.s32 s26, s2;
	s0 =	ssub.s32 s26, s0  }
0x204: {  	s10 =	sand.u32 $0xFF, s0;
	s0 =	sand.u32 $0xFF, s30  }
0x205: {  	p0 =	seq.s32 s0, $0x0  }
.Ltmp7:
0x206: {  	_ = 	snop;
	(pc) =	sbr.rel @p0 .LBB2_11-.Ltmp7, $3  }
0x207: {  	_ = 	snop  }
0x208: {  	s31 =	smul.u32 $0x3000, s10;
	_ =	sdelay $0x1  }
0x209: {  	s2 =	sshrl.u32 s31, $0x2  }
0x20a: {  	p1 =	seq.s32 s0, $0x1;
	s10 =	simm.s32 $0x2  }
.Ltmp8:
0x20b: {  	s10 =	simm.s32 @!p1 $0x3;
	(pc) =	sbr.rel .LBB2_13-.Ltmp8, $4  }
0x20c: {  	_ =	swait.ge [sflag:s10], $0xC00  }
0x20d: {  	s28 =	sshra.s32 s25, $0x2;
	s2 =	sadd.s32 $0x1AC00, s2;
	[sflag:s10] =	ssyncset.done $0x0  }
0x20e: {  	p0 =	sne.s32 s0, $0x1;
	s28 =	sadd.s32 $0x17100, s28;
	[sflag:s10] =	ssyncadd.s32 $0xFFFFF400  }
0x20f: {  	[spmem:s1] =	stream.indirect.scatter.add.f32 [tilespmem:s2], [sflag:$0x4], $0x80, s28, s22, $0xb8;
	v63 =	vld [tilespmem:$0x0]  }
.LBB2_11:
0x210: {  	p0 =	seq.s32 s26, $0x0  }
.Ltmp9:
0x211: {  	_ = 	snop;
	(pc) =	sbr.rel @p0 .LBB2_57-.Ltmp9, $4  }
0x212: {  	_ =	swait.ge [sflag:s21], $0xC00  }
0x213: {  	s10 =	sshra.s32 s25, $0x2;
	s2 =	sadd.s32 $0x1AC00, s2;
	[sflag:s21] =	ssyncset.done $0x0  }
0x214: {  	p1 =	por $0x0, $0x0;
	s10 =	sadd.s32 $0x17100, s10;
	[sflag:s21] =	ssyncadd.s32 $0xFFFFF400  }
0x215: {  	[spmem:s1] =	stream.indirect.scatter.add.f32 [tilespmem:s2], [sflag:$0x4], $0x80, s10, s22, $0xb8;
	v63 =	vld [tilespmem:$0x0]  }
0x216: {  	p0 =	por $0x0, $0x0  }
.LBB2_13:
0x217: {  	p2 =	sgt.u32 s26, $0x62  }
.Ltmp10:
0x218: {  	_ = 	snop;
	(pc) =	sbr.rel @p2 .LBB2_22-.Ltmp10, $4  }
0x219: {  	_ = 	snop  }
0x21a: {  	_ =	swait.ge [sflag:s14], $0xC00  }
0x21b: {  	[sflag:s14] =	ssyncset.done $0x0  }
0x21c: {  	[sflag:s14] =	ssyncadd.s32 $0xFFFFF400  }
0x21d: {  	s30 =	sadd.s32 $0x6, s26  }
0x21e: {  	s2 =	smul.u32 $0x25, s30;
	_ =	sdelay $0x1  }
0x21f: {  	s2 =	sshrl.u32 s2, $0x8  }
0x220: {  	s10 =	ssub.s32 s30, s2  }
0x221: {  	s10 =	sand.u32 $0xFE, s10  }
0x222: {  	s10 =	sshrl.u32 s10, $0x1  }
0x223: {  	s2 =	sadd.s32 s2, s10  }
0x224: {  	p2 =	sne.s32 s0, $0x0;
	s2 =	sand.u32 $0xFC, s2  }
.Ltmp11:
0x225: {  	s2 =	sshrl.u32 s2, $0x2;
	(pc) =	sbr.rel @!p2 .LBB2_15-.Ltmp11, $3  }
0x226: {  	s2 =	smul.u32 $0x7, s2;
	_ =	sdelay $0x1  }
0x227: {  	s29 =	ssub.s32 s30, s2  }
0x228: {  	s31 =	sand.u32 $0xFF, s29  }
.Ltmp12:
0x229: {  	(pc) =	sbr.rel @!p1 .LBB2_16-.Ltmp12, $1  }
0x22a: {  	_ =	sdelay $0x3  }
.Ltmp13:
0x22b: {  	(pc) =	sbr.rel .LBB2_20-.Ltmp13, $2  }
0x22c: {  	_ =	sdelay $0x2  }
0x22d: {  	s28 =	smul.u32 $0x3000, s31;
	s29 =	smov.u32 s25  }
.LBB2_57:
0x22e: {  	s31 =	simm.s32 $0x6;
	s30 =	simm.s32 $0x6;
	p0 =	por $0x0, $0x0  }
.LBB2_15:
0x22f: {  	s29 =	sshll.u32 s30, $0x9  }
0x230: {  	s10 =	sshrl.u32 s29, $0x2  }
0x231: {  	v18 =	vld [tilespmem:s10+$0x13C00];
	_ =	sdelay $0x4  }
0x232: {  	v19 =	vshll.u32 v18, $0x1  }
0x233: {  	v18 =	vand.u32 $0x7, v18;
	v19 =	vand.u32 $0xFFFFFFF0, v19  }
0x234: {  	v18 =	vor.u32 v18, v19  }
0x235: {  	v19 =	vperm.xlane v18, v3;
	_ =	sdelay $0x1  }
0x236: {  	v20 =	vperm.xlane v18, v2;
	v19 =	vadd.s32 v4, v19  }
0x237: {  	s28 =	smul.u32 $0x3000, s31  }
0x238: {  	v21 =	vperm.xlane v18, v5;
	v20 =	vadd.s32 v4, v20  }
0x239: {  	s0 =	sshrl.u32 s28, $0x2  }
0x23a: {  	s2 =	sadd.s32 $0x1AC00, s0;
	v22 =	vperm.xlane v18, v6;
	v21 =	vadd.s32 v4, v21  }
0x23b: {  	[tilespmem:s2], [sflag:$0x1] =	stream.indirect_vreg.gather [hbm4b:s8+s3], $0x80, v19, vm0, $0xb8;
	v63 =	vld [tilespmem:$0x0]  }
0x23c: {  	s11 =	sadd.s32 $0x1AC80, s0;
	v36 =	vperm.xlane v18, v7;
	v19 =	vadd.s32 v4, v22  }
0x23d: {  	[tilespmem:s11], [sflag:$0x1] =	stream.indirect_vreg.gather [hbm4b:s8+s3], $0x80, v20, vm0, $0xb8;
	v63 =	vld [tilespmem:$0x0]  }
0x23e: {  	v38 =	vperm.xlane v18, v8;
	v37 =	vadd.s32 v4, v36;
	s11 =	sadd.s32 $0x1AD00, s0  }
0x23f: {  	[tilespmem:s11], [sflag:$0x1] =	stream.indirect_vreg.gather [hbm4b:s8+s3], $0x80, v21, vm0, $0xb8;
	v63 =	vld [tilespmem:$0x0]  }
0x240: {  	v40 =	vperm.xlane v18, v9;
	v39 =	vadd.s32 v4, v38;
	s11 =	sadd.s32 $0x1AD80, s0  }
0x241: {  	[tilespmem:s11], [sflag:$0x1] =	stream.indirect_vreg.gather [hbm4b:s8+s3], $0x80, v19, vm0, $0xb8;
	v63 =	vld [tilespmem:$0x0]  }
0x242: {  	v41 =	vperm.xlane v18, v1;
	s11 =	sadd.s32 $0x1AE00, s0;
	v19 =	vadd.s32 v4, v40  }
0x243: {  	[tilespmem:s11], [sflag:$0x1] =	stream.indirect_vreg.gather [hbm4b:s8+s3], $0x80, v37, vm0, $0xb8;
	v63 =	vld [tilespmem:$0x0]  }
0x244: {  	v43 =	vperm.xlane v18, v10;
	v42 =	vadd.s32 v4, v41;
	s11 =	sadd.s32 $0x1AE80, s0  }
0x245: {  	[tilespmem:s11], [sflag:$0x1] =	stream.indirect_vreg.gather [hbm4b:s8+s3], $0x80, v39, vm0, $0xb8;
	v63 =	vld [tilespmem:$0x0]  }
0x246: {  	v45 =	vperm.xlane v18, v11;
	v44 =	vadd.s32 v4, v43;
	s11 =	sadd.s32 $0x1AF00, s0  }
0x247: {  	[tilespmem:s11], [sflag:$0x1] =	stream.indirect_vreg.gather [hbm4b:s8+s3], $0x80, v19, vm0, $0xb8;
	v63 =	vld [tilespmem:$0x0]  }
0x248: {  	v46 =	vperm.xlane v18, v12;
	s11 =	sadd.s32 $0x1AF80, s0;
	v19 =	vadd.s32 v4, v45  }
0x249: {  	[tilespmem:s11], [sflag:$0x1] =	stream.indirect_vreg.gather [hbm4b:s8+s3], $0x80, v42, vm0, $0xb8;
	v63 =	vld [tilespmem:$0x0]  }
0x24a: {  	v48 =	vperm.xlane v18, v13;
	v47 =	vadd.s32 v4, v46;
	s11 =	sadd.s32 $0x1B000, s0  }
0x24b: {  	[tilespmem:s11], [sflag:$0x1] =	stream.indirect_vreg.gather [hbm4b:s8+s3], $0x80, v44, vm0, $0xb8;
	v63 =	vld [tilespmem:$0x0]  }
0x24c: {  	v50 =	vperm.xlane v18, v14;
	v49 =	vadd.s32 v4, v48;
	s11 =	sadd.s32 $0x1B080, s0  }
0x24d: {  	[tilespmem:s11], [sflag:$0x1] =	stream.indirect_vreg.gather [hbm4b:s8+s3], $0x80, v19, vm0, $0xb8;
	v63 =	vld [tilespmem:$0x0]  }
0x24e: {  	v51 =	vperm.xlane v18, v15;
	s11 =	sadd.s32 $0x1B100, s0;
	v19 =	vadd.s32 v4, v50  }
0x24f: {  	[tilespmem:s11], [sflag:$0x1] =	stream.indirect_vreg.gather [hbm4b:s8+s3], $0x80, v47, vm0, $0xb8;
	v63 =	vld [tilespmem:$0x0]  }
0x250: {  	v53 =	vperm.xlane v18, v16;
	v52 =	vadd.s32 v4, v51;
	s11 =	sadd.s32 $0x1B180, s0  }
0x251: {  	[tilespmem:s11], [sflag:$0x1] =	stream.indirect_vreg.gather [hbm4b:s8+s3], $0x80, v49, vm0, $0xb8;
	v63 =	vld [tilespmem:$0x0]  }
0x252: {  	v18 =	vperm.xlane v18, v17;
	v54 =	vadd.s32 v4, v53;
	s11 =	sadd.s32 $0x1B200, s0  }
0x253: {  	[tilespmem:s11], [sflag:$0x1] =	stream.indirect_vreg.gather [hbm4b:s8+s3], $0x80, v19, vm0, $0xb8;
	v63 =	vld [tilespmem:$0x0]  }
0x254: {  	v18 =	vadd.s32 v4, v18;
	s11 =	sadd.s32 $0x1B280, s0  }
0x255: {  	[tilespmem:s11], [sflag:$0x1] =	stream.indirect_vreg.gather [hbm4b:s8+s3], $0x80, v52, vm0, $0xb8;
	v63 =	vld [tilespmem:$0x0]  }
0x256: {  	s11 =	sadd.s32 $0x1B300, s0  }
0x257: {  	[tilespmem:s11], [sflag:$0x1] =	stream.indirect_vreg.gather [hbm4b:s8+s3], $0x80, v54, vm0, $0xb8;
	v63 =	vld [tilespmem:$0x0]  }
0x258: {  	s11 =	sadd.s32 $0x1B380, s0  }
0x259: {  	[tilespmem:s11], [sflag:$0x1] =	stream.indirect_vreg.gather [hbm4b:s8+s3], $0x80, v18, vm0, $0xb8;
	v63 =	vld [tilespmem:$0x0]  }
0x25a: {  	v18 =	vld.msk [tilespmem:s10+$0x13C10], $0xff;
	_ =	sdelay $0x4  }
0x25b: {  	v19 =	vshll.u32 v18, $0x1  }
0x25c: {  	v18 =	vand.u32 $0x7, v18;
	v19 =	vand.u32 $0xFFFFFFF0, v19  }
0x25d: {  	v18 =	vor.u32 v18, v19  }
0x25e: {  	v19 =	vperm.xlane v18, v3;
	_ =	sdelay $0x1  }
0x25f: {  	v55 =	vperm.xlane v18, v2;
	v19 =	vadd.s32 v4, v19;
	_ =	sdelay $0x1  }
0x260: {  	v56 =	vperm.xlane v18, v5;
	v20 =	vadd.s32 v4, v55;
	_ =	sdelay $0x1  }
0x261: {  	s11 =	sadd.s32 $0x1B400, s0;
	v57 =	vperm.xlane v18, v6;
	v21 =	vadd.s32 v4, v56  }
0x262: {  	[tilespmem:s11], [sflag:$0x1] =	stream.indirect_vreg.gather [hbm4b:s8+s3], $0x80, v19, vm0, $0xb8;
	v63 =	vld [tilespmem:$0x0]  }
0x263: {  	s10 =	sadd.s32 $0x1B480, s0;
	v58 =	vperm.xlane v18, v7;
	v19 =	vadd.s32 v4, v57  }
0x264: {  	[tilespmem:s10], [sflag:$0x1] =	stream.indirect_vreg.gather [hbm4b:s8+s3], $0x80, v20, vm0, $0xb8;
	v63 =	vld [tilespmem:$0x0]  }
0x265: {  	v60 =	vperm.xlane v18, v8;
	v59 =	vadd.s32 v4, v58;
	s11 =	sadd.s32 $0x1B500, s0  }
0x266: {  	[tilespmem:s11], [sflag:$0x1] =	stream.indirect_vreg.gather [hbm4b:s8+s3], $0x80, v21, vm0, $0xb8;
	v63 =	vld [tilespmem:$0x0]  }
0x267: {  	v61 =	vadd.s32 v4, v60;
	s10 =	sadd.s32 $0x1B580, s0  }
0x268: {  	v62 =	vperm.xlane v18, v9;
	[tilespmem:s10], [sflag:$0x1] =	stream.indirect_vreg.gather [hbm4b:s8+s3], $0x80, v19, vm0, $0xb8;
	v63 =	vld [tilespmem:$0x0]  }
0x269: {  	s11 =	sadd.s32 $0x1B600, s0  }
0x26a: {  	v18 =	vperm.xlane v18, v1;
	v19 =	vadd.s32 v4, v62;
	[tilespmem:s11], [sflag:$0x1] =	stream.indirect_vreg.gather [hbm4b:s8+s3], $0x80, v59, vm0, $0xb8;
	v63 =	vld [tilespmem:$0x0]  }
0x26b: {  	s10 =	sadd.s32 $0x1B680, s0  }
0x26c: {  	v18 =	vadd.s32 v4, v18;
	[tilespmem:s10], [sflag:$0x1] =	stream.indirect_vreg.gather [hbm4b:s8+s3], $0x80, v61, vm0, $0xb8;
	v63 =	vld [tilespmem:$0x0]  }
.Ltmp14:
0x26d: {  	_ = 	snop;
	(pc) =	sbr.rel @!p1 .LBB2_16-.Ltmp14, $4  }
0x26e: {  	s11 =	sadd.s32 $0x1B700, s0  }
0x26f: {  	[tilespmem:s11], [sflag:$0x1] =	stream.indirect_vreg.gather [hbm4b:s8+s3], $0x80, v19, vm0, $0xb8;
	v63 =	vld [tilespmem:$0x0]  }
0x270: {  	s0 =	sadd.s32 $0x1B780, s0  }
0x271: {  	[tilespmem:s0], [sflag:$0x1] =	stream.indirect_vreg.gather [hbm4b:s8+s3], $0x80, v18, vm0, $0xb8;
	v63 =	vld [tilespmem:$0x0]  }
.LBB2_20:
0x272: {  	s2 =	sshra.s32 s29, $0x2  }
0x273: {  	v18 =	vld [tilespmem:s2+$0x13C00];
	_ =	sdelay $0x4  }
0x274: {  	v19 =	vshll.u32 v18, $0x1  }
0x275: {  	v18 =	vand.u32 $0x7, v18;
	v19 =	vand.u32 $0xFFFFFFF0, v19  }
0x276: {  	v18 =	vor.u32 v18, v19  }
0x277: {  	v19 =	vperm.xlane v18, v3;
	_ =	sdelay $0x1  }
0x278: {  	v20 =	vperm.xlane v18, v2;
	v19 =	vadd.s32 v4, v19;
	_ =	sdelay $0x1  }
0x279: {  	v21 =	vperm.xlane v18, v5;
	v20 =	vadd.s32 v4, v20  }
0x27a: {  	s0 =	sshrl.u32 s28, $0x2  }
0x27b: {  	s10 =	sadd.s32 $0x1AC00, s0;
	v22 =	vperm.xlane v18, v6;
	v21 =	vadd.s32 v4, v21  }
0x27c: {  	[tilespmem:s10], [sflag:$0x2] =	stream.indirect_vreg.gather [hbm4b:s8+s3], $0x80, v19, vm0, $0xb8;
	v63 =	vld [tilespmem:$0x0]  }
0x27d: {  	s11 =	sadd.s32 $0x1AC80, s0;
	v36 =	vperm.xlane v18, v7;
	v19 =	vadd.s32 v4, v22  }
0x27e: {  	[tilespmem:s11], [sflag:$0x2] =	stream.indirect_vreg.gather [hbm4b:s8+s3], $0x80, v20, vm0, $0xb8;
	v63 =	vld [tilespmem:$0x0]  }
0x27f: {  	s30 =	sadd.s32 $0x1AD00, s0;
	v38 =	vperm.xlane v18, v8;
	v37 =	vadd.s32 v4, v36  }
0x280: {  	[tilespmem:s30], [sflag:$0x2] =	stream.indirect_vreg.gather [hbm4b:s8+s3], $0x80, v21, vm0, $0xb8;
	v63 =	vld [tilespmem:$0x0]  }
0x281: {  	s31 =	sadd.s32 $0x1AD80, s0;
	v40 =	vperm.xlane v18, v9;
	v39 =	vadd.s32 v4, v38  }
0x282: {  	[tilespmem:s31], [sflag:$0x2] =	stream.indirect_vreg.gather [hbm4b:s8+s3], $0x80, v19, vm0, $0xb8;
	v63 =	vld [tilespmem:$0x0]  }
0x283: {  	v41 =	vperm.xlane v18, v1;
	s11 =	sadd.s32 $0x1AE00, s0;
	v19 =	vadd.s32 v4, v40  }
0x284: {  	[tilespmem:s11], [sflag:$0x2] =	stream.indirect_vreg.gather [hbm4b:s8+s3], $0x80, v37, vm0, $0xb8;
	v63 =	vld [tilespmem:$0x0]  }
0x285: {  	v43 =	vperm.xlane v18, v10;
	v42 =	vadd.s32 v4, v41;
	s30 =	sadd.s32 $0x1AE80, s0  }
0x286: {  	[tilespmem:s30], [sflag:$0x2] =	stream.indirect_vreg.gather [hbm4b:s8+s3], $0x80, v39, vm0, $0xb8;
	v63 =	vld [tilespmem:$0x0]  }
0x287: {  	v45 =	vperm.xlane v18, v11;
	v44 =	vadd.s32 v4, v43;
	s31 =	sadd.s32 $0x1AF00, s0  }
0x288: {  	[tilespmem:s31], [sflag:$0x2] =	stream.indirect_vreg.gather [hbm4b:s8+s3], $0x80, v19, vm0, $0xb8;
	v63 =	vld [tilespmem:$0x0]  }
0x289: {  	v46 =	vperm.xlane v18, v12;
	s11 =	sadd.s32 $0x1AF80, s0;
	v19 =	vadd.s32 v4, v45  }
0x28a: {  	[tilespmem:s11], [sflag:$0x2] =	stream.indirect_vreg.gather [hbm4b:s8+s3], $0x80, v42, vm0, $0xb8;
	v63 =	vld [tilespmem:$0x0]  }
0x28b: {  	v48 =	vperm.xlane v18, v13;
	v47 =	vadd.s32 v4, v46;
	s30 =	sadd.s32 $0x1B000, s0  }
0x28c: {  	[tilespmem:s30], [sflag:$0x2] =	stream.indirect_vreg.gather [hbm4b:s8+s3], $0x80, v44, vm0, $0xb8;
	v63 =	vld [tilespmem:$0x0]  }
0x28d: {  	v50 =	vperm.xlane v18, v14;
	v49 =	vadd.s32 v4, v48;
	s31 =	sadd.s32 $0x1B080, s0  }
0x28e: {  	[tilespmem:s31], [sflag:$0x2] =	stream.indirect_vreg.gather [hbm4b:s8+s3], $0x80, v19, vm0, $0xb8;
	v63 =	vld [tilespmem:$0x0]  }
0x28f: {  	v51 =	vperm.xlane v18, v15;
	s11 =	sadd.s32 $0x1B100, s0;
	v19 =	vadd.s32 v4, v50  }
0x290: {  	[tilespmem:s11], [sflag:$0x2] =	stream.indirect_vreg.gather [hbm4b:s8+s3], $0x80, v47, vm0, $0xb8;
	v63 =	vld [tilespmem:$0x0]  }
0x291: {  	v53 =	vperm.xlane v18, v16;
	v52 =	vadd.s32 v4, v51;
	s30 =	sadd.s32 $0x1B180, s0  }
0x292: {  	[tilespmem:s30], [sflag:$0x2] =	stream.indirect_vreg.gather [hbm4b:s8+s3], $0x80, v49, vm0, $0xb8;
	v63 =	vld [tilespmem:$0x0]  }
0x293: {  	v18 =	vperm.xlane v18, v17;
	v54 =	vadd.s32 v4, v53;
	s31 =	sadd.s32 $0x1B200, s0  }
0x294: {  	[tilespmem:s31], [sflag:$0x2] =	stream.indirect_vreg.gather [hbm4b:s8+s3], $0x80, v19, vm0, $0xb8;
	v63 =	vld [tilespmem:$0x0]  }
0x295: {  	v18 =	vadd.s32 v4, v18;
	s11 =	sadd.s32 $0x1B280, s0  }
0x296: {  	[tilespmem:s11], [sflag:$0x2] =	stream.indirect_vreg.gather [hbm4b:s8+s3], $0x80, v52, vm0, $0xb8;
	v63 =	vld [tilespmem:$0x0]  }
0x297: {  	s30 =	sadd.s32 $0x1B300, s0  }
0x298: {  	[tilespmem:s30], [sflag:$0x2] =	stream.indirect_vreg.gather [hbm4b:s8+s3], $0x80, v54, vm0, $0xb8;
	v63 =	vld [tilespmem:$0x0]  }
0x299: {  	s31 =	sadd.s32 $0x1B380, s0  }
0x29a: {  	[tilespmem:s31], [sflag:$0x2] =	stream.indirect_vreg.gather [hbm4b:s8+s3], $0x80, v18, vm0, $0xb8;
	v63 =	vld [tilespmem:$0x0]  }
0x29b: {  	v18 =	vld.msk [tilespmem:s2+$0x13C10], $0xff;
	_ =	sdelay $0x4  }
0x29c: {  	v19 =	vshll.u32 v18, $0x1  }
0x29d: {  	v18 =	vand.u32 $0x7, v18;
	v19 =	vand.u32 $0xFFFFFFF0, v19  }
0x29e: {  	v18 =	vor.u32 v18, v19  }
0x29f: {  	v19 =	vperm.xlane v18, v3;
	_ =	sdelay $0x1  }
0x2a0: {  	v55 =	vperm.xlane v18, v2;
	v19 =	vadd.s32 v4, v19;
	_ =	sdelay $0x1  }
0x2a1: {  	v56 =	vperm.xlane v18, v5;
	v20 =	vadd.s32 v4, v55;
	_ =	sdelay $0x1  }
0x2a2: {  	s11 =	sadd.s32 $0x1B400, s0;
	v57 =	vperm.xlane v18, v6;
	v21 =	vadd.s32 v4, v56  }
0x2a3: {  	[tilespmem:s11], [sflag:$0x2] =	stream.indirect_vreg.gather [hbm4b:s8+s3], $0x80, v19, vm0, $0xb8;
	v63 =	vld [tilespmem:$0x0]  }
0x2a4: {  	s30 =	sadd.s32 $0x1B480, s0;
	v58 =	vperm.xlane v18, v7;
	v19 =	vadd.s32 v4, v57  }
0x2a5: {  	[tilespmem:s30], [sflag:$0x2] =	stream.indirect_vreg.gather [hbm4b:s8+s3], $0x80, v20, vm0, $0xb8;
	v63 =	vld [tilespmem:$0x0]  }
0x2a6: {  	s31 =	sadd.s32 $0x1B500, s0;
	v60 =	vperm.xlane v18, v8;
	v59 =	vadd.s32 v4, v58  }
0x2a7: {  	[tilespmem:s31], [sflag:$0x2] =	stream.indirect_vreg.gather [hbm4b:s8+s3], $0x80, v21, vm0, $0xb8;
	v63 =	vld [tilespmem:$0x0]  }
0x2a8: {  	s10 =	sadd.s32 $0x1B580, s0;
	v61 =	vadd.s32 v4, v60  }
0x2a9: {  	v62 =	vperm.xlane v18, v9;
	[tilespmem:s10], [sflag:$0x2] =	stream.indirect_vreg.gather [hbm4b:s8+s3], $0x80, v19, vm0, $0xb8;
	v63 =	vld [tilespmem:$0x0]  }
0x2aa: {  	s11 =	sadd.s32 $0x1B600, s0  }
0x2ab: {  	v18 =	vperm.xlane v18, v1;
	v19 =	vadd.s32 v4, v62;
	[tilespmem:s11], [sflag:$0x2] =	stream.indirect_vreg.gather [hbm4b:s8+s3], $0x80, v59, vm0, $0xb8;
	v63 =	vld [tilespmem:$0x0]  }
0x2ac: {  	s30 =	sadd.s32 $0x1B680, s0  }
0x2ad: {  	v18 =	vadd.s32 v4, v18;
	[tilespmem:s30], [sflag:$0x2] =	stream.indirect_vreg.gather [hbm4b:s8+s3], $0x80, v61, vm0, $0xb8;
	v63 =	vld [tilespmem:$0x0]  }
.Ltmp15:
0x2ae: {  	_ = 	snop;
	(pc) =	sbr.rel @!p0 .LBB2_22-.Ltmp15, $4  }
.Ltmp16:
0x2af: {  	s31 =	sadd.s32 $0x1B700, s0;
	(pc) =	sbr.rel @p0 .LBB2_21-.Ltmp16, $4  }
0x2b0: {  	[tilespmem:s31], [sflag:$0x2] =	stream.indirect_vreg.gather [hbm4b:s8+s3], $0x80, v19, vm0, $0xb8;
	v63 =	vld [tilespmem:$0x0]  }
0x2b1: {  	s0 =	sadd.s32 $0x1B780, s0  }
0x2b2: {  	[tilespmem:s0], [sflag:$0x2] =	stream.indirect_vreg.gather [hbm4b:s8+s3], $0x80, v18, vm0, $0xb8;
	v63 =	vld [tilespmem:$0x0]  }
0x2b3: {  	_ = 	snop  }
.LBB2_16:
.Ltmp17:
0x2b4: {  	(pc) =	sbr.rel @!p0 .LBB2_22-.Ltmp17, $1  }
0x2b5: {  	_ =	sdelay $0x3  }
.Ltmp18:
0x2b6: {  	(pc) =	sbr.rel .LBB2_21-.Ltmp18, $2  }
0x2b7: {  	_ =	sdelay $0x2  }
0x2b8: {  	s29 =	sshll.u32 s30, $0x9;
	s28 =	smul.u32 $0x3000, s31  }
.LBB2_24:
0x2b9: {  	[bflag:$0x0] =	sbarrier.arrive $0xFFFF;
	s0 =	simm.s32 $0x0  }
0x2ba: {  	s2 =	smov.u32 s6;
	s11 =	stileid.u32;
	s25 =	rddreg [dreg:$0x6]  }
.LBB2_25:
0x2bb: {  	p0 =	sne.s32 s0, $0x2700  }
.Ltmp19:
0x2bc: {  	_ = 	snop;
	(pc) =	sbr.rel @p0 .LBB2_25-.Ltmp19, $4  }
0x2bd: {  	_ = 	snop  }
0x2be: {  	s10 =	sshll.u32 s11, $0x6;
	s24 =	sadd.s32 s0, s25;
	s31 =	sshrl.u32 s2, $0x3  }
0x2bf: {  	s2 =	sadd.s32 $0x400, s2;
	s0 =	sadd.s32 $0x80, s0;
	s23 =	sor.u32 $0x1C04, s10  }
0x2c0: {  	[hbm:s24], [sflag:s23] =	dma.local [spmem:s31], $0x80  }
0x2c1: {  	_ =	swait.ge [sflag:s14], $0x80  }
0x2c2: {  	s2 =	simm.s32 $0x4E;
	[sflag:s14] =	ssyncset.done $0x0  }
.LBB2_27:
0x2c3: {  	p0 =	sne.s32 s2, $0x1;
	s2 =	sadd.s32 $0xFFFFFFFF, s2;
	[sflag:s14] =	ssyncadd.s32 $0xFFFFFF80  }
.Ltmp20:
0x2c4: {  	(pc) =	sbr.rel @p0 .LBB2_27-.Ltmp20, $3  }
0x2c5: {  	_ =	sdelay $0x1  }
0x2c6: {  	_ =	swait.ge [sflag:s14], $0x80  }
0x2c7: {  	s0 =	simm.s32 $0x0;
	[sflag:s14] =	ssyncset.done $0x0  }
0x2c8: {  	s2 =	sand.u32 $0x3E00, s0  }
0x2c9: {  	[sflag:s14] =	ssyncadd.s32 $0xFFFFFF80;
	s10 =	sand.u32 $0x70, s0;
	s24 =	sshrl.u32 s2, $0x2  }
0x2ca: {  	s2 =	simm.s32 $0x40;
	s24 =	sor.u32 s10, s24;
	s10 =	simm.s32 $0x0  }
.LBB2_29:
0x2cb: {  	p0 =	sne.s32 s2, $0x2FC0  }
0x2cc: {  	[tilespmem:s24+$0x1AC00] =	vst v0;
	s10 =	sadd.s32 $0x10, s10;
	s24 =	smov.u32 s2;
	s2 =	sadd.s32 $0x40, s2  }
.Ltmp21:
0x2cd: {  	(pc) =	sbr.rel @p0 .LBB2_29-.Ltmp21, $4  }
0x2ce: {  	_ = 	snop  }
0x2cf: {  	s24 =	sand.u32 $0x3E00, s24  }
0x2d0: {  	s25 =	sand.u32 $0x70, s10;
	s24 =	sshrl.u32 s24, $0x2  }
0x2d1: {  	s24 =	sor.u32 s25, s24  }
0x2d2: {  	[tilespmem:s24+$0x1AC00] =	vst v0  }
.LBB2_31:
0x2d3: {  	p0 =	sne.s32 s0, $0x4E000  }
.Ltmp22:
0x2d4: {  	_ = 	snop;
	(pc) =	sbr.rel @p0 .LBB2_31-.Ltmp22, $4  }
0x2d5: {  	_ = 	snop  }
0x2d6: {  	s2 =	sshra.s32 s0, $0x2  }
0x2d7: {  	s0 =	sadd.s32 $0x1000, s0;
	s2 =	sadd.s32 s2, s6  }
0x2d8: {  	[spmem:s2] =	stream.linear.scatter [tilespmem:s13], [sflag:$0x4], $0x400, $0x38;
	v63 =	vld [tilespmem:$0x0]  }
0x2d9: {  	_ =	swait.ge [sflag:s14], $0x400  }
0x2da: {  	s0 =	simm.s32 $0x4E;
	[sflag:s14] =	ssyncset.done $0x0  }
.LBB2_33:
0x2db: {  	p0 =	sne.s32 s0, $0x1;
	s0 =	sadd.s32 $0xFFFFFFFF, s0;
	[sflag:s14] =	ssyncadd.s32 $0xFFFFFC00  }
.Ltmp23:
0x2dc: {  	(pc) =	sbr.rel @p0 .LBB2_33-.Ltmp23, $3  }
0x2dd: {  	_ =	sdelay $0x1  }
0x2de: {  	_ =	swait.ge [sflag:s14], $0x400  }
0x2df: {  	[sflag:s14] =	ssyncset.done $0x0  }
.Ltmp24:
0x2e0: {  	(pc) =	sbr.rel .LBB2_35-.Ltmp24, $4  }
0x2e1: {  	_ = 	snop  }
0x2e2: {  	[sflag:s14] =	ssyncadd.s32 $0xFFFFFC00  }
0x2e3: {  	[bflag:$0x0] =	sbarrier.arrive $0xFFFF  }
0x2e4: {  	s24 =	simm.s32 $0x0;
	s25 =	simm.s32 $0x0  }
.LBB2_50:
0x2e5: {  	s25 =	sadd.s32 $0x1, s25  }
0x2e6: {  	p0 =	sne.s32 s25, $0x4  }
.Ltmp25:
0x2e7: {  	_ = 	snop;
	(pc) =	sbr.rel @!p0 .LBB2_51-.Ltmp25, $4  }
0x2e8: {  	_ = 	snop  }
0x2e9: {  	_ =	swait.ge [sflag:s14], $0xC00  }
0x2ea: {  	[sflag:s14] =	ssyncset.done $0x0  }
0x2eb: {  	[sflag:s14] =	ssyncadd.s32 $0xFFFFF400  }
.LBB2_35:
0x2ec: {  	s0 =	smul.u32 $0x3800, s25;
	_ =	sdelay $0x1  }
0x2ed: {  	s0 =	sadd.s32 s7, s0  }
0x2ee: {  	s0 =	sshrl.u32 s0, $0x3  }
0x2ef: {  	s10 =	simm.s32 $0x13C00;
	s2 =	sadd.s32 s4, s0  }
0x2f0: {  	[tilespmem:s10], [sflag:$0x5] =	stream.linear.gather [hbm4b:s2+s24], $0x3480, $0x38;
	v63 =	vld [tilespmem:$0x0]  }
0x2f1: {  	_ =	swait.ge [sflag:s16], $0x3480  }
0x2f2: {  	[sflag:s16] =	ssyncset.done $0x0  }
0x2f3: {  	s11 =	simm.s32 $0x17400;
	s0 =	sadd.s32 s5, s0;
	[sflag:s16] =	ssyncadd.s32 $0xFFFFCB80  }
0x2f4: {  	[tilespmem:s11], [sflag:$0x5] =	stream.linear.gather [hbm4b:s0+s24], $0x3480, $0x38;
	v63 =	vld [tilespmem:$0x0]  }
0x2f5: {  	_ =	swait.ge [sflag:s16], $0x3480  }
0x2f6: {  	[sflag:s16] =	ssyncset.done $0x0  }
0x2f7: {  	[sflag:s16] =	ssyncadd.s32 $0xFFFFCB80  }
0x2f8: {  	v18 =	vld [tilespmem:$0x13C00];
	_ =	sdelay $0x4  }
0x2f9: {  	v19 =	vshll.u32 v18, $0x1  }
0x2fa: {  	v18 =	vand.u32 $0x7, v18;
	v19 =	vand.u32 $0xFFFFFFF0, v19  }
0x2fb: {  	v18 =	vor.u32 v18, v19  }
0x2fc: {  	v19 =	vperm.xlane v18, v3;
	_ =	sdelay $0x1  }
0x2fd: {  	v20 =	vperm.xlane v18, v2;
	v19 =	vadd.s32 v4, v19;
	_ =	sdelay $0x1  }
0x2fe: {  	v21 =	vperm.xlane v18, v5;
	v20 =	vadd.s32 v4, v20;
	_ =	sdelay $0x1  }
0x2ff: {  	v22 =	vperm.xlane v18, v6;
	v21 =	vadd.s32 v4, v21  }
0x300: {  	[tilespmem:s13], [sflag:$0x1] =	stream.indirect_vreg.gather [hbm4b:s9+s24], $0x80, v19, vm0, $0xb8;
	v63 =	vld [tilespmem:$0x0]  }
0x301: {  	s26 =	simm.s32 $0x1AC80;
	v42 =	vperm.xlane v18, v7;
	v19 =	vadd.s32 v4, v22  }
0x302: {  	[tilespmem:s26], [sflag:$0x1] =	stream.indirect_vreg.gather [hbm4b:s9+s24], $0x80, v20, vm0, $0xb8;
	v63 =	vld [tilespmem:$0x0]  }
0x303: {  	s29 =	simm.s32 $0x1AD00;
	v44 =	vperm.xlane v18, v8;
	v43 =	vadd.s32 v4, v42  }
0x304: {  	[tilespmem:s29], [sflag:$0x1] =	stream.indirect_vreg.gather [hbm4b:s9+s24], $0x80, v21, vm0, $0xb8;
	v63 =	vld [tilespmem:$0x0]  }
0x305: {  	s30 =	simm.s32 $0x1AD80;
	v46 =	vperm.xlane v18, v9;
	v45 =	vadd.s32 v4, v44  }
0x306: {  	[tilespmem:s30], [sflag:$0x1] =	stream.indirect_vreg.gather [hbm4b:s9+s24], $0x80, v19, vm0, $0xb8;
	v63 =	vld [tilespmem:$0x0]  }
0x307: {  	s31 =	simm.s32 $0x1AE00;
	v47 =	vperm.xlane v18, v1;
	v19 =	vadd.s32 v4, v46  }
0x308: {  	[tilespmem:s31], [sflag:$0x1] =	stream.indirect_vreg.gather [hbm4b:s9+s24], $0x80, v43, vm0, $0xb8;
	v63 =	vld [tilespmem:$0x0]  }
0x309: {  	s2 =	simm.s32 $0x1AE80;
	v49 =	vperm.xlane v18, v10;
	v48 =	vadd.s32 v4, v47  }
0x30a: {  	[tilespmem:s2], [sflag:$0x1] =	stream.indirect_vreg.gather [hbm4b:s9+s24], $0x80, v45, vm0, $0xb8;
	v63 =	vld [tilespmem:$0x0]  }
0x30b: {  	s10 =	simm.s32 $0x1AF00;
	v51 =	vperm.xlane v18, v11;
	v50 =	vadd.s32 v4, v49  }
0x30c: {  	[tilespmem:s10], [sflag:$0x1] =	stream.indirect_vreg.gather [hbm4b:s9+s24], $0x80, v19, vm0, $0xb8;
	v63 =	vld [tilespmem:$0x0]  }
0x30d: {  	s11 =	simm.s32 $0x1AF80;
	v52 =	vperm.xlane v18, v12;
	v19 =	vadd.s32 v4, v51  }
0x30e: {  	[tilespmem:s11], [sflag:$0x1] =	stream.indirect_vreg.gather [hbm4b:s9+s24], $0x80, v48, vm0, $0xb8;
	v63 =	vld [tilespmem:$0x0]  }
0x30f: {  	v54 =	vperm.xlane v18, v13;
	v53 =	vadd.s32 v4, v52;
	s26 =	simm.s32 $0x1B000  }
0x310: {  	[tilespmem:s26], [sflag:$0x1] =	stream.indirect_vreg.gather [hbm4b:s9+s24], $0x80, v50, vm0, $0xb8;
	v63 =	vld [tilespmem:$0x0]  }
0x311: {  	v56 =	vperm.xlane v18, v14;
	v55 =	vadd.s32 v4, v54;
	s29 =	simm.s32 $0x1B080  }
0x312: {  	[tilespmem:s29], [sflag:$0x1] =	stream.indirect_vreg.gather [hbm4b:s9+s24], $0x80, v19, vm0, $0xb8;
	v63 =	vld [tilespmem:$0x0]  }
0x313: {  	v57 =	vperm.xlane v18, v15;
	s30 =	simm.s32 $0x1B100;
	v19 =	vadd.s32 v4, v56  }
0x314: {  	[tilespmem:s30], [sflag:$0x1] =	stream.indirect_vreg.gather [hbm4b:s9+s24], $0x80, v53, vm0, $0xb8;
	v63 =	vld [tilespmem:$0x0]  }
0x315: {  	v59 =	vperm.xlane v18, v16;
	v58 =	vadd.s32 v4, v57;
	s31 =	simm.s32 $0x1B180  }
0x316: {  	[tilespmem:s31], [sflag:$0x1] =	stream.indirect_vreg.gather [hbm4b:s9+s24], $0x80, v55, vm0, $0xb8;
	v63 =	vld [tilespmem:$0x0]  }
0x317: {  	v18 =	vperm.xlane v18, v17;
	v60 =	vadd.s32 v4, v59;
	s2 =	simm.s32 $0x1B200  }
0x318: {  	[tilespmem:s2], [sflag:$0x1] =	stream.indirect_vreg.gather [hbm4b:s9+s24], $0x80, v19, vm0, $0xb8;
	v63 =	vld [tilespmem:$0x0]  }
0x319: {  	v18 =	vadd.s32 v4, v18;
	s10 =	simm.s32 $0x1B280  }
0x31a: {  	[tilespmem:s10], [sflag:$0x1] =	stream.indirect_vreg.gather [hbm4b:s9+s24], $0x80, v58, vm0, $0xb8;
	v63 =	vld [tilespmem:$0x0]  }
0x31b: {  	s11 =	simm.s32 $0x1B300  }
0x31c: {  	[tilespmem:s11], [sflag:$0x1] =	stream.indirect_vreg.gather [hbm4b:s9+s24], $0x80, v60, vm0, $0xb8;
	v63 =	vld [tilespmem:$0x0]  }
0x31d: {  	s26 =	simm.s32 $0x1B380  }
0x31e: {  	[tilespmem:s26], [sflag:$0x1] =	stream.indirect_vreg.gather [hbm4b:s9+s24], $0x80, v18, vm0, $0xb8;
	v63 =	vld [tilespmem:$0x0]  }
0x31f: {  	v18 =	vld.msk [tilespmem:$0x13C10], $0xff;
	_ =	sdelay $0x4  }
0x320: {  	v19 =	vshll.u32 v18, $0x1  }
0x321: {  	v18 =	vand.u32 $0x7, v18;
	v19 =	vand.u32 $0xFFFFFFF0, v19  }
0x322: {  	v18 =	vor.u32 v18, v19  }
0x323: {  	v19 =	vperm.xlane v18, v3;
	_ =	sdelay $0x1  }
0x324: {  	v61 =	vperm.xlane v18, v2;
	v19 =	vadd.s32 v4, v19;
	_ =	sdelay $0x1  }
0x325: {  	v62 =	vperm.xlane v18, v5;
	v20 =	vadd.s32 v4, v61;
	_ =	sdelay $0x1  }
0x326: {  	s29 =	simm.s32 $0x1B400;
	v24 =	vperm.xlane v18, v6;
	v21 =	vadd.s32 v4, v62  }
0x327: {  	[tilespmem:s29], [sflag:$0x1] =	stream.indirect_vreg.gather [hbm4b:s9+s24], $0x80, v19, vm0, $0xb8;
	v63 =	vld [tilespmem:$0x0]  }
0x328: {  	s30 =	simm.s32 $0x1B480;
	v25 =	vperm.xlane v18, v7;
	v19 =	vadd.s32 v4, v24  }
0x329: {  	[tilespmem:s30], [sflag:$0x1] =	stream.indirect_vreg.gather [hbm4b:s9+s24], $0x80, v20, vm0, $0xb8;
	v63 =	vld [tilespmem:$0x0]  }
0x32a: {  	s31 =	simm.s32 $0x1B500;
	v27 =	vperm.xlane v18, v8;
	v26 =	vadd.s32 v4, v25  }
0x32b: {  	[tilespmem:s31], [sflag:$0x1] =	stream.indirect_vreg.gather [hbm4b:s9+s24], $0x80, v21, vm0, $0xb8;
	v63 =	vld [tilespmem:$0x0]  }
0x32c: {  	s2 =	simm.s32 $0x1B580;
	v29 =	vperm.xlane v18, v9;
	v28 =	vadd.s32 v4, v27  }
0x32d: {  	[tilespmem:s2], [sflag:$0x1] =	stream.indirect_vreg.gather [hbm4b:s9+s24], $0x80, v19, vm0, $0xb8;
	v63 =	vld [tilespmem:$0x0]  }
0x32e: {  	s10 =	simm.s32 $0x1B600;
	v18 =	vperm.xlane v18, v1;
	v19 =	vadd.s32 v4, v29  }
0x32f: {  	[tilespmem:s10], [sflag:$0x1] =	stream.indirect_vreg.gather [hbm4b:s9+s24], $0x80, v26, vm0, $0xb8;
	v63 =	vld [tilespmem:$0x0]  }
0x330: {  	s11 =	simm.s32 $0x1B680;
	v18 =	vadd.s32 v4, v18  }
0x331: {  	[tilespmem:s11], [sflag:$0x1] =	stream.indirect_vreg.gather [hbm4b:s9+s24], $0x80, v28, vm0, $0xb8;
	v63 =	vld [tilespmem:$0x0]  }
0x332: {  	s26 =	simm.s32 $0x1B700  }
0x333: {  	[tilespmem:s26], [sflag:$0x1] =	stream.indirect_vreg.gather [hbm4b:s9+s24], $0x80, v19, vm0, $0xb8;
	v63 =	vld [tilespmem:$0x0]  }
0x334: {  	s29 =	simm.s32 $0x1B780  }
0x335: {  	[tilespmem:s29], [sflag:$0x1] =	stream.indirect_vreg.gather [hbm4b:s9+s24], $0x80, v18, vm0, $0xb8;
	v63 =	vld [tilespmem:$0x0]  }
0x336: {  	v18 =	vld [tilespmem:$0x13C80];
	_ =	sdelay $0x4  }
0x337: {  	v19 =	vshll.u32 v18, $0x1  }
0x338: {  	v18 =	vand.u32 $0x7, v18;
	v19 =	vand.u32 $0xFFFFFFF0, v19  }
0x339: {  	v18 =	vor.u32 v18, v19  }
0x33a: {  	v19 =	vperm.xlane v18, v3;
	_ =	sdelay $0x1  }
0x33b: {  	v30 =	vperm.xlane v18, v2;
	v19 =	vadd.s32 v4, v19;
	_ =	sdelay $0x1  }
0x33c: {  	v31 =	vperm.xlane v18, v5;
	v20 =	vadd.s32 v4, v30;
	_ =	sdelay $0x1  }
0x33d: {  	s30 =	simm.s32 $0x1B800;
	v32 =	vperm.xlane v18, v6;
	v21 =	vadd.s32 v4, v31  }
0x33e: {  	[tilespmem:s30], [sflag:$0x2] =	stream.indirect_vreg.gather [hbm4b:s9+s24], $0x80, v19, vm0, $0xb8;
	v63 =	vld [tilespmem:$0x0]  }
0x33f: {  	s31 =	simm.s32 $0x1B880;
	v33 =	vperm.xlane v18, v7;
	v19 =	vadd.s32 v4, v32  }
0x340: {  	[tilespmem:s31], [sflag:$0x2] =	stream.indirect_vreg.gather [hbm4b:s9+s24], $0x80, v20, vm0, $0xb8;
	v63 =	vld [tilespmem:$0x0]  }
0x341: {  	s2 =	simm.s32 $0x1B900;
	v35 =	vperm.xlane v18, v8;
	v34 =	vadd.s32 v4, v33  }
0x342: {  	[tilespmem:s2], [sflag:$0x2] =	stream.indirect_vreg.gather [hbm4b:s9+s24], $0x80, v21, vm0, $0xb8;
	v63 =	vld [tilespmem:$0x0]  }
0x343: {  	s10 =	simm.s32 $0x1B980;
	v37 =	vperm.xlane v18, v9;
	v36 =	vadd.s32 v4, v35  }
0x344: {  	[tilespmem:s10], [sflag:$0x2] =	stream.indirect_vreg.gather [hbm4b:s9+s24], $0x80, v19, vm0, $0xb8;
	v63 =	vld [tilespmem:$0x0]  }
0x345: {  	s11 =	simm.s32 $0x1BA00;
	v38 =	vperm.xlane v18, v1;
	v19 =	vadd.s32 v4, v37  }
0x346: {  	[tilespmem:s11], [sflag:$0x2] =	stream.indirect_vreg.gather [hbm4b:s9+s24], $0x80, v34, vm0, $0xb8;
	v63 =	vld [tilespmem:$0x0]  }
0x347: {  	s26 =	simm.s32 $0x1BA80;
	v40 =	vperm.xlane v18, v10;
	v39 =	vadd.s32 v4, v38  }
0x348: {  	[tilespmem:s26], [sflag:$0x2] =	stream.indirect_vreg.gather [hbm4b:s9+s24], $0x80, v36, vm0, $0xb8;
	v63 =	vld [tilespmem:$0x0]  }
0x349: {  	s29 =	simm.s32 $0x1BB00;
	v42 =	vperm.xlane v18, v11;
	v41 =	vadd.s32 v4, v40  }
0x34a: {  	[tilespmem:s29], [sflag:$0x2] =	stream.indirect_vreg.gather [hbm4b:s9+s24], $0x80, v19, vm0, $0xb8;
	v63 =	vld [tilespmem:$0x0]  }
0x34b: {  	v43 =	vperm.xlane v18, v12;
	s30 =	simm.s32 $0x1BB80;
	v19 =	vadd.s32 v4, v42  }
0x34c: {  	[tilespmem:s30], [sflag:$0x2] =	stream.indirect_vreg.gather [hbm4b:s9+s24], $0x80, v39, vm0, $0xb8;
	v63 =	vld [tilespmem:$0x0]  }
0x34d: {  	v45 =	vperm.xlane v18, v13;
	v44 =	vadd.s32 v4, v43;
	s31 =	simm.s32 $0x1BC00  }
0x34e: {  	[tilespmem:s31], [sflag:$0x2] =	stream.indirect_vreg.gather [hbm4b:s9+s24], $0x80, v41, vm0, $0xb8;
	v63 =	vld [tilespmem:$0x0]  }
0x34f: {  	v47 =	vperm.xlane v18, v14;
	v46 =	vadd.s32 v4, v45;
	s2 =	simm.s32 $0x1BC80  }
0x350: {  	[tilespmem:s2], [sflag:$0x2] =	stream.indirect_vreg.gather [hbm4b:s9+s24], $0x80, v19, vm0, $0xb8;
	v63 =	vld [tilespmem:$0x0]  }
0x351: {  	v48 =	vperm.xlane v18, v15;
	s10 =	simm.s32 $0x1BD00;
	v19 =	vadd.s32 v4, v47  }
0x352: {  	[tilespmem:s10], [sflag:$0x2] =	stream.indirect_vreg.gather [hbm4b:s9+s24], $0x80, v44, vm0, $0xb8;
	v63 =	vld [tilespmem:$0x0]  }
0x353: {  	v50 =	vperm.xlane v18, v16;
	v49 =	vadd.s32 v4, v48;
	s11 =	simm.s32 $0x1BD80  }
0x354: {  	[tilespmem:s11], [sflag:$0x2] =	stream.indirect_vreg.gather [hbm4b:s9+s24], $0x80, v46, vm0, $0xb8;
	v63 =	vld [tilespmem:$0x0]  }
0x355: {  	v18 =	vperm.xlane v18, v17;
	v51 =	vadd.s32 v4, v50;
	s26 =	simm.s32 $0x1BE00  }
0x356: {  	[tilespmem:s26], [sflag:$0x2] =	stream.indirect_vreg.gather [hbm4b:s9+s24], $0x80, v19, vm0, $0xb8;
	v63 =	vld [tilespmem:$0x0]  }
0x357: {  	v18 =	vadd.s32 v4, v18;
	s29 =	simm.s32 $0x1BE80  }
0x358: {  	[tilespmem:s29], [sflag:$0x2] =	stream.indirect_vreg.gather [hbm4b:s9+s24], $0x80, v49, vm0, $0xb8;
	v63 =	vld [tilespmem:$0x0]  }
0x359: {  	s30 =	simm.s32 $0x1BF00  }
0x35a: {  	[tilespmem:s30], [sflag:$0x2] =	stream.indirect_vreg.gather [hbm4b:s9+s24], $0x80, v51, vm0, $0xb8;
	v63 =	vld [tilespmem:$0x0]  }
0x35b: {  	s31 =	simm.s32 $0x1BF80  }
0x35c: {  	[tilespmem:s31], [sflag:$0x2] =	stream.indirect_vreg.gather [hbm4b:s9+s24], $0x80, v18, vm0, $0xb8;
	v63 =	vld [tilespmem:$0x0]  }
0x35d: {  	v18 =	vld.msk [tilespmem:$0x13C90], $0xff;
	_ =	sdelay $0x4  }
0x35e: {  	v19 =	vshll.u32 v18, $0x1  }
0x35f: {  	v18 =	vand.u32 $0x7, v18;
	v19 =	vand.u32 $0xFFFFFFF0, v19  }
0x360: {  	v18 =	vor.u32 v18, v19  }
0x361: {  	v19 =	vperm.xlane v18, v3;
	_ =	sdelay $0x1  }
0x362: {  	v52 =	vperm.xlane v18, v2;
	v19 =	vadd.s32 v4, v19;
	_ =	sdelay $0x1  }
0x363: {  	v53 =	vperm.xlane v18, v5;
	v20 =	vadd.s32 v4, v52;
	_ =	sdelay $0x1  }
0x364: {  	s2 =	simm.s32 $0x1C000;
	v54 =	vperm.xlane v18, v6;
	v21 =	vadd.s32 v4, v53  }
0x365: {  	[tilespmem:s2], [sflag:$0x2] =	stream.indirect_vreg.gather [hbm4b:s9+s24], $0x80, v19, vm0, $0xb8;
	v63 =	vld [tilespmem:$0x0]  }
0x366: {  	s10 =	simm.s32 $0x1C080;
	v55 =	vperm.xlane v18, v7;
	v19 =	vadd.s32 v4, v54  }
0x367: {  	[tilespmem:s10], [sflag:$0x2] =	stream.indirect_vreg.gather [hbm4b:s9+s24], $0x80, v20, vm0, $0xb8;
	v63 =	vld [tilespmem:$0x0]  }
0x368: {  	s11 =	simm.s32 $0x1C100;
	v57 =	vperm.xlane v18, v8;
	v56 =	vadd.s32 v4, v55  }
0x369: {  	[tilespmem:s11], [sflag:$0x2] =	stream.indirect_vreg.gather [hbm4b:s9+s24], $0x80, v21, vm0, $0xb8;
	v63 =	vld [tilespmem:$0x0]  }
0x36a: {  	s26 =	simm.s32 $0x1C180;
	v59 =	vperm.xlane v18, v9;
	v58 =	vadd.s32 v4, v57  }
0x36b: {  	[tilespmem:s26], [sflag:$0x2] =	stream.indirect_vreg.gather [hbm4b:s9+s24], $0x80, v19, vm0, $0xb8;
	v63 =	vld [tilespmem:$0x0]  }
0x36c: {  	s29 =	simm.s32 $0x1C200;
	v18 =	vperm.xlane v18, v1;
	v19 =	vadd.s32 v4, v59  }
0x36d: {  	[tilespmem:s29], [sflag:$0x2] =	stream.indirect_vreg.gather [hbm4b:s9+s24], $0x80, v56, vm0, $0xb8;
	v63 =	vld [tilespmem:$0x0]  }
0x36e: {  	s30 =	simm.s32 $0x1C280;
	v18 =	vadd.s32 v4, v18  }
0x36f: {  	[tilespmem:s30], [sflag:$0x2] =	stream.indirect_vreg.gather [hbm4b:s9+s24], $0x80, v58, vm0, $0xb8;
	v63 =	vld [tilespmem:$0x0]  }
0x370: {  	s31 =	simm.s32 $0x1C300  }
0x371: {  	[tilespmem:s31], [sflag:$0x2] =	stream.indirect_vreg.gather [hbm4b:s9+s24], $0x80, v19, vm0, $0xb8;
	v63 =	vld [tilespmem:$0x0]  }
0x372: {  	s2 =	simm.s32 $0x1C380  }
0x373: {  	[tilespmem:s2], [sflag:$0x2] =	stream.indirect_vreg.gather [hbm4b:s9+s24], $0x80, v18, vm0, $0xb8;
	v63 =	vld [tilespmem:$0x0]  }
0x374: {  	v18 =	vld [tilespmem:$0x13D00];
	_ =	sdelay $0x4  }
0x375: {  	v19 =	vshll.u32 v18, $0x1  }
0x376: {  	v18 =	vand.u32 $0x7, v18;
	v19 =	vand.u32 $0xFFFFFFF0, v19  }
0x377: {  	v18 =	vor.u32 v18, v19  }
0x378: {  	v19 =	vperm.xlane v18, v3;
	_ =	sdelay $0x1  }
0x379: {  	v60 =	vperm.xlane v18, v2;
	v19 =	vadd.s32 v4, v19;
	_ =	sdelay $0x1  }
0x37a: {  	v61 =	vperm.xlane v18, v5;
	v20 =	vadd.s32 v4, v60;
	_ =	sdelay $0x1  }
0x37b: {  	s10 =	simm.s32 $0x1C400;
	v62 =	vperm.xlane v18, v6;
	v21 =	vadd.s32 v4, v61  }
0x37c: {  	[tilespmem:s10], [sflag:$0x3] =	stream.indirect_vreg.gather [hbm4b:s9+s24], $0x80, v19, vm0, $0xb8;
	v63 =	vld [tilespmem:$0x0]  }
0x37d: {  	s11 =	simm.s32 $0x1C480;
	v24 =	vperm.xlane v18, v7;
	v19 =	vadd.s32 v4, v62  }
0x37e: {  	[tilespmem:s11], [sflag:$0x3] =	stream.indirect_vreg.gather [hbm4b:s9+s24], $0x80, v20, vm0, $0xb8;
	v63 =	vld [tilespmem:$0x0]  }
0x37f: {  	s26 =	simm.s32 $0x1C500;
	v26 =	vperm.xlane v18, v8;
	v25 =	vadd.s32 v4, v24  }
0x380: {  	[tilespmem:s26], [sflag:$0x3] =	stream.indirect_vreg.gather [hbm4b:s9+s24], $0x80, v21, vm0, $0xb8;
	v63 =	vld [tilespmem:$0x0]  }
0x381: {  	s29 =	simm.s32 $0x1C580;
	v28 =	vperm.xlane v18, v9;
	v27 =	vadd.s32 v4, v26  }
0x382: {  	[tilespmem:s29], [sflag:$0x3] =	stream.indirect_vreg.gather [hbm4b:s9+s24], $0x80, v19, vm0, $0xb8;
	v63 =	vld [tilespmem:$0x0]  }
0x383: {  	s30 =	simm.s32 $0x1C600;
	v29 =	vperm.xlane v18, v1;
	v19 =	vadd.s32 v4, v28  }
0x384: {  	[tilespmem:s30], [sflag:$0x3] =	stream.indirect_vreg.gather [hbm4b:s9+s24], $0x80, v25, vm0, $0xb8;
	v63 =	vld [tilespmem:$0x0]  }
0x385: {  	s31 =	simm.s32 $0x1C680;
	v31 =	vperm.xlane v18, v10;
	v30 =	vadd.s32 v4, v29  }
0x386: {  	[tilespmem:s31], [sflag:$0x3] =	stream.indirect_vreg.gather [hbm4b:s9+s24], $0x80, v27, vm0, $0xb8;
	v63 =	vld [tilespmem:$0x0]  }
0x387: {  	s2 =	simm.s32 $0x1C700;
	v33 =	vperm.xlane v18, v11;
	v32 =	vadd.s32 v4, v31  }
0x388: {  	[tilespmem:s2], [sflag:$0x3] =	stream.indirect_vreg.gather [hbm4b:s9+s24], $0x80, v19, vm0, $0xb8;
	v63 =	vld [tilespmem:$0x0]  }
0x389: {  	v34 =	vperm.xlane v18, v12;
	s10 =	simm.s32 $0x1C780;
	v19 =	vadd.s32 v4, v33  }
0x38a: {  	[tilespmem:s10], [sflag:$0x3] =	stream.indirect_vreg.gather [hbm4b:s9+s24], $0x80, v30, vm0, $0xb8;
	v63 =	vld [tilespmem:$0x0]  }
0x38b: {  	v36 =	vperm.xlane v18, v13;
	v35 =	vadd.s32 v4, v34;
	s11 =	simm.s32 $0x1C800  }
0x38c: {  	[tilespmem:s11], [sflag:$0x3] =	stream.indirect_vreg.gather [hbm4b:s9+s24], $0x80, v32, vm0, $0xb8;
	v63 =	vld [tilespmem:$0x0]  }
0x38d: {  	v38 =	vperm.xlane v18, v14;
	v37 =	vadd.s32 v4, v36;
	s26 =	simm.s32 $0x1C880  }
0x38e: {  	[tilespmem:s26], [sflag:$0x3] =	stream.indirect_vreg.gather [hbm4b:s9+s24], $0x80, v19, vm0, $0xb8;
	v63 =	vld [tilespmem:$0x0]  }
0x38f: {  	v39 =	vperm.xlane v18, v15;
	s29 =	simm.s32 $0x1C900;
	v19 =	vadd.s32 v4, v38  }
0x390: {  	[tilespmem:s29], [sflag:$0x3] =	stream.indirect_vreg.gather [hbm4b:s9+s24], $0x80, v35, vm0, $0xb8;
	v63 =	vld [tilespmem:$0x0]  }
0x391: {  	v41 =	vperm.xlane v18, v16;
	v40 =	vadd.s32 v4, v39;
	s30 =	simm.s32 $0x1C980  }
0x392: {  	[tilespmem:s30], [sflag:$0x3] =	stream.indirect_vreg.gather [hbm4b:s9+s24], $0x80, v37, vm0, $0xb8;
	v63 =	vld [tilespmem:$0x0]  }
0x393: {  	v18 =	vperm.xlane v18, v17;
	v42 =	vadd.s32 v4, v41;
	s31 =	simm.s32 $0x1CA00  }
0x394: {  	[tilespmem:s31], [sflag:$0x3] =	stream.indirect_vreg.gather [hbm4b:s9+s24], $0x80, v19, vm0, $0xb8;
	v63 =	vld [tilespmem:$0x0]  }
0x395: {  	v18 =	vadd.s32 v4, v18;
	s2 =	simm.s32 $0x1CA80  }
0x396: {  	[tilespmem:s2], [sflag:$0x3] =	stream.indirect_vreg.gather [hbm4b:s9+s24], $0x80, v40, vm0, $0xb8;
	v63 =	vld [tilespmem:$0x0]  }
0x397: {  	s10 =	simm.s32 $0x1CB00  }
0x398: {  	[tilespmem:s10], [sflag:$0x3] =	stream.indirect_vreg.gather [hbm4b:s9+s24], $0x80, v42, vm0, $0xb8;
	v63 =	vld [tilespmem:$0x0]  }
0x399: {  	s11 =	simm.s32 $0x1CB80  }
0x39a: {  	[tilespmem:s11], [sflag:$0x3] =	stream.indirect_vreg.gather [hbm4b:s9+s24], $0x80, v18, vm0, $0xb8;
	v63 =	vld [tilespmem:$0x0]  }
0x39b: {  	v18 =	vld.msk [tilespmem:$0x13D10], $0xff;
	_ =	sdelay $0x4  }
0x39c: {  	v19 =	vshll.u32 v18, $0x1  }
0x39d: {  	v18 =	vand.u32 $0x7, v18;
	v19 =	vand.u32 $0xFFFFFFF0, v19  }
0x39e: {  	v18 =	vor.u32 v18, v19  }
0x39f: {  	v19 =	vperm.xlane v18, v3;
	_ =	sdelay $0x1  }
0x3a0: {  	v43 =	vperm.xlane v18, v2;
	v19 =	vadd.s32 v4, v19;
	_ =	sdelay $0x1  }
0x3a1: {  	v44 =	vperm.xlane v18, v5;
	v20 =	vadd.s32 v4, v43;
	_ =	sdelay $0x1  }
0x3a2: {  	s26 =	simm.s32 $0x1CC00;
	v45 =	vperm.xlane v18, v6;
	v21 =	vadd.s32 v4, v44  }
0x3a3: {  	[tilespmem:s26], [sflag:$0x3] =	stream.indirect_vreg.gather [hbm4b:s9+s24], $0x80, v19, vm0, $0xb8;
	v63 =	vld [tilespmem:$0x0]  }
0x3a4: {  	s29 =	simm.s32 $0x1CC80;
	v46 =	vperm.xlane v18, v7;
	v19 =	vadd.s32 v4, v45  }
0x3a5: {  	[tilespmem:s29], [sflag:$0x3] =	stream.indirect_vreg.gather [hbm4b:s9+s24], $0x80, v20, vm0, $0xb8;
	v63 =	vld [tilespmem:$0x0]  }
0x3a6: {  	s30 =	simm.s32 $0x1CD00;
	v48 =	vperm.xlane v18, v8;
	v47 =	vadd.s32 v4, v46  }
0x3a7: {  	[tilespmem:s30], [sflag:$0x3] =	stream.indirect_vreg.gather [hbm4b:s9+s24], $0x80, v21, vm0, $0xb8;
	v63 =	vld [tilespmem:$0x0]  }
0x3a8: {  	s31 =	simm.s32 $0x1CD80;
	v50 =	vperm.xlane v18, v9;
	v49 =	vadd.s32 v4, v48  }
0x3a9: {  	[tilespmem:s31], [sflag:$0x3] =	stream.indirect_vreg.gather [hbm4b:s9+s24], $0x80, v19, vm0, $0xb8;
	v63 =	vld [tilespmem:$0x0]  }
0x3aa: {  	s2 =	simm.s32 $0x1CE00;
	v18 =	vperm.xlane v18, v1;
	v19 =	vadd.s32 v4, v50  }
0x3ab: {  	[tilespmem:s2], [sflag:$0x3] =	stream.indirect_vreg.gather [hbm4b:s9+s24], $0x80, v47, vm0, $0xb8;
	v63 =	vld [tilespmem:$0x0]  }
0x3ac: {  	s10 =	simm.s32 $0x1CE80;
	v18 =	vadd.s32 v4, v18  }
0x3ad: {  	[tilespmem:s10], [sflag:$0x3] =	stream.indirect_vreg.gather [hbm4b:s9+s24], $0x80, v49, vm0, $0xb8;
	v63 =	vld [tilespmem:$0x0]  }
0x3ae: {  	s11 =	simm.s32 $0x1CF00  }
0x3af: {  	[tilespmem:s11], [sflag:$0x3] =	stream.indirect_vreg.gather [hbm4b:s9+s24], $0x80, v19, vm0, $0xb8;
	v63 =	vld [tilespmem:$0x0]  }
0x3b0: {  	s26 =	simm.s32 $0x1CF80  }
0x3b1: {  	[tilespmem:s26], [sflag:$0x3] =	stream.indirect_vreg.gather [hbm4b:s9+s24], $0x80, v18, vm0, $0xb8;
	v63 =	vld [tilespmem:$0x0]  }
0x3b2: {  	v18 =	vld [tilespmem:$0x13D80];
	_ =	sdelay $0x4  }
0x3b3: {  	v19 =	vshll.u32 v18, $0x1  }
0x3b4: {  	v18 =	vand.u32 $0x7, v18;
	v19 =	vand.u32 $0xFFFFFFF0, v19  }
0x3b5: {  	v18 =	vor.u32 v18, v19  }
0x3b6: {  	v19 =	vperm.xlane v18, v3;
	_ =	sdelay $0x1  }
0x3b7: {  	v51 =	vperm.xlane v18, v2;
	v19 =	vadd.s32 v4, v19;
	_ =	sdelay $0x1  }
0x3b8: {  	v52 =	vperm.xlane v18, v5;
	v20 =	vadd.s32 v4, v51;
	_ =	sdelay $0x1  }
0x3b9: {  	s29 =	simm.s32 $0x1D000;
	v53 =	vperm.xlane v18, v6;
	v21 =	vadd.s32 v4, v52  }
0x3ba: {  	[tilespmem:s29], [sflag:$0x1] =	stream.indirect_vreg.gather [hbm4b:s9+s24], $0x80, v19, vm0, $0xb8;
	v63 =	vld [tilespmem:$0x0]  }
0x3bb: {  	s30 =	simm.s32 $0x1D080;
	v54 =	vperm.xlane v18, v7;
	v19 =	vadd.s32 v4, v53  }
0x3bc: {  	[tilespmem:s30], [sflag:$0x1] =	stream.indirect_vreg.gather [hbm4b:s9+s24], $0x80, v20, vm0, $0xb8;
	v63 =	vld [tilespmem:$0x0]  }
0x3bd: {  	s31 =	simm.s32 $0x1D100;
	v56 =	vperm.xlane v18, v8;
	v55 =	vadd.s32 v4, v54  }
0x3be: {  	[tilespmem:s31], [sflag:$0x1] =	stream.indirect_vreg.gather [hbm4b:s9+s24], $0x80, v21, vm0, $0xb8;
	v63 =	vld [tilespmem:$0x0]  }
0x3bf: {  	s2 =	simm.s32 $0x1D180;
	v58 =	vperm.xlane v18, v9;
	v57 =	vadd.s32 v4, v56  }
0x3c0: {  	[tilespmem:s2], [sflag:$0x1] =	stream.indirect_vreg.gather [hbm4b:s9+s24], $0x80, v19, vm0, $0xb8;
	v63 =	vld [tilespmem:$0x0]  }
0x3c1: {  	s10 =	simm.s32 $0x1D200;
	v59 =	vperm.xlane v18, v1;
	v19 =	vadd.s32 v4, v58  }
0x3c2: {  	[tilespmem:s10], [sflag:$0x1] =	stream.indirect_vreg.gather [hbm4b:s9+s24], $0x80, v55, vm0, $0xb8;
	v63 =	vld [tilespmem:$0x0]  }
0x3c3: {  	s11 =	simm.s32 $0x1D280;
	v61 =	vperm.xlane v18, v10;
	v60 =	vadd.s32 v4, v59  }
0x3c4: {  	[tilespmem:s11], [sflag:$0x1] =	stream.indirect_vreg.gather [hbm4b:s9+s24], $0x80, v57, vm0, $0xb8;
	v63 =	vld [tilespmem:$0x0]  }
0x3c5: {  	s26 =	simm.s32 $0x1D300;
	v24 =	vperm.xlane v18, v11;
	v62 =	vadd.s32 v4, v61  }
0x3c6: {  	[tilespmem:s26], [sflag:$0x1] =	stream.indirect_vreg.gather [hbm4b:s9+s24], $0x80, v19, vm0, $0xb8;
	v63 =	vld [tilespmem:$0x0]  }
0x3c7: {  	v25 =	vperm.xlane v18, v12;
	s29 =	simm.s32 $0x1D380;
	v19 =	vadd.s32 v4, v24  }
0x3c8: {  	[tilespmem:s29], [sflag:$0x1] =	stream.indirect_vreg.gather [hbm4b:s9+s24], $0x80, v60, vm0, $0xb8;
	v63 =	vld [tilespmem:$0x0]  }
0x3c9: {  	v27 =	vperm.xlane v18, v13;
	v26 =	vadd.s32 v4, v25;
	s30 =	simm.s32 $0x1D400  }
0x3ca: {  	[tilespmem:s30], [sflag:$0x1] =	stream.indirect_vreg.gather [hbm4b:s9+s24], $0x80, v62, vm0, $0xb8;
	v63 =	vld [tilespmem:$0x0]  }
0x3cb: {  	v29 =	vperm.xlane v18, v14;
	v28 =	vadd.s32 v4, v27;
	s31 =	simm.s32 $0x1D480  }
0x3cc: {  	[tilespmem:s31], [sflag:$0x1] =	stream.indirect_vreg.gather [hbm4b:s9+s24], $0x80, v19, vm0, $0xb8;
	v63 =	vld [tilespmem:$0x0]  }
0x3cd: {  	v30 =	vperm.xlane v18, v15;
	s2 =	simm.s32 $0x1D500;
	v19 =	vadd.s32 v4, v29  }
0x3ce: {  	[tilespmem:s2], [sflag:$0x1] =	stream.indirect_vreg.gather [hbm4b:s9+s24], $0x80, v26, vm0, $0xb8;
	v63 =	vld [tilespmem:$0x0]  }
0x3cf: {  	v32 =	vperm.xlane v18, v16;
	v31 =	vadd.s32 v4, v30;
	s10 =	simm.s32 $0x1D580  }
0x3d0: {  	[tilespmem:s10], [sflag:$0x1] =	stream.indirect_vreg.gather [hbm4b:s9+s24], $0x80, v28, vm0, $0xb8;
	v63 =	vld [tilespmem:$0x0]  }
0x3d1: {  	v18 =	vperm.xlane v18, v17;
	v33 =	vadd.s32 v4, v32;
	s11 =	simm.s32 $0x1D600  }
0x3d2: {  	[tilespmem:s11], [sflag:$0x1] =	stream.indirect_vreg.gather [hbm4b:s9+s24], $0x80, v19, vm0, $0xb8;
	v63 =	vld [tilespmem:$0x0]  }
0x3d3: {  	v18 =	vadd.s32 v4, v18;
	s26 =	simm.s32 $0x1D680  }
0x3d4: {  	[tilespmem:s26], [sflag:$0x1] =	stream.indirect_vreg.gather [hbm4b:s9+s24], $0x80, v31, vm0, $0xb8;
	v63 =	vld [tilespmem:$0x0]  }
0x3d5: {  	s29 =	simm.s32 $0x1D700  }
0x3d6: {  	[tilespmem:s29], [sflag:$0x1] =	stream.indirect_vreg.gather [hbm4b:s9+s24], $0x80, v33, vm0, $0xb8;
	v63 =	vld [tilespmem:$0x0]  }
0x3d7: {  	s30 =	simm.s32 $0x1D780  }
0x3d8: {  	[tilespmem:s30], [sflag:$0x1] =	stream.indirect_vreg.gather [hbm4b:s9+s24], $0x80, v18, vm0, $0xb8;
	v63 =	vld [tilespmem:$0x0]  }
0x3d9: {  	v18 =	vld.msk [tilespmem:$0x13D90], $0xff;
	_ =	sdelay $0x4  }
0x3da: {  	v19 =	vshll.u32 v18, $0x1  }
0x3db: {  	v18 =	vand.u32 $0x7, v18;
	v19 =	vand.u32 $0xFFFFFFF0, v19  }
0x3dc: {  	v18 =	vor.u32 v18, v19  }
0x3dd: {  	v19 =	vperm.xlane v18, v3;
	_ =	sdelay $0x1  }
0x3de: {  	v34 =	vperm.xlane v18, v2;
	v19 =	vadd.s32 v4, v19;
	_ =	sdelay $0x1  }
0x3df: {  	v35 =	vperm.xlane v18, v5;
	v20 =	vadd.s32 v4, v34;
	_ =	sdelay $0x1  }
0x3e0: {  	s31 =	simm.s32 $0x1D800;
	v36 =	vperm.xlane v18, v6;
	v21 =	vadd.s32 v4, v35  }
0x3e1: {  	[tilespmem:s31], [sflag:$0x1] =	stream.indirect_vreg.gather [hbm4b:s9+s24], $0x80, v19, vm0, $0xb8;
	v63 =	vld [tilespmem:$0x0]  }
0x3e2: {  	s2 =	simm.s32 $0x1D880;
	v37 =	vperm.xlane v18, v7;
	v19 =	vadd.s32 v4, v36  }
0x3e3: {  	[tilespmem:s2], [sflag:$0x1] =	stream.indirect_vreg.gather [hbm4b:s9+s24], $0x80, v20, vm0, $0xb8;
	v63 =	vld [tilespmem:$0x0]  }
0x3e4: {  	s10 =	simm.s32 $0x1D900;
	v39 =	vperm.xlane v18, v8;
	v38 =	vadd.s32 v4, v37  }
0x3e5: {  	[tilespmem:s10], [sflag:$0x1] =	stream.indirect_vreg.gather [hbm4b:s9+s24], $0x80, v21, vm0, $0xb8;
	v63 =	vld [tilespmem:$0x0]  }
0x3e6: {  	s11 =	simm.s32 $0x1D980;
	v41 =	vperm.xlane v18, v9;
	v40 =	vadd.s32 v4, v39  }
0x3e7: {  	[tilespmem:s11], [sflag:$0x1] =	stream.indirect_vreg.gather [hbm4b:s9+s24], $0x80, v19, vm0, $0xb8;
	v63 =	vld [tilespmem:$0x0]  }
0x3e8: {  	s26 =	simm.s32 $0x1DA00;
	v18 =	vperm.xlane v18, v1;
	v19 =	vadd.s32 v4, v41  }
0x3e9: {  	[tilespmem:s26], [sflag:$0x1] =	stream.indirect_vreg.gather [hbm4b:s9+s24], $0x80, v38, vm0, $0xb8;
	v63 =	vld [tilespmem:$0x0]  }
0x3ea: {  	s29 =	simm.s32 $0x1DA80;
	v18 =	vadd.s32 v4, v18  }
0x3eb: {  	[tilespmem:s29], [sflag:$0x1] =	stream.indirect_vreg.gather [hbm4b:s9+s24], $0x80, v40, vm0, $0xb8;
	v63 =	vld [tilespmem:$0x0]  }
0x3ec: {  	s30 =	simm.s32 $0x1DB00  }
0x3ed: {  	[tilespmem:s30], [sflag:$0x1] =	stream.indirect_vreg.gather [hbm4b:s9+s24], $0x80, v19, vm0, $0xb8;
	v63 =	vld [tilespmem:$0x0]  }
0x3ee: {  	s31 =	simm.s32 $0x1DB80  }
0x3ef: {  	[tilespmem:s31], [sflag:$0x1] =	stream.indirect_vreg.gather [hbm4b:s9+s24], $0x80, v18, vm0, $0xb8;
	v63 =	vld [tilespmem:$0x0]  }
0x3f0: {  	v18 =	vld [tilespmem:$0x13E00];
	_ =	sdelay $0x4  }
0x3f1: {  	v19 =	vshll.u32 v18, $0x1  }
0x3f2: {  	v18 =	vand.u32 $0x7, v18;
	v19 =	vand.u32 $0xFFFFFFF0, v19  }
0x3f3: {  	v18 =	vor.u32 v18, v19  }
0x3f4: {  	v19 =	vperm.xlane v18, v3;
	_ =	sdelay $0x1  }
0x3f5: {  	v42 =	vperm.xlane v18, v2;
	v19 =	vadd.s32 v4, v19;
	_ =	sdelay $0x1  }
0x3f6: {  	v43 =	vperm.xlane v18, v5;
	v20 =	vadd.s32 v4, v42;
	_ =	sdelay $0x1  }
0x3f7: {  	s2 =	simm.s32 $0x1DC00;
	v44 =	vperm.xlane v18, v6;
	v21 =	vadd.s32 v4, v43  }
0x3f8: {  	[tilespmem:s2], [sflag:$0x2] =	stream.indirect_vreg.gather [hbm4b:s9+s24], $0x80, v19, vm0, $0xb8;
	v63 =	vld [tilespmem:$0x0]  }
0x3f9: {  	s10 =	simm.s32 $0x1DC80;
	v45 =	vperm.xlane v18, v7;
	v19 =	vadd.s32 v4, v44  }
0x3fa: {  	[tilespmem:s10], [sflag:$0x2] =	stream.indirect_vreg.gather [hbm4b:s9+s24], $0x80, v20, vm0, $0xb8;
	v63 =	vld [tilespmem:$0x0]  }
0x3fb: {  	s11 =	simm.s32 $0x1DD00;
	v47 =	vperm.xlane v18, v8;
	v46 =	vadd.s32 v4, v45  }
0x3fc: {  	[tilespmem:s11], [sflag:$0x2] =	stream.indirect_vreg.gather [hbm4b:s9+s24], $0x80, v21, vm0, $0xb8;
	v63 =	vld [tilespmem:$0x0]  }
0x3fd: {  	s26 =	simm.s32 $0x1DD80;
	v49 =	vperm.xlane v18, v9;
	v48 =	vadd.s32 v4, v47  }
0x3fe: {  	[tilespmem:s26], [sflag:$0x2] =	stream.indirect_vreg.gather [hbm4b:s9+s24], $0x80, v19, vm0, $0xb8;
	v63 =	vld [tilespmem:$0x0]  }
0x3ff: {  	s29 =	simm.s32 $0x1DE00;
	v50 =	vperm.xlane v18, v1;
	v19 =	vadd.s32 v4, v49  }
0x400: {  	[tilespmem:s29], [sflag:$0x2] =	stream.indirect_vreg.gather [hbm4b:s9+s24], $0x80, v46, vm0, $0xb8;
	v63 =	vld [tilespmem:$0x0]  }
0x401: {  	s30 =	simm.s32 $0x1DE80;
	v52 =	vperm.xlane v18, v10;
	v51 =	vadd.s32 v4, v50  }
0x402: {  	[tilespmem:s30], [sflag:$0x2] =	stream.indirect_vreg.gather [hbm4b:s9+s24], $0x80, v48, vm0, $0xb8;
	v63 =	vld [tilespmem:$0x0]  }
0x403: {  	s31 =	simm.s32 $0x1DF00;
	v54 =	vperm.xlane v18, v11;
	v53 =	vadd.s32 v4, v52  }
0x404: {  	[tilespmem:s31], [sflag:$0x2] =	stream.indirect_vreg.gather [hbm4b:s9+s24], $0x80, v19, vm0, $0xb8;
	v63 =	vld [tilespmem:$0x0]  }
0x405: {  	v55 =	vperm.xlane v18, v12;
	s2 =	simm.s32 $0x1DF80;
	v19 =	vadd.s32 v4, v54  }
0x406: {  	[tilespmem:s2], [sflag:$0x2] =	stream.indirect_vreg.gather [hbm4b:s9+s24], $0x80, v51, vm0, $0xb8;
	v63 =	vld [tilespmem:$0x0]  }
0x407: {  	v57 =	vperm.xlane v18, v13;
	v56 =	vadd.s32 v4, v55;
	s10 =	simm.s32 $0x1E000  }
0x408: {  	[tilespmem:s10], [sflag:$0x2] =	stream.indirect_vreg.gather [hbm4b:s9+s24], $0x80, v53, vm0, $0xb8;
	v63 =	vld [tilespmem:$0x0]  }
0x409: {  	v59 =	vperm.xlane v18, v14;
	v58 =	vadd.s32 v4, v57;
	s11 =	simm.s32 $0x1E080  }
0x40a: {  	[tilespmem:s11], [sflag:$0x2] =	stream.indirect_vreg.gather [hbm4b:s9+s24], $0x80, v19, vm0, $0xb8;
	v63 =	vld [tilespmem:$0x0]  }
0x40b: {  	v60 =	vperm.xlane v18, v15;
	s26 =	simm.s32 $0x1E100;
	v19 =	vadd.s32 v4, v59  }
0x40c: {  	[tilespmem:s26], [sflag:$0x2] =	stream.indirect_vreg.gather [hbm4b:s9+s24], $0x80, v56, vm0, $0xb8;
	v63 =	vld [tilespmem:$0x0]  }
0x40d: {  	v62 =	vperm.xlane v18, v16;
	v61 =	vadd.s32 v4, v60;
	s29 =	simm.s32 $0x1E180  }
0x40e: {  	[tilespmem:s29], [sflag:$0x2] =	stream.indirect_vreg.gather [hbm4b:s9+s24], $0x80, v58, vm0, $0xb8;
	v63 =	vld [tilespmem:$0x0]  }
0x40f: {  	v18 =	vperm.xlane v18, v17;
	v24 =	vadd.s32 v4, v62;
	s30 =	simm.s32 $0x1E200  }
0x410: {  	[tilespmem:s30], [sflag:$0x2] =	stream.indirect_vreg.gather [hbm4b:s9+s24], $0x80, v19, vm0, $0xb8;
	v63 =	vld [tilespmem:$0x0]  }
0x411: {  	v18 =	vadd.s32 v4, v18;
	s31 =	simm.s32 $0x1E280  }
0x412: {  	[tilespmem:s31], [sflag:$0x2] =	stream.indirect_vreg.gather [hbm4b:s9+s24], $0x80, v61, vm0, $0xb8;
	v63 =	vld [tilespmem:$0x0]  }
0x413: {  	s2 =	simm.s32 $0x1E300  }
0x414: {  	[tilespmem:s2], [sflag:$0x2] =	stream.indirect_vreg.gather [hbm4b:s9+s24], $0x80, v24, vm0, $0xb8;
	v63 =	vld [tilespmem:$0x0]  }
0x415: {  	s10 =	simm.s32 $0x1E380  }
0x416: {  	[tilespmem:s10], [sflag:$0x2] =	stream.indirect_vreg.gather [hbm4b:s9+s24], $0x80, v18, vm0, $0xb8;
	v63 =	vld [tilespmem:$0x0]  }
0x417: {  	v18 =	vld.msk [tilespmem:$0x13E10], $0xff;
	_ =	sdelay $0x4  }
0x418: {  	v19 =	vshll.u32 v18, $0x1  }
0x419: {  	v18 =	vand.u32 $0x7, v18;
	v19 =	vand.u32 $0xFFFFFFF0, v19  }
0x41a: {  	v18 =	vor.u32 v18, v19  }
0x41b: {  	v19 =	vperm.xlane v18, v3;
	_ =	sdelay $0x1  }
0x41c: {  	v25 =	vperm.xlane v18, v2;
	v19 =	vadd.s32 v4, v19;
	_ =	sdelay $0x1  }
0x41d: {  	v26 =	vperm.xlane v18, v5;
	v20 =	vadd.s32 v4, v25;
	_ =	sdelay $0x1  }
0x41e: {  	s11 =	simm.s32 $0x1E400;
	v27 =	vperm.xlane v18, v6;
	v21 =	vadd.s32 v4, v26  }
0x41f: {  	[tilespmem:s11], [sflag:$0x2] =	stream.indirect_vreg.gather [hbm4b:s9+s24], $0x80, v19, vm0, $0xb8;
	v63 =	vld [tilespmem:$0x0]  }
0x420: {  	s26 =	simm.s32 $0x1E480;
	v28 =	vperm.xlane v18, v7;
	v19 =	vadd.s32 v4, v27  }
0x421: {  	[tilespmem:s26], [sflag:$0x2] =	stream.indirect_vreg.gather [hbm4b:s9+s24], $0x80, v20, vm0, $0xb8;
	v63 =	vld [tilespmem:$0x0]  }
0x422: {  	s29 =	simm.s32 $0x1E500;
	v30 =	vperm.xlane v18, v8;
	v29 =	vadd.s32 v4, v28  }
0x423: {  	[tilespmem:s29], [sflag:$0x2] =	stream.indirect_vreg.gather [hbm4b:s9+s24], $0x80, v21, vm0, $0xb8;
	v63 =	vld [tilespmem:$0x0]  }
0x424: {  	s30 =	simm.s32 $0x1E580;
	v32 =	vperm.xlane v18, v9;
	v31 =	vadd.s32 v4, v30  }
0x425: {  	[tilespmem:s30], [sflag:$0x2] =	stream.indirect_vreg.gather [hbm4b:s9+s24], $0x80, v19, vm0, $0xb8;
	v63 =	vld [tilespmem:$0x0]  }
0x426: {  	s31 =	simm.s32 $0x1E600;
	v18 =	vperm.xlane v18, v1;
	v19 =	vadd.s32 v4, v32  }
0x427: {  	[tilespmem:s31], [sflag:$0x2] =	stream.indirect_vreg.gather [hbm4b:s9+s24], $0x80, v29, vm0, $0xb8;
	v63 =	vld [tilespmem:$0x0]  }
0x428: {  	s2 =	simm.s32 $0x1E680;
	v18 =	vadd.s32 v4, v18  }
0x429: {  	[tilespmem:s2], [sflag:$0x2] =	stream.indirect_vreg.gather [hbm4b:s9+s24], $0x80, v31, vm0, $0xb8;
	v63 =	vld [tilespmem:$0x0]  }
0x42a: {  	s10 =	simm.s32 $0x1E700  }
0x42b: {  	[tilespmem:s10], [sflag:$0x2] =	stream.indirect_vreg.gather [hbm4b:s9+s24], $0x80, v19, vm0, $0xb8;
	v63 =	vld [tilespmem:$0x0]  }
0x42c: {  	s11 =	simm.s32 $0x1E780  }
0x42d: {  	[tilespmem:s11], [sflag:$0x2] =	stream.indirect_vreg.gather [hbm4b:s9+s24], $0x80, v18, vm0, $0xb8;
	v63 =	vld [tilespmem:$0x0]  }
0x42e: {  	v18 =	vld [tilespmem:$0x13E80];
	_ =	sdelay $0x4  }
0x42f: {  	v19 =	vshll.u32 v18, $0x1  }
0x430: {  	v18 =	vand.u32 $0x7, v18;
	v19 =	vand.u32 $0xFFFFFFF0, v19  }
0x431: {  	v18 =	vor.u32 v18, v19  }
0x432: {  	v19 =	vperm.xlane v18, v3;
	_ =	sdelay $0x1  }
0x433: {  	v33 =	vperm.xlane v18, v2;
	v19 =	vadd.s32 v4, v19;
	_ =	sdelay $0x1  }
0x434: {  	v34 =	vperm.xlane v18, v5;
	v20 =	vadd.s32 v4, v33;
	_ =	sdelay $0x1  }
0x435: {  	s26 =	simm.s32 $0x1E800;
	v35 =	vperm.xlane v18, v6;
	v21 =	vadd.s32 v4, v34  }
0x436: {  	[tilespmem:s26], [sflag:$0x3] =	stream.indirect_vreg.gather [hbm4b:s9+s24], $0x80, v19, vm0, $0xb8;
	v63 =	vld [tilespmem:$0x0]  }
0x437: {  	s29 =	simm.s32 $0x1E880;
	v36 =	vperm.xlane v18, v7;
	v19 =	vadd.s32 v4, v35  }
0x438: {  	[tilespmem:s29], [sflag:$0x3] =	stream.indirect_vreg.gather [hbm4b:s9+s24], $0x80, v20, vm0, $0xb8;
	v63 =	vld [tilespmem:$0x0]  }
0x439: {  	s30 =	simm.s32 $0x1E900;
	v38 =	vperm.xlane v18, v8;
	v37 =	vadd.s32 v4, v36  }
0x43a: {  	[tilespmem:s30], [sflag:$0x3] =	stream.indirect_vreg.gather [hbm4b:s9+s24], $0x80, v21, vm0, $0xb8;
	v63 =	vld [tilespmem:$0x0]  }
0x43b: {  	s31 =	simm.s32 $0x1E980;
	v40 =	vperm.xlane v18, v9;
	v39 =	vadd.s32 v4, v38  }
0x43c: {  	[tilespmem:s31], [sflag:$0x3] =	stream.indirect_vreg.gather [hbm4b:s9+s24], $0x80, v19, vm0, $0xb8;
	v63 =	vld [tilespmem:$0x0]  }
0x43d: {  	s2 =	simm.s32 $0x1EA00;
	v41 =	vperm.xlane v18, v1;
	v19 =	vadd.s32 v4, v40  }
0x43e: {  	[tilespmem:s2], [sflag:$0x3] =	stream.indirect_vreg.gather [hbm4b:s9+s24], $0x80, v37, vm0, $0xb8;
	v63 =	vld [tilespmem:$0x0]  }
0x43f: {  	s10 =	simm.s32 $0x1EA80;
	v43 =	vperm.xlane v18, v10;
	v42 =	vadd.s32 v4, v41  }
0x440: {  	[tilespmem:s10], [sflag:$0x3] =	stream.indirect_vreg.gather [hbm4b:s9+s24], $0x80, v39, vm0, $0xb8;
	v63 =	vld [tilespmem:$0x0]  }
0x441: {  	s11 =	simm.s32 $0x1EB00;
	v45 =	vperm.xlane v18, v11;
	v44 =	vadd.s32 v4, v43  }
0x442: {  	[tilespmem:s11], [sflag:$0x3] =	stream.indirect_vreg.gather [hbm4b:s9+s24], $0x80, v19, vm0, $0xb8;
	v63 =	vld [tilespmem:$0x0]  }
0x443: {  	v46 =	vperm.xlane v18, v12;
	s26 =	simm.s32 $0x1EB80;
	v19 =	vadd.s32 v4, v45  }
0x444: {  	[tilespmem:s26], [sflag:$0x3] =	stream.indirect_vreg.gather [hbm4b:s9+s24], $0x80, v42, vm0, $0xb8;
	v63 =	vld [tilespmem:$0x0]  }
0x445: {  	v48 =	vperm.xlane v18, v13;
	v47 =	vadd.s32 v4, v46;
	s29 =	simm.s32 $0x1EC00  }
0x446: {  	[tilespmem:s29], [sflag:$0x3] =	stream.indirect_vreg.gather [hbm4b:s9+s24], $0x80, v44, vm0, $0xb8;
	v63 =	vld [tilespmem:$0x0]  }
0x447: {  	v50 =	vperm.xlane v18, v14;
	v49 =	vadd.s32 v4, v48;
	s30 =	simm.s32 $0x1EC80  }
0x448: {  	[tilespmem:s30], [sflag:$0x3] =	stream.indirect_vreg.gather [hbm4b:s9+s24], $0x80, v19, vm0, $0xb8;
	v63 =	vld [tilespmem:$0x0]  }
0x449: {  	v51 =	vperm.xlane v18, v15;
	s31 =	simm.s32 $0x1ED00;
	v19 =	vadd.s32 v4, v50  }
0x44a: {  	[tilespmem:s31], [sflag:$0x3] =	stream.indirect_vreg.gather [hbm4b:s9+s24], $0x80, v47, vm0, $0xb8;
	v63 =	vld [tilespmem:$0x0]  }
0x44b: {  	v53 =	vperm.xlane v18, v16;
	v52 =	vadd.s32 v4, v51;
	s2 =	simm.s32 $0x1ED80  }
0x44c: {  	[tilespmem:s2], [sflag:$0x3] =	stream.indirect_vreg.gather [hbm4b:s9+s24], $0x80, v49, vm0, $0xb8;
	v63 =	vld [tilespmem:$0x0]  }
0x44d: {  	v18 =	vperm.xlane v18, v17;
	v54 =	vadd.s32 v4, v53;
	s10 =	simm.s32 $0x1EE00  }
0x44e: {  	[tilespmem:s10], [sflag:$0x3] =	stream.indirect_vreg.gather [hbm4b:s9+s24], $0x80, v19, vm0, $0xb8;
	v63 =	vld [tilespmem:$0x0]  }
0x44f: {  	v18 =	vadd.s32 v4, v18;
	s11 =	simm.s32 $0x1EE80  }
0x450: {  	[tilespmem:s11], [sflag:$0x3] =	stream.indirect_vreg.gather [hbm4b:s9+s24], $0x80, v52, vm0, $0xb8;
	v63 =	vld [tilespmem:$0x0]  }
0x451: {  	s26 =	simm.s32 $0x1EF00  }
0x452: {  	[tilespmem:s26], [sflag:$0x3] =	stream.indirect_vreg.gather [hbm4b:s9+s24], $0x80, v54, vm0, $0xb8;
	v63 =	vld [tilespmem:$0x0]  }
0x453: {  	s29 =	simm.s32 $0x1EF80  }
0x454: {  	[tilespmem:s29], [sflag:$0x3] =	stream.indirect_vreg.gather [hbm4b:s9+s24], $0x80, v18, vm0, $0xb8;
	v63 =	vld [tilespmem:$0x0]  }
0x455: {  	v18 =	vld.msk [tilespmem:$0x13E90], $0xff;
	_ =	sdelay $0x4  }
0x456: {  	v19 =	vshll.u32 v18, $0x1  }
0x457: {  	v18 =	vand.u32 $0x7, v18;
	v19 =	vand.u32 $0xFFFFFFF0, v19  }
0x458: {  	v18 =	vor.u32 v18, v19  }
0x459: {  	v19 =	vperm.xlane v18, v3;
	_ =	sdelay $0x1  }
0x45a: {  	v55 =	vperm.xlane v18, v2;
	v19 =	vadd.s32 v4, v19;
	_ =	sdelay $0x1  }
0x45b: {  	v56 =	vperm.xlane v18, v5;
	v20 =	vadd.s32 v4, v55;
	_ =	sdelay $0x1  }
0x45c: {  	s30 =	simm.s32 $0x1F000;
	v57 =	vperm.xlane v18, v6;
	v21 =	vadd.s32 v4, v56  }
0x45d: {  	[tilespmem:s30], [sflag:$0x3] =	stream.indirect_vreg.gather [hbm4b:s9+s24], $0x80, v19, vm0, $0xb8;
	v63 =	vld [tilespmem:$0x0]  }
0x45e: {  	s31 =	simm.s32 $0x1F080;
	v58 =	vperm.xlane v18, v7;
	v19 =	vadd.s32 v4, v57  }
0x45f: {  	[tilespmem:s31], [sflag:$0x3] =	stream.indirect_vreg.gather [hbm4b:s9+s24], $0x80, v20, vm0, $0xb8;
	v63 =	vld [tilespmem:$0x0]  }
0x460: {  	v60 =	vperm.xlane v18, v8;
	v59 =	vadd.s32 v4, v58  }
0x461: {  	[tilespmem:s12], [sflag:$0x3] =	stream.indirect_vreg.gather [hbm4b:s9+s24], $0x80, v21, vm0, $0xb8;
	v63 =	vld [tilespmem:$0x0]  }
0x462: {  	v61 =	vadd.s32 v4, v60  }
0x463: {  	v62 =	vperm.xlane v18, v9;
	[tilespmem:s15], [sflag:$0x3] =	stream.indirect_vreg.gather [hbm4b:s9+s24], $0x80, v19, vm0, $0xb8;
	v63 =	vld [tilespmem:$0x0]  }
0x464: {  	_ = 	snop  }
0x465: {  	v18 =	vperm.xlane v18, v1;
	v19 =	vadd.s32 v4, v62;
	[tilespmem:s17], [sflag:$0x3] =	stream.indirect_vreg.gather [hbm4b:s9+s24], $0x80, v59, vm0, $0xb8;
	v63 =	vld [tilespmem:$0x0]  }
0x466: {  	_ = 	snop  }
0x467: {  	v18 =	vadd.s32 v4, v18;
	[tilespmem:s18], [sflag:$0x3] =	stream.indirect_vreg.gather [hbm4b:s9+s24], $0x80, v61, vm0, $0xb8;
	v63 =	vld [tilespmem:$0x0]  }
.Ltmp26:
0x468: {  	_ = 	snop;
	(pc) =	sbr.rel .LBB2_36-.Ltmp26, $4  }
0x469: {  	_ = 	snop  }
0x46a: {  	[tilespmem:s19], [sflag:$0x3] =	stream.indirect_vreg.gather [hbm4b:s9+s24], $0x80, v19, vm0, $0xb8;
	v63 =	vld [tilespmem:$0x0]  }
0x46b: {  	s28 =	simm.s32 $0x0;
	s26 =	simm.s32 $0xC00  }
0x46c: {  	[tilespmem:s20], [sflag:$0x3] =	stream.indirect_vreg.gather [hbm4b:s9+s24], $0x80, v18, vm0, $0xb8;
	v63 =	vld [tilespmem:$0x0]  }
.LBB2_48:
0x46d: {  	s2 =	sshra.s32 s30, $0x2  }
0x46e: {  	v18 =	vld [tilespmem:s2+$0x13C00];
	_ =	sdelay $0x4  }
0x46f: {  	v19 =	vshll.u32 v18, $0x1  }
0x470: {  	v18 =	vand.u32 $0x7, v18;
	v19 =	vand.u32 $0xFFFFFFF0, v19  }
0x471: {  	v18 =	vor.u32 v18, v19  }
0x472: {  	v19 =	vperm.xlane v18, v3;
	_ =	sdelay $0x1  }
0x473: {  	v20 =	vperm.xlane v18, v2;
	v19 =	vadd.s32 v4, v19;
	_ =	sdelay $0x1  }
0x474: {  	v21 =	vperm.xlane v18, v5;
	v20 =	vadd.s32 v4, v20  }
0x475: {  	s0 =	sshrl.u32 s29, $0x2  }
0x476: {  	s10 =	sadd.s32 $0x1AC00, s0;
	v22 =	vperm.xlane v18, v6;
	v21 =	vadd.s32 v4, v21  }
0x477: {  	[tilespmem:s10], [sflag:$0x3] =	stream.indirect_vreg.gather [hbm4b:s9+s3], $0x80, v19, vm0, $0xb8;
	v63 =	vld [tilespmem:$0x0]  }
0x478: {  	s31 =	sadd.s32 $0x1AC80, s0;
	v36 =	vperm.xlane v18, v7;
	v19 =	vadd.s32 v4, v22  }
0x479: {  	[tilespmem:s31], [sflag:$0x3] =	stream.indirect_vreg.gather [hbm4b:s9+s3], $0x80, v20, vm0, $0xb8;
	v63 =	vld [tilespmem:$0x0]  }
0x47a: {  	s11 =	sadd.s32 $0x1AD00, s0;
	v38 =	vperm.xlane v18, v8;
	v37 =	vadd.s32 v4, v36  }
0x47b: {  	[tilespmem:s11], [sflag:$0x3] =	stream.indirect_vreg.gather [hbm4b:s9+s3], $0x80, v21, vm0, $0xb8;
	v63 =	vld [tilespmem:$0x0]  }
0x47c: {  	s29 =	sadd.s32 $0x1AD80, s0;
	v40 =	vperm.xlane v18, v9;
	v39 =	vadd.s32 v4, v38  }
0x47d: {  	[tilespmem:s29], [sflag:$0x3] =	stream.indirect_vreg.gather [hbm4b:s9+s3], $0x80, v19, vm0, $0xb8;
	v63 =	vld [tilespmem:$0x0]  }
0x47e: {  	s30 =	sadd.s32 $0x1AE00, s0;
	v41 =	vperm.xlane v18, v1;
	v19 =	vadd.s32 v4, v40  }
0x47f: {  	[tilespmem:s30], [sflag:$0x3] =	stream.indirect_vreg.gather [hbm4b:s9+s3], $0x80, v37, vm0, $0xb8;
	v63 =	vld [tilespmem:$0x0]  }
0x480: {  	v43 =	vperm.xlane v18, v10;
	v42 =	vadd.s32 v4, v41;
	s31 =	sadd.s32 $0x1AE80, s0  }
0x481: {  	[tilespmem:s31], [sflag:$0x3] =	stream.indirect_vreg.gather [hbm4b:s9+s3], $0x80, v39, vm0, $0xb8;
	v63 =	vld [tilespmem:$0x0]  }
0x482: {  	v45 =	vperm.xlane v18, v11;
	v44 =	vadd.s32 v4, v43;
	s11 =	sadd.s32 $0x1AF00, s0  }
0x483: {  	[tilespmem:s11], [sflag:$0x3] =	stream.indirect_vreg.gather [hbm4b:s9+s3], $0x80, v19, vm0, $0xb8;
	v63 =	vld [tilespmem:$0x0]  }
0x484: {  	v46 =	vperm.xlane v18, v12;
	s29 =	sadd.s32 $0x1AF80, s0;
	v19 =	vadd.s32 v4, v45  }
0x485: {  	[tilespmem:s29], [sflag:$0x3] =	stream.indirect_vreg.gather [hbm4b:s9+s3], $0x80, v42, vm0, $0xb8;
	v63 =	vld [tilespmem:$0x0]  }
0x486: {  	v48 =	vperm.xlane v18, v13;
	v47 =	vadd.s32 v4, v46;
	s30 =	sadd.s32 $0x1B000, s0  }
0x487: {  	[tilespmem:s30], [sflag:$0x3] =	stream.indirect_vreg.gather [hbm4b:s9+s3], $0x80, v44, vm0, $0xb8;
	v63 =	vld [tilespmem:$0x0]  }
0x488: {  	v50 =	vperm.xlane v18, v14;
	v49 =	vadd.s32 v4, v48;
	s31 =	sadd.s32 $0x1B080, s0  }
0x489: {  	[tilespmem:s31], [sflag:$0x3] =	stream.indirect_vreg.gather [hbm4b:s9+s3], $0x80, v19, vm0, $0xb8;
	v63 =	vld [tilespmem:$0x0]  }
0x48a: {  	v51 =	vperm.xlane v18, v15;
	s11 =	sadd.s32 $0x1B100, s0;
	v19 =	vadd.s32 v4, v50  }
0x48b: {  	[tilespmem:s11], [sflag:$0x3] =	stream.indirect_vreg.gather [hbm4b:s9+s3], $0x80, v47, vm0, $0xb8;
	v63 =	vld [tilespmem:$0x0]  }
0x48c: {  	v53 =	vperm.xlane v18, v16;
	v52 =	vadd.s32 v4, v51;
	s29 =	sadd.s32 $0x1B180, s0  }
0x48d: {  	[tilespmem:s29], [sflag:$0x3] =	stream.indirect_vreg.gather [hbm4b:s9+s3], $0x80, v49, vm0, $0xb8;
	v63 =	vld [tilespmem:$0x0]  }
0x48e: {  	v18 =	vperm.xlane v18, v17;
	v54 =	vadd.s32 v4, v53;
	s30 =	sadd.s32 $0x1B200, s0  }
0x48f: {  	[tilespmem:s30], [sflag:$0x3] =	stream.indirect_vreg.gather [hbm4b:s9+s3], $0x80, v19, vm0, $0xb8;
	v63 =	vld [tilespmem:$0x0]  }
0x490: {  	v18 =	vadd.s32 v4, v18;
	s31 =	sadd.s32 $0x1B280, s0  }
0x491: {  	[tilespmem:s31], [sflag:$0x3] =	stream.indirect_vreg.gather [hbm4b:s9+s3], $0x80, v52, vm0, $0xb8;
	v63 =	vld [tilespmem:$0x0]  }
0x492: {  	s11 =	sadd.s32 $0x1B300, s0  }
0x493: {  	[tilespmem:s11], [sflag:$0x3] =	stream.indirect_vreg.gather [hbm4b:s9+s3], $0x80, v54, vm0, $0xb8;
	v63 =	vld [tilespmem:$0x0]  }
0x494: {  	s29 =	sadd.s32 $0x1B380, s0  }
0x495: {  	[tilespmem:s29], [sflag:$0x3] =	stream.indirect_vreg.gather [hbm4b:s9+s3], $0x80, v18, vm0, $0xb8;
	v63 =	vld [tilespmem:$0x0]  }
0x496: {  	v18 =	vld.msk [tilespmem:s2+$0x13C10], $0xff;
	_ =	sdelay $0x4  }
0x497: {  	v19 =	vshll.u32 v18, $0x1  }
0x498: {  	v18 =	vand.u32 $0x7, v18;
	v19 =	vand.u32 $0xFFFFFFF0, v19  }
0x499: {  	v18 =	vor.u32 v18, v19  }
0x49a: {  	v19 =	vperm.xlane v18, v3;
	_ =	sdelay $0x1  }
0x49b: {  	v55 =	vperm.xlane v18, v2;
	v19 =	vadd.s32 v4, v19;
	_ =	sdelay $0x1  }
0x49c: {  	v56 =	vperm.xlane v18, v5;
	v20 =	vadd.s32 v4, v55;
	_ =	sdelay $0x1  }
0x49d: {  	s30 =	sadd.s32 $0x1B400, s0;
	v57 =	vperm.xlane v18, v6;
	v21 =	vadd.s32 v4, v56  }
0x49e: {  	[tilespmem:s30], [sflag:$0x3] =	stream.indirect_vreg.gather [hbm4b:s9+s3], $0x80, v19, vm0, $0xb8;
	v63 =	vld [tilespmem:$0x0]  }
0x49f: {  	s31 =	sadd.s32 $0x1B480, s0;
	v58 =	vperm.xlane v18, v7;
	v19 =	vadd.s32 v4, v57  }
0x4a0: {  	[tilespmem:s31], [sflag:$0x3] =	stream.indirect_vreg.gather [hbm4b:s9+s3], $0x80, v20, vm0, $0xb8;
	v63 =	vld [tilespmem:$0x0]  }
0x4a1: {  	s10 =	sadd.s32 $0x1B500, s0;
	v60 =	vperm.xlane v18, v8;
	v59 =	vadd.s32 v4, v58  }
0x4a2: {  	[tilespmem:s10], [sflag:$0x3] =	stream.indirect_vreg.gather [hbm4b:s9+s3], $0x80, v21, vm0, $0xb8;
	v63 =	vld [tilespmem:$0x0]  }
0x4a3: {  	s11 =	sadd.s32 $0x1B580, s0;
	v62 =	vperm.xlane v18, v9;
	v61 =	vadd.s32 v4, v60  }
0x4a4: {  	[tilespmem:s11], [sflag:$0x3] =	stream.indirect_vreg.gather [hbm4b:s9+s3], $0x80, v19, vm0, $0xb8;
	v63 =	vld [tilespmem:$0x0]  }
0x4a5: {  	s29 =	sadd.s32 $0x1B600, s0;
	v18 =	vperm.xlane v18, v1;
	v19 =	vadd.s32 v4, v62  }
0x4a6: {  	[tilespmem:s29], [sflag:$0x3] =	stream.indirect_vreg.gather [hbm4b:s9+s3], $0x80, v59, vm0, $0xb8;
	v63 =	vld [tilespmem:$0x0]  }
0x4a7: {  	v18 =	vadd.s32 v4, v18;
	s30 =	sadd.s32 $0x1B680, s0  }
0x4a8: {  	[tilespmem:s30], [sflag:$0x3] =	stream.indirect_vreg.gather [hbm4b:s9+s3], $0x80, v61, vm0, $0xb8;
	v63 =	vld [tilespmem:$0x0]  }
0x4a9: {  	s31 =	sadd.s32 $0x1B700, s0  }
0x4aa: {  	[tilespmem:s31], [sflag:$0x3] =	stream.indirect_vreg.gather [hbm4b:s9+s3], $0x80, v19, vm0, $0xb8;
	v63 =	vld [tilespmem:$0x0]  }
0x4ab: {  	s0 =	sadd.s32 $0x1B780, s0  }
0x4ac: {  	[tilespmem:s0], [sflag:$0x3] =	stream.indirect_vreg.gather [hbm4b:s9+s3], $0x80, v18, vm0, $0xb8;
	v63 =	vld [tilespmem:$0x0]  }
.LBB2_49:
0x4ad: {  	s28 =	sadd.s32 $0x1, s28  }
0x4ae: {  	p0 =	sne.s32 s28, $0x69  }
.Ltmp27:
0x4af: {  	_ = 	snop;
	(pc) =	sbr.rel @!p0 .LBB2_50-.Ltmp27, $2  }
0x4b0: {  	_ =	sdelay $0x2  }
0x4b1: {  	s26 =	sadd.s32 $0x200, s26  }
.LBB2_36:
0x4b2: {  	s0 =	smul.u32 $0x25, s28;
	_ =	sdelay $0x1  }
0x4b3: {  	s0 =	sshrl.u32 s0, $0x8  }
0x4b4: {  	s2 =	ssub.s32 s28, s0  }
0x4b5: {  	s29 =	smul.u32 $0xAB, s28;
	s2 =	sand.u32 $0xFE, s2  }
0x4b6: {  	s2 =	sshrl.u32 s2, $0x1  }
0x4b7: {  	s0 =	sadd.s32 s0, s2;
	s2 =	sshrl.u32 s29, $0x9  }
0x4b8: {  	s0 =	sand.u32 $0xFC, s0;
	s2 =	sand.u32 $0x7F, s2  }
0x4b9: {  	s0 =	sshrl.u32 s0, $0x2;
	s2 =	smul.u32 $0x3, s2  }
0x4ba: {  	s0 =	smul.u32 $0x7, s0;
	_ =	sdelay $0x1  }
0x4bb: {  	s30 =	ssub.s32 s28, s2;
	s0 =	ssub.s32 s28, s0  }
0x4bc: {  	s10 =	sand.u32 $0xFF, s0;
	s0 =	sand.u32 $0xFF, s30  }
0x4bd: {  	p0 =	seq.s32 s0, $0x0  }
.Ltmp28:
0x4be: {  	_ = 	snop;
	(pc) =	sbr.rel @p0 .LBB2_38-.Ltmp28, $3  }
0x4bf: {  	_ = 	snop  }
0x4c0: {  	s31 =	smul.u32 $0x3000, s10;
	_ =	sdelay $0x1  }
0x4c1: {  	s2 =	sshrl.u32 s31, $0x2  }
0x4c2: {  	p1 =	seq.s32 s0, $0x1;
	s10 =	simm.s32 $0x2  }
.Ltmp29:
0x4c3: {  	s10 =	simm.s32 @!p1 $0x3;
	(pc) =	sbr.rel .LBB2_40-.Ltmp29, $4  }
0x4c4: {  	_ =	swait.ge [sflag:s10], $0xC00  }
0x4c5: {  	s29 =	sshra.s32 s26, $0x2;
	s2 =	sadd.s32 $0x1AC00, s2;
	[sflag:s10] =	ssyncset.done $0x0  }
0x4c6: {  	p0 =	sne.s32 s0, $0x1;
	s29 =	sadd.s32 $0x17100, s29;
	[sflag:s10] =	ssyncadd.s32 $0xFFFFF400  }
0x4c7: {  	[spmem:s1] =	stream.indirect.scatter.add.f32 [tilespmem:s2], [sflag:$0x4], $0x80, s29, s22, $0xb8;
	v63 =	vld [tilespmem:$0x0]  }
.LBB2_38:
0x4c8: {  	p0 =	seq.s32 s28, $0x0  }
.Ltmp30:
0x4c9: {  	_ = 	snop;
	(pc) =	sbr.rel @p0 .LBB2_58-.Ltmp30, $4  }
0x4ca: {  	_ =	swait.ge [sflag:s21], $0xC00  }
0x4cb: {  	s10 =	sshra.s32 s26, $0x2;
	s2 =	sadd.s32 $0x1AC00, s2;
	[sflag:s21] =	ssyncset.done $0x0  }
0x4cc: {  	p1 =	por $0x0, $0x0;
	s10 =	sadd.s32 $0x17100, s10;
	[sflag:s21] =	ssyncadd.s32 $0xFFFFF400  }
0x4cd: {  	[spmem:s1] =	stream.indirect.scatter.add.f32 [tilespmem:s2], [sflag:$0x4], $0x80, s10, s22, $0xb8;
	v63 =	vld [tilespmem:$0x0]  }
0x4ce: {  	p0 =	por $0x0, $0x0  }
.LBB2_40:
0x4cf: {  	p2 =	sgt.u32 s28, $0x62  }
.Ltmp31:
0x4d0: {  	_ = 	snop;
	(pc) =	sbr.rel @p2 .LBB2_49-.Ltmp31, $4  }
0x4d1: {  	_ = 	snop  }
0x4d2: {  	_ =	swait.ge [sflag:s14], $0xC00  }
0x4d3: {  	[sflag:s14] =	ssyncset.done $0x0  }
0x4d4: {  	[sflag:s14] =	ssyncadd.s32 $0xFFFFF400  }
0x4d5: {  	s31 =	sadd.s32 $0x6, s28  }
0x4d6: {  	s2 =	smul.u32 $0x25, s31;
	_ =	sdelay $0x1  }
0x4d7: {  	s2 =	sshrl.u32 s2, $0x8  }
0x4d8: {  	s10 =	ssub.s32 s31, s2  }
0x4d9: {  	s10 =	sand.u32 $0xFE, s10  }
0x4da: {  	s10 =	sshrl.u32 s10, $0x1  }
0x4db: {  	s2 =	sadd.s32 s2, s10  }
0x4dc: {  	p2 =	sne.s32 s0, $0x0;
	s2 =	sand.u32 $0xFC, s2  }
.Ltmp32:
0x4dd: {  	s2 =	sshrl.u32 s2, $0x2;
	(pc) =	sbr.rel @!p2 .LBB2_42-.Ltmp32, $3  }
0x4de: {  	s2 =	smul.u32 $0x7, s2;
	_ =	sdelay $0x1  }
0x4df: {  	s30 =	ssub.s32 s31, s2  }
0x4e0: {  	s0 =	sand.u32 $0xFF, s30  }
.Ltmp33:
0x4e1: {  	(pc) =	sbr.rel @!p1 .LBB2_43-.Ltmp33, $1  }
0x4e2: {  	_ =	sdelay $0x3  }
.Ltmp34:
0x4e3: {  	(pc) =	sbr.rel .LBB2_47-.Ltmp34, $2  }
0x4e4: {  	_ =	sdelay $0x2  }
0x4e5: {  	s29 =	smul.u32 $0x3000, s0;
	s30 =	smov.u32 s26  }
.LBB2_58:
0x4e6: {  	s0 =	simm.s32 $0x6;
	s31 =	simm.s32 $0x6;
	p0 =	por $0x0, $0x0  }
.LBB2_42:
0x4e7: {  	s30 =	sshll.u32 s31, $0x9  }
0x4e8: {  	s2 =	sshrl.u32 s30, $0x2  }
0x4e9: {  	v18 =	vld [tilespmem:s2+$0x13C00];
	_ =	sdelay $0x4  }
0x4ea: {  	v19 =	vshll.u32 v18, $0x1  }
0x4eb: {  	v18 =	vand.u32 $0x7, v18;
	v19 =	vand.u32 $0xFFFFFFF0, v19  }
0x4ec: {  	v18 =	vor.u32 v18, v19  }
0x4ed: {  	v19 =	vperm.xlane v18, v3;
	_ =	sdelay $0x1  }
0x4ee: {  	v20 =	vperm.xlane v18, v2;
	v19 =	vadd.s32 v4, v19  }
0x4ef: {  	s29 =	smul.u32 $0x3000, s0  }
0x4f0: {  	v21 =	vperm.xlane v18, v5;
	v20 =	vadd.s32 v4, v20  }
0x4f1: {  	s10 =	sshrl.u32 s29, $0x2  }
0x4f2: {  	s11 =	sadd.s32 $0x1AC00, s10;
	v22 =	vperm.xlane v18, v6;
	v21 =	vadd.s32 v4, v21  }
0x4f3: {  	[tilespmem:s11], [sflag:$0x1] =	stream.indirect_vreg.gather [hbm4b:s9+s3], $0x80, v19, vm0, $0xb8;
	v63 =	vld [tilespmem:$0x0]  }
0x4f4: {  	v36 =	vperm.xlane v18, v7;
	s11 =	sadd.s32 $0x1AC80, s10;
	v19 =	vadd.s32 v4, v22  }
0x4f5: {  	[tilespmem:s11], [sflag:$0x1] =	stream.indirect_vreg.gather [hbm4b:s9+s3], $0x80, v20, vm0, $0xb8;
	v63 =	vld [tilespmem:$0x0]  }
0x4f6: {  	v38 =	vperm.xlane v18, v8;
	v37 =	vadd.s32 v4, v36;
	s11 =	sadd.s32 $0x1AD00, s10  }
0x4f7: {  	[tilespmem:s11], [sflag:$0x1] =	stream.indirect_vreg.gather [hbm4b:s9+s3], $0x80, v21, vm0, $0xb8;
	v63 =	vld [tilespmem:$0x0]  }
0x4f8: {  	v40 =	vperm.xlane v18, v9;
	v39 =	vadd.s32 v4, v38;
	s11 =	sadd.s32 $0x1AD80, s10  }
0x4f9: {  	[tilespmem:s11], [sflag:$0x1] =	stream.indirect_vreg.gather [hbm4b:s9+s3], $0x80, v19, vm0, $0xb8;
	v63 =	vld [tilespmem:$0x0]  }
0x4fa: {  	v41 =	vperm.xlane v18, v1;
	s11 =	sadd.s32 $0x1AE00, s10;
	v19 =	vadd.s32 v4, v40  }
0x4fb: {  	[tilespmem:s11], [sflag:$0x1] =	stream.indirect_vreg.gather [hbm4b:s9+s3], $0x80, v37, vm0, $0xb8;
	v63 =	vld [tilespmem:$0x0]  }
0x4fc: {  	v43 =	vperm.xlane v18, v10;
	v42 =	vadd.s32 v4, v41;
	s11 =	sadd.s32 $0x1AE80, s10  }
0x4fd: {  	[tilespmem:s11], [sflag:$0x1] =	stream.indirect_vreg.gather [hbm4b:s9+s3], $0x80, v39, vm0, $0xb8;
	v63 =	vld [tilespmem:$0x0]  }
0x4fe: {  	v45 =	vperm.xlane v18, v11;
	v44 =	vadd.s32 v4, v43;
	s11 =	sadd.s32 $0x1AF00, s10  }
0x4ff: {  	[tilespmem:s11], [sflag:$0x1] =	stream.indirect_vreg.gather [hbm4b:s9+s3], $0x80, v19, vm0, $0xb8;
	v63 =	vld [tilespmem:$0x0]  }
0x500: {  	v46 =	vperm.xlane v18, v12;
	s11 =	sadd.s32 $0x1AF80, s10;
	v19 =	vadd.s32 v4, v45  }
0x501: {  	[tilespmem:s11], [sflag:$0x1] =	stream.indirect_vreg.gather [hbm4b:s9+s3], $0x80, v42, vm0, $0xb8;
	v63 =	vld [tilespmem:$0x0]  }
0x502: {  	v48 =	vperm.xlane v18, v13;
	v47 =	vadd.s32 v4, v46;
	s11 =	sadd.s32 $0x1B000, s10  }
0x503: {  	[tilespmem:s11], [sflag:$0x1] =	stream.indirect_vreg.gather [hbm4b:s9+s3], $0x80, v44, vm0, $0xb8;
	v63 =	vld [tilespmem:$0x0]  }
0x504: {  	v50 =	vperm.xlane v18, v14;
	v49 =	vadd.s32 v4, v48;
	s11 =	sadd.s32 $0x1B080, s10  }
0x505: {  	[tilespmem:s11], [sflag:$0x1] =	stream.indirect_vreg.gather [hbm4b:s9+s3], $0x80, v19, vm0, $0xb8;
	v63 =	vld [tilespmem:$0x0]  }
0x506: {  	v51 =	vperm.xlane v18, v15;
	s11 =	sadd.s32 $0x1B100, s10;
	v19 =	vadd.s32 v4, v50  }
0x507: {  	[tilespmem:s11], [sflag:$0x1] =	stream.indirect_vreg.gather [hbm4b:s9+s3], $0x80, v47, vm0, $0xb8;
	v63 =	vld [tilespmem:$0x0]  }
0x508: {  	v53 =	vperm.xlane v18, v16;
	v52 =	vadd.s32 v4, v51;
	s11 =	sadd.s32 $0x1B180, s10  }
0x509: {  	[tilespmem:s11], [sflag:$0x1] =	stream.indirect_vreg.gather [hbm4b:s9+s3], $0x80, v49, vm0, $0xb8;
	v63 =	vld [tilespmem:$0x0]  }
0x50a: {  	v18 =	vperm.xlane v18, v17;
	v54 =	vadd.s32 v4, v53;
	s11 =	sadd.s32 $0x1B200, s10  }
0x50b: {  	[tilespmem:s11], [sflag:$0x1] =	stream.indirect_vreg.gather [hbm4b:s9+s3], $0x80, v19, vm0, $0xb8;
	v63 =	vld [tilespmem:$0x0]  }
0x50c: {  	v18 =	vadd.s32 v4, v18;
	s11 =	sadd.s32 $0x1B280, s10  }
0x50d: {  	[tilespmem:s11], [sflag:$0x1] =	stream.indirect_vreg.gather [hbm4b:s9+s3], $0x80, v52, vm0, $0xb8;
	v63 =	vld [tilespmem:$0x0]  }
0x50e: {  	s11 =	sadd.s32 $0x1B300, s10  }
0x50f: {  	[tilespmem:s11], [sflag:$0x1] =	stream.indirect_vreg.gather [hbm4b:s9+s3], $0x80, v54, vm0, $0xb8;
	v63 =	vld [tilespmem:$0x0]  }
0x510: {  	s11 =	sadd.s32 $0x1B380, s10  }
0x511: {  	[tilespmem:s11], [sflag:$0x1] =	stream.indirect_vreg.gather [hbm4b:s9+s3], $0x80, v18, vm0, $0xb8;
	v63 =	vld [tilespmem:$0x0]  }
0x512: {  	v18 =	vld.msk [tilespmem:s2+$0x13C10], $0xff;
	_ =	sdelay $0x4  }
0x513: {  	v19 =	vshll.u32 v18, $0x1  }
0x514: {  	v18 =	vand.u32 $0x7, v18;
	v19 =	vand.u32 $0xFFFFFFF0, v19  }
0x515: {  	v18 =	vor.u32 v18, v19  }
0x516: {  	v19 =	vperm.xlane v18, v3;
	_ =	sdelay $0x1  }
0x517: {  	v55 =	vperm.xlane v18, v2;
	v19 =	vadd.s32 v4, v19;
	_ =	sdelay $0x1  }
0x518: {  	v56 =	vperm.xlane v18, v5;
	v20 =	vadd.s32 v4, v55;
	_ =	sdelay $0x1  }
0x519: {  	s11 =	sadd.s32 $0x1B400, s10;
	v57 =	vperm.xlane v18, v6;
	v21 =	vadd.s32 v4, v56  }
0x51a: {  	[tilespmem:s11], [sflag:$0x1] =	stream.indirect_vreg.gather [hbm4b:s9+s3], $0x80, v19, vm0, $0xb8;
	v63 =	vld [tilespmem:$0x0]  }
0x51b: {  	v58 =	vperm.xlane v18, v7;
	s11 =	sadd.s32 $0x1B480, s10;
	v19 =	vadd.s32 v4, v57  }
0x51c: {  	[tilespmem:s11], [sflag:$0x1] =	stream.indirect_vreg.gather [hbm4b:s9+s3], $0x80, v20, vm0, $0xb8;
	v63 =	vld [tilespmem:$0x0]  }
0x51d: {  	v60 =	vperm.xlane v18, v8;
	v59 =	vadd.s32 v4, v58;
	s11 =	sadd.s32 $0x1B500, s10  }
0x51e: {  	[tilespmem:s11], [sflag:$0x1] =	stream.indirect_vreg.gather [hbm4b:s9+s3], $0x80, v21, vm0, $0xb8;
	v63 =	vld [tilespmem:$0x0]  }
0x51f: {  	v61 =	vadd.s32 v4, v60;
	s11 =	sadd.s32 $0x1B580, s10  }
0x520: {  	v62 =	vperm.xlane v18, v9;
	[tilespmem:s11], [sflag:$0x1] =	stream.indirect_vreg.gather [hbm4b:s9+s3], $0x80, v19, vm0, $0xb8;
	v63 =	vld [tilespmem:$0x0]  }
0x521: {  	s11 =	sadd.s32 $0x1B600, s10  }
0x522: {  	v18 =	vperm.xlane v18, v1;
	v19 =	vadd.s32 v4, v62;
	[tilespmem:s11], [sflag:$0x1] =	stream.indirect_vreg.gather [hbm4b:s9+s3], $0x80, v59, vm0, $0xb8;
	v63 =	vld [tilespmem:$0x0]  }
0x523: {  	s11 =	sadd.s32 $0x1B680, s10  }
0x524: {  	v18 =	vadd.s32 v4, v18;
	[tilespmem:s11], [sflag:$0x1] =	stream.indirect_vreg.gather [hbm4b:s9+s3], $0x80, v61, vm0, $0xb8;
	v63 =	vld [tilespmem:$0x0]  }
.Ltmp35:
0x525: {  	_ = 	snop;
	(pc) =	sbr.rel @!p1 .LBB2_43-.Ltmp35, $4  }
0x526: {  	s11 =	sadd.s32 $0x1B700, s10  }
0x527: {  	[tilespmem:s11], [sflag:$0x1] =	stream.indirect_vreg.gather [hbm4b:s9+s3], $0x80, v19, vm0, $0xb8;
	v63 =	vld [tilespmem:$0x0]  }
0x528: {  	s11 =	sadd.s32 $0x1B780, s10  }
0x529: {  	[tilespmem:s11], [sflag:$0x1] =	stream.indirect_vreg.gather [hbm4b:s9+s3], $0x80, v18, vm0, $0xb8;
	v63 =	vld [tilespmem:$0x0]  }
.LBB2_47:
0x52a: {  	s2 =	sshra.s32 s30, $0x2  }
0x52b: {  	v18 =	vld [tilespmem:s2+$0x13C00];
	_ =	sdelay $0x4  }
0x52c: {  	v19 =	vshll.u32 v18, $0x1  }
0x52d: {  	v18 =	vand.u32 $0x7, v18;
	v19 =	vand.u32 $0xFFFFFFF0, v19  }
0x52e: {  	v18 =	vor.u32 v18, v19  }
0x52f: {  	v19 =	vperm.xlane v18, v3;
	_ =	sdelay $0x1  }
0x530: {  	v20 =	vperm.xlane v18, v2;
	v19 =	vadd.s32 v4, v19;
	_ =	sdelay $0x1  }
0x531: {  	v21 =	vperm.xlane v18, v5;
	v20 =	vadd.s32 v4, v20  }
0x532: {  	s0 =	sshrl.u32 s29, $0x2  }
0x533: {  	s10 =	sadd.s32 $0x1AC00, s0;
	v22 =	vperm.xlane v18, v6;
	v21 =	vadd.s32 v4, v21  }
0x534: {  	[tilespmem:s10], [sflag:$0x2] =	stream.indirect_vreg.gather [hbm4b:s9+s3], $0x80, v19, vm0, $0xb8;
	v63 =	vld [tilespmem:$0x0]  }
0x535: {  	s11 =	sadd.s32 $0x1AC80, s0;
	v36 =	vperm.xlane v18, v7;
	v19 =	vadd.s32 v4, v22  }
0x536: {  	[tilespmem:s11], [sflag:$0x2] =	stream.indirect_vreg.gather [hbm4b:s9+s3], $0x80, v20, vm0, $0xb8;
	v63 =	vld [tilespmem:$0x0]  }
0x537: {  	s31 =	sadd.s32 $0x1AD00, s0;
	v38 =	vperm.xlane v18, v8;
	v37 =	vadd.s32 v4, v36  }
0x538: {  	[tilespmem:s31], [sflag:$0x2] =	stream.indirect_vreg.gather [hbm4b:s9+s3], $0x80, v21, vm0, $0xb8;
	v63 =	vld [tilespmem:$0x0]  }
0x539: {  	v40 =	vperm.xlane v18, v9;
	v39 =	vadd.s32 v4, v38;
	s11 =	sadd.s32 $0x1AD80, s0  }
0x53a: {  	[tilespmem:s11], [sflag:$0x2] =	stream.indirect_vreg.gather [hbm4b:s9+s3], $0x80, v19, vm0, $0xb8;
	v63 =	vld [tilespmem:$0x0]  }
0x53b: {  	v41 =	vperm.xlane v18, v1;
	s31 =	sadd.s32 $0x1AE00, s0;
	v19 =	vadd.s32 v4, v40  }
0x53c: {  	[tilespmem:s31], [sflag:$0x2] =	stream.indirect_vreg.gather [hbm4b:s9+s3], $0x80, v37, vm0, $0xb8;
	v63 =	vld [tilespmem:$0x0]  }
0x53d: {  	v43 =	vperm.xlane v18, v10;
	v42 =	vadd.s32 v4, v41;
	s11 =	sadd.s32 $0x1AE80, s0  }
0x53e: {  	[tilespmem:s11], [sflag:$0x2] =	stream.indirect_vreg.gather [hbm4b:s9+s3], $0x80, v39, vm0, $0xb8;
	v63 =	vld [tilespmem:$0x0]  }
0x53f: {  	v45 =	vperm.xlane v18, v11;
	v44 =	vadd.s32 v4, v43;
	s31 =	sadd.s32 $0x1AF00, s0  }
0x540: {  	[tilespmem:s31], [sflag:$0x2] =	stream.indirect_vreg.gather [hbm4b:s9+s3], $0x80, v19, vm0, $0xb8;
	v63 =	vld [tilespmem:$0x0]  }
0x541: {  	v46 =	vperm.xlane v18, v12;
	s11 =	sadd.s32 $0x1AF80, s0;
	v19 =	vadd.s32 v4, v45  }
0x542: {  	[tilespmem:s11], [sflag:$0x2] =	stream.indirect_vreg.gather [hbm4b:s9+s3], $0x80, v42, vm0, $0xb8;
	v63 =	vld [tilespmem:$0x0]  }
0x543: {  	v48 =	vperm.xlane v18, v13;
	v47 =	vadd.s32 v4, v46;
	s31 =	sadd.s32 $0x1B000, s0  }
0x544: {  	[tilespmem:s31], [sflag:$0x2] =	stream.indirect_vreg.gather [hbm4b:s9+s3], $0x80, v44, vm0, $0xb8;
	v63 =	vld [tilespmem:$0x0]  }
0x545: {  	v50 =	vperm.xlane v18, v14;
	v49 =	vadd.s32 v4, v48;
	s11 =	sadd.s32 $0x1B080, s0  }
0x546: {  	[tilespmem:s11], [sflag:$0x2] =	stream.indirect_vreg.gather [hbm4b:s9+s3], $0x80, v19, vm0, $0xb8;
	v63 =	vld [tilespmem:$0x0]  }
0x547: {  	v51 =	vperm.xlane v18, v15;
	s31 =	sadd.s32 $0x1B100, s0;
	v19 =	vadd.s32 v4, v50  }
0x548: {  	[tilespmem:s31], [sflag:$0x2] =	stream.indirect_vreg.gather [hbm4b:s9+s3], $0x80, v47, vm0, $0xb8;
	v63 =	vld [tilespmem:$0x0]  }
0x549: {  	v53 =	vperm.xlane v18, v16;
	v52 =	vadd.s32 v4, v51;
	s11 =	sadd.s32 $0x1B180, s0  }
0x54a: {  	[tilespmem:s11], [sflag:$0x2] =	stream.indirect_vreg.gather [hbm4b:s9+s3], $0x80, v49, vm0, $0xb8;
	v63 =	vld [tilespmem:$0x0]  }
0x54b: {  	v18 =	vperm.xlane v18, v17;
	v54 =	vadd.s32 v4, v53;
	s31 =	sadd.s32 $0x1B200, s0  }
0x54c: {  	[tilespmem:s31], [sflag:$0x2] =	stream.indirect_vreg.gather [hbm4b:s9+s3], $0x80, v19, vm0, $0xb8;
	v63 =	vld [tilespmem:$0x0]  }
0x54d: {  	v18 =	vadd.s32 v4, v18;
	s11 =	sadd.s32 $0x1B280, s0  }
0x54e: {  	[tilespmem:s11], [sflag:$0x2] =	stream.indirect_vreg.gather [hbm4b:s9+s3], $0x80, v52, vm0, $0xb8;
	v63 =	vld [tilespmem:$0x0]  }
0x54f: {  	s31 =	sadd.s32 $0x1B300, s0  }
0x550: {  	[tilespmem:s31], [sflag:$0x2] =	stream.indirect_vreg.gather [hbm4b:s9+s3], $0x80, v54, vm0, $0xb8;
	v63 =	vld [tilespmem:$0x0]  }
0x551: {  	s11 =	sadd.s32 $0x1B380, s0  }
0x552: {  	[tilespmem:s11], [sflag:$0x2] =	stream.indirect_vreg.gather [hbm4b:s9+s3], $0x80, v18, vm0, $0xb8;
	v63 =	vld [tilespmem:$0x0]  }
0x553: {  	v18 =	vld.msk [tilespmem:s2+$0x13C10], $0xff;
	_ =	sdelay $0x4  }
0x554: {  	v19 =	vshll.u32 v18, $0x1  }
0x555: {  	v18 =	vand.u32 $0x7, v18;
	v19 =	vand.u32 $0xFFFFFFF0, v19  }
0x556: {  	v18 =	vor.u32 v18, v19  }
0x557: {  	v19 =	vperm.xlane v18, v3;
	_ =	sdelay $0x1  }
0x558: {  	v55 =	vperm.xlane v18, v2;
	v19 =	vadd.s32 v4, v19;
	_ =	sdelay $0x1  }
0x559: {  	v56 =	vperm.xlane v18, v5;
	v20 =	vadd.s32 v4, v55;
	_ =	sdelay $0x1  }
0x55a: {  	s31 =	sadd.s32 $0x1B400, s0;
	v57 =	vperm.xlane v18, v6;
	v21 =	vadd.s32 v4, v56  }
0x55b: {  	[tilespmem:s31], [sflag:$0x2] =	stream.indirect_vreg.gather [hbm4b:s9+s3], $0x80, v19, vm0, $0xb8;
	v63 =	vld [tilespmem:$0x0]  }
0x55c: {  	s10 =	sadd.s32 $0x1B480, s0;
	v58 =	vperm.xlane v18, v7;
	v19 =	vadd.s32 v4, v57  }
0x55d: {  	[tilespmem:s10], [sflag:$0x2] =	stream.indirect_vreg.gather [hbm4b:s9+s3], $0x80, v20, vm0, $0xb8;
	v63 =	vld [tilespmem:$0x0]  }
0x55e: {  	s11 =	sadd.s32 $0x1B500, s0;
	v60 =	vperm.xlane v18, v8;
	v59 =	vadd.s32 v4, v58  }
0x55f: {  	[tilespmem:s11], [sflag:$0x2] =	stream.indirect_vreg.gather [hbm4b:s9+s3], $0x80, v21, vm0, $0xb8;
	v63 =	vld [tilespmem:$0x0]  }
0x560: {  	v61 =	vadd.s32 v4, v60;
	s31 =	sadd.s32 $0x1B580, s0  }
0x561: {  	v62 =	vperm.xlane v18, v9;
	[tilespmem:s31], [sflag:$0x2] =	stream.indirect_vreg.gather [hbm4b:s9+s3], $0x80, v19, vm0, $0xb8;
	v63 =	vld [tilespmem:$0x0]  }
0x562: {  	s10 =	sadd.s32 $0x1B600, s0  }
0x563: {  	v18 =	vperm.xlane v18, v1;
	v19 =	vadd.s32 v4, v62;
	[tilespmem:s10], [sflag:$0x2] =	stream.indirect_vreg.gather [hbm4b:s9+s3], $0x80, v59, vm0, $0xb8;
	v63 =	vld [tilespmem:$0x0]  }
0x564: {  	s11 =	sadd.s32 $0x1B680, s0  }
0x565: {  	v18 =	vadd.s32 v4, v18;
	[tilespmem:s11], [sflag:$0x2] =	stream.indirect_vreg.gather [hbm4b:s9+s3], $0x80, v61, vm0, $0xb8;
	v63 =	vld [tilespmem:$0x0]  }
.Ltmp36:
0x566: {  	_ = 	snop;
	(pc) =	sbr.rel @!p0 .LBB2_49-.Ltmp36, $4  }
.Ltmp37:
0x567: {  	s31 =	sadd.s32 $0x1B700, s0;
	(pc) =	sbr.rel @p0 .LBB2_48-.Ltmp37, $4  }
0x568: {  	[tilespmem:s31], [sflag:$0x2] =	stream.indirect_vreg.gather [hbm4b:s9+s3], $0x80, v19, vm0, $0xb8;
	v63 =	vld [tilespmem:$0x0]  }
0x569: {  	s0 =	sadd.s32 $0x1B780, s0  }
0x56a: {  	[tilespmem:s0], [sflag:$0x2] =	stream.indirect_vreg.gather [hbm4b:s9+s3], $0x80, v18, vm0, $0xb8;
	v63 =	vld [tilespmem:$0x0]  }
0x56b: {  	_ = 	snop  }
.LBB2_43:
.Ltmp38:
0x56c: {  	(pc) =	sbr.rel @!p0 .LBB2_49-.Ltmp38, $1  }
0x56d: {  	_ =	sdelay $0x3  }
.Ltmp39:
0x56e: {  	(pc) =	sbr.rel .LBB2_48-.Ltmp39, $2  }
0x56f: {  	_ =	sdelay $0x2  }
0x570: {  	s30 =	sshll.u32 s31, $0x9;
	s29 =	smul.u32 $0x3000, s0  }
.LBB2_51:
0x571: {  	[bflag:$0x0] =	sbarrier.arrive $0xFFFF  }
0x572: {  	s0 =	simm.s32 $0x0;
	s2 =	smov.u32 s6;
	s24 =	rddreg [dreg:$0x7]  }
.LBB2_52:
0x573: {  	p0 =	sne.s32 s0, $0x2700  }
.Ltmp40:
0x574: {  	_ = 	snop;
	(pc) =	sbr.rel @p0 .LBB2_52-.Ltmp40, $4  }
0x575: {  	_ = 	snop  }
0x576: {  	s10 =	sadd.s32 s0, s24  }
0x577: {  	s11 =	sshrl.u32 s2, $0x3;
	s2 =	sadd.s32 $0x400, s2;
	s0 =	sadd.s32 $0x80, s0  }
0x578: {  	[hbm:s10], [sflag:s23] =	dma.local [spmem:s11], $0x80  }
0x579: {  	_ =	swait.ge [sflag:s14], $0x80  }
0x57a: {  	s0 =	simm.s32 $0x4E;
	s2 =	stileid.u32;
	[sflag:s14] =	ssyncset.done $0x0  }
.LBB2_54:
0x57b: {  	p0 =	sne.s32 s0, $0x1;
	s0 =	sadd.s32 $0xFFFFFFFF, s0;
	[sflag:s14] =	ssyncadd.s32 $0xFFFFFF80  }
.Ltmp41:
0x57c: {  	(pc) =	sbr.rel @p0 .LBB2_54-.Ltmp41, $3  }
0x57d: {  	_ =	sdelay $0x1  }
0x57e: {  	_ =	swait.ge [sflag:s14], $0x80  }
0x57f: {  	[sflag:s14] =	ssyncset.done $0x0  }
0x580: {  	s10 =	rddreg [dreg:$0x8]  }
0x581: {  	s0 =	rddreg [dreg:$0x5];
	s10 =	sadd.s32 $0x1, s10  }
0x582: {  	p0 =	sne.s32 s10, s0  }
.Ltmp42:
0x583: {  	_ = 	snop;
	(pc) =	sbr.rel @p0 .LBB2_1-.Ltmp42, $2  }
0x584: {  	_ =	sdelay $0x2  }
0x585: {  	[sflag:s14] =	ssyncadd.s32 $0xFFFFFF80  }
0x586: {  	_ =	sfence.sel $0x180000  }
0x587: {  	[bflag:$0x0] =	sbarrier.arrive $0xFFFF  }
0x588: {  	_ =	strace $0x90000047  }
0x589: {  	[bflag:$0x2] =	sbarrier.arrive $0xFFFF  }
0x58a: {  	p0 =	sne.s32 s2, $0x0;
	s0 =	rddreg [dreg:$0x4]  }
0x58b: {  	s0 =	sadd.s32 @!p0 $0x100000, s0  }
0x58c: {  	[sflag:s0] =	ssyncadd.tile.s32 @!p0 $0x1;
	_ =	shalt  }
.Lfunc_end2:
_tile_overlayer_lowered:
.L_overlay_start_2:
0x58d: {  	(tag) =	ssettag $0x2  }
0x58e: {  	s0 =	rddreg [dreg:$0x0];
	s2 =	stileid.u32  }
0x58f: {  	s1 =	rddreg [dreg:$0x1];
	p0 =	sne.s32 s2, $0x0  }
0x590: {  	s3 =	rddreg [dreg:$0x2];
	[bflag:$0x3] =	sbarrier.arrive $0xFFFF;
	s2 =	simm.s32 @!p0 $0x1C05  }
0x591: {  	[timem:s3], [sflag:s2] =	dma.local @!p0 [hbm:s0], s1  }
0x592: {  	s0 =	simm.s32 @!p0 $0x5  }
0x593: {  	_ =	swait.ge @!p0 [sflag:s0], s1  }
0x594: {  	s1 =	ssub.s32 @!p0 $0x0, s1;
	[sflag:s0] =	ssyncset.done @!p0 $0x0  }
0x595: {  	[sflag:s0] =	ssyncadd.s32 @!p0 s1  }
0x596: {  	[bflag:$0x3] =	sbarrier.arrive $0xFFFF  }
0x597: {  	_ =	shalt  }

</sc_bundles>
